<compile_context>
chip_gen: v7x
topology: tpu7x:2x2x1
jax: 0.10.2.dev20260603
libtpu: 0.0.44.dev20260713+nightly
codegen_flags: <defaults>
</compile_context>

<pallas_src>
import functools

import jax
import jax.numpy as jnp
from jax import lax
from jax.experimental import pallas as pl
from jax.experimental.pallas import tpu as pltpu
from jax.experimental.pallas import tpu_sc as plsc

N = 100000
D = 128
S = 1024
NW = 32
B = 224
NBLK = 14
NSLOT = 4
CHUNKS = ((0, 128), (128, 96))


def _sc_body(node_hbm, ids_hbm, w_hbm, b_hbm, outp_hbm, wout_hbm,
             rows_a, rows_b, rows_c, rows_d,
             ids_a0, ids_a1, ids_b0, ids_b1, ids_c0, ids_c1,
             ids_d0, ids_d1, wbuf_a, wbuf_b, wbuf_c, wbuf_d,
             ptmp, wcoef_v, bpad_v, acc,
             in_a, in_b, in_c, in_d, sc_a, sc_b, sc_c, sc_d,
             wo_a, wo_b, wo_c, wo_d):
    c = lax.axis_index("c")
    s = lax.axis_index("s")
    w = s * 2 + c
    t_rows = 3120 + 8 * jnp.where(w < 20, 1, 0)
    gbase = 3120 * w + 8 * jnp.minimum(w, 20)

    slots = [
        dict(rows=rows_a, ids=[ids_a0, ids_a1], wbuf=wbuf_a,
             in_sem=in_a, sc_sem=sc_a, wo_sem=wo_a),
        dict(rows=rows_b, ids=[ids_b0, ids_b1], wbuf=wbuf_b,
             in_sem=in_b, sc_sem=sc_b, wo_sem=wo_b),
        dict(rows=rows_c, ids=[ids_c0, ids_c1], wbuf=wbuf_c,
             in_sem=in_c, sc_sem=sc_c, wo_sem=wo_c),
        dict(rows=rows_d, ids=[ids_d0, ids_d1], wbuf=wbuf_d,
             in_sem=in_d, sc_sem=sc_d, wo_sem=wo_d),
    ]

    pltpu.sync_copy(w_hbm, wcoef_v)
    pltpu.sync_copy(b_hbm, bpad_v)
    wregs = [wcoef_v[pl.ds(16 * j, 16)] for j in range(8)]
    bscal = bpad_v[pl.ds(0, 16)][0]
    zvec = jnp.zeros((16,), jnp.float32)
    iota16 = lax.iota(jnp.int32, 16)
    perm_dnums = lax.GatherDimensionNumbers(
        offset_dims=(), collapsed_slice_dims=(0,), start_index_map=(0,))
    pidx = [jnp.bitwise_xor(iota16, k)[:, None] for k in (8, 4, 2, 1)]

    def vsum(a):
        for ix in pidx:
            a = a + lax.gather(a, ix, perm_dnums, (1,),
                               mode=lax.GatherScatterMode.PROMISE_IN_BOUNDS)
        return a

    def start_local(i):
        return jnp.minimum(i * B, t_rows - B)

    def in_copies(i, sl):
        g0 = gbase + start_local(i)
        cps = [pltpu.make_async_copy(node_hbm.at[pl.ds(g0, B)],
                                     sl["rows"], sl["in_sem"])]
        for (off, ln), idref in zip(CHUNKS, sl["ids"]):
            cps.append(pltpu.make_async_copy(ids_hbm.at[pl.ds(g0 + off, ln)],
                                             idref, sl["in_sem"]))
        return cps

    def sc_copies(sl):
        return [
            pltpu.make_async_copy(sl["rows"].at[pl.ds(off, ln)],
                                  acc.at[idref], sl["sc_sem"])
            for (off, ln), idref in zip(CHUNKS, sl["ids"])
        ]

    def wo_copy(i, sl):
        g0 = gbase + start_local(i)
        return pltpu.make_async_copy(sl["wbuf"],
                                     wout_hbm.at[pl.ds(g0, B)],
                                     sl["wo_sem"])

    for cp in in_copies(0, slots[0]) + in_copies(1, slots[1]):
        cp.start()

    def _zero_row(r, _):
        for j in range(8):
            rows_d[r, pl.ds(16 * j, 16)] = zvec
        return 0
    lax.fori_loop(0, 64, _zero_row, 0)
    pltpu.sync_copy(rows_d.at[pl.ds(0, 64)], acc.at[pl.ds(64 * s, 64)])
    plsc.subcore_barrier()

    def block_impl(i, k):
        sl = slots[k]
        rows = sl["rows"]
        for cp in in_copies(i, sl):
            cp.wait()

        @pl.when(i >= NSLOT)
        def _():
            wo_copy(i - NSLOT, sl).wait()

        s_loc = start_local(i)
        valid_from = i * B

        @plsc.parallel_loop(0, B, unroll=1)
        def rowbody(r):
            x = [rows[r, pl.ds(16 * j, 16)] for j in range(8)]
            a = x[0] * wregs[0]
            for j in range(1, 8):
                a = a + x[j] * wregs[j]
            sv = vsum(a)
            wv = 1.0 / (1.0 + jnp.exp(-(sv + bscal)))
            ptmp[pl.ds(r * 16, 16)] = wv
            wmb = jnp.where(s_loc + r >= valid_from, wv, zvec)
            for j in range(8):
                rows[r, pl.ds(16 * j, 16)] = x[j] * wmb

        def wpass(g, _):
            wd = plsc.load_gather(ptmp, [g * 256 + 17 * iota16])
            sl["wbuf"][pl.ds(g * 16, 16)] = wd
            return 0
        lax.fori_loop(0, B // 16, wpass, 0)
        wo_copy(i, sl).start()
        for cp in sc_copies(sl):
            cp.start(add=True)

        @pl.when(i + 2 < NBLK)
        def _():
            nsl = slots[(k + 2) % NSLOT]

            @pl.when(i >= 2)
            def _():
                for cp in sc_copies(nsl):
                    cp.wait()
            for cp in in_copies(i + 2, nsl):
                cp.start()

    def body(i, _):
        for k in range(NSLOT):
            @pl.when(i % NSLOT == k)
            def _(i=i, k=k):
                block_impl(i, k)
        return 0

    lax.fori_loop(0, NBLK, body, 0)

    for i in range(NBLK - NSLOT, NBLK):
        sl = slots[i % NSLOT]
        for cp in sc_copies(sl):
            cp.wait()
        wo_copy(i, sl).wait()

    plsc.subcore_barrier()
    pltpu.sync_copy(acc.at[pl.ds(64 * s, 64)],
                    outp_hbm.at[c, pl.ds(64 * s, 64)])


def _combine_body(p_ref, o_ref):
    o_ref[...] = p_ref[0] + p_ref[1]


@jax.jit
def _run(node_feats, ids32, w_flat, b_pad):
    mesh = plsc.VectorSubcoreMesh(
        core_axis_name="c", subcore_axis_name="s", num_cores=2)
    fn = functools.partial(
        pl.kernel,
        out_type=[
            jax.ShapeDtypeStruct((2, S, D), jnp.float32),
            jax.ShapeDtypeStruct((N,), jnp.float32),
        ],
        mesh=mesh,
        compiler_params=pltpu.CompilerParams(needs_layout_passes=False),
        scratch_types=(
            [pltpu.VMEM((B, D), jnp.float32)] * 4
            + [pltpu.VMEM((128,), jnp.int32),
               pltpu.VMEM((96,), jnp.int32)] * 4
            + [pltpu.VMEM((B,), jnp.float32)] * 4
            + [
                pltpu.VMEM((B * 16,), jnp.float32),
                pltpu.VMEM((D,), jnp.float32),
                pltpu.VMEM((16,), jnp.float32),
                pltpu.VMEM_SHARED((S, D), jnp.float32),
            ]
            + [pltpu.SemaphoreType.DMA] * 12
        ),
    )(_sc_body)
    partials, weights = fn(node_feats, ids32, w_flat, b_pad)
    h_g_sum = pl.pallas_call(
        _combine_body,
        out_shape=jax.ShapeDtypeStruct((S, D), jnp.float32),
    )(partials)
    return h_g_sum, weights


def kernel(node_feats, segment_ids, W, b):
    ids32 = segment_ids.astype(jnp.int32)
    w_flat = W.reshape(D)
    b_pad = jnp.pad(b.astype(jnp.float32), (0, 15))
    h_g_sum, weights = _run(node_feats, ids32, w_flat, b_pad)
    return h_g_sum, weights.reshape(N, 1)

# --- scband reference (transcript-rebuilt; emitter-appended) ---
"""Pipeline reference for scband-node-weight-and-sum-68745246539864 (READ-ONLY COPY).

The authoritative reference and input builder live on the scoring server;
editing this copy changes nothing except your own understanding.
"""

import jax, jax.numpy as jnp
import numpy as np

N = 100000
D = 128
NUM_SEGMENTS = 1024

def setup_inputs(seed: int = 0) -> dict:
    key = jax.random.key(seed)
    k1, k2, k3, k4 = jax.random.split(key, 4)
    node_feats = jax.random.normal(k1, (N, D), dtype=jnp.float32)
    segment_ids = jnp.sort(jax.random.randint(k2, (N,), 0, NUM_SEGMENTS, dtype=jnp.int64))
    # atom_weighting = Linear(in_feats, 1) followed by Sigmoid
    bound = 1.0 / np.sqrt(D)
    W = jax.random.uniform(k3, (D, 1), dtype=jnp.float32, minval=-bound, maxval=bound)
    b = jax.random.uniform(k4, (1,), dtype=jnp.float32, minval=-bound, maxval=bound)
    return {"node_feats": node_feats, "segment_ids": segment_ids, "W": W, "b": b}

def reference(node_feats, segment_ids, W, b):
    # weights = sigmoid(Linear(node_feats))  -> [N, 1]
    weights = jax.nn.sigmoid(node_feats @ W + b)
    # dgl.sum_nodes(g, 'n_f', 'w'): per-graph sum of node_feats * weights
    weighted = node_feats * weights  # broadcast [N, D]
    h_g_sum = jax.ops.segment_sum(weighted, segment_ids, num_segments=NUM_SEGMENTS)
    return (h_g_sum, weights)

if __name__ == "__main__":
    import jax
    _d = setup_inputs()
    print(jax.jit(kernel)(*tuple(_d.values())))

</pallas_src>

<mosaic_0001>
#map = affine_map<(d0, d1) -> (0, 0)>
#map1 = affine_map<(d0, d1) -> (0)>
#map2 = affine_map<(d0, d1) -> (0, 0, 0)>
module attributes {stable_mosaic.version = 14 : i64} {
  func.func @_sc_body(%arg0: i32, %arg1: i32, %arg2: memref<100000x128xf32, #tpu.memory_space<hbm>>, %arg3: memref<100000xi32, #tpu.memory_space<hbm>>, %arg4: memref<128xf32, #tpu.memory_space<hbm>>, %arg5: memref<16xf32, #tpu.memory_space<hbm>>, %arg6: memref<2x1024x128xf32, #tpu.memory_space<hbm>>, %arg7: memref<100000xf32, #tpu.memory_space<hbm>>, %arg8: memref<224x128xf32, #tpu.memory_space<vmem>>, %arg9: memref<224x128xf32, #tpu.memory_space<vmem>>, %arg10: memref<224x128xf32, #tpu.memory_space<vmem>>, %arg11: memref<224x128xf32, #tpu.memory_space<vmem>>, %arg12: memref<128xi32, #tpu.memory_space<vmem>>, %arg13: memref<96xi32, #tpu.memory_space<vmem>>, %arg14: memref<128xi32, #tpu.memory_space<vmem>>, %arg15: memref<96xi32, #tpu.memory_space<vmem>>, %arg16: memref<128xi32, #tpu.memory_space<vmem>>, %arg17: memref<96xi32, #tpu.memory_space<vmem>>, %arg18: memref<128xi32, #tpu.memory_space<vmem>>, %arg19: memref<96xi32, #tpu.memory_space<vmem>>, %arg20: memref<224xf32, #tpu.memory_space<vmem>>, %arg21: memref<224xf32, #tpu.memory_space<vmem>>, %arg22: memref<224xf32, #tpu.memory_space<vmem>>, %arg23: memref<224xf32, #tpu.memory_space<vmem>>, %arg24: memref<3584xf32, #tpu.memory_space<vmem>>, %arg25: memref<128xf32, #tpu.memory_space<vmem>>, %arg26: memref<16xf32, #tpu.memory_space<vmem>>, %arg27: memref<1024x128xf32, #tpu.memory_space<vmem_shared>>, %arg28: memref<!tpu.dma_semaphore, #tpu.memory_space<semaphore_mem>>, %arg29: memref<!tpu.dma_semaphore, #tpu.memory_space<semaphore_mem>>, %arg30: memref<!tpu.dma_semaphore, #tpu.memory_space<semaphore_mem>>, %arg31: memref<!tpu.dma_semaphore, #tpu.memory_space<semaphore_mem>>, %arg32: memref<!tpu.dma_semaphore, #tpu.memory_space<semaphore_mem>>, %arg33: memref<!tpu.dma_semaphore, #tpu.memory_space<semaphore_mem>>, %arg34: memref<!tpu.dma_semaphore, #tpu.memory_space<semaphore_mem>>, %arg35: memref<!tpu.dma_semaphore, #tpu.memory_space<semaphore_mem>>, %arg36: memref<!tpu.dma_semaphore, #tpu.memory_space<semaphore_mem>>, %arg37: memref<!tpu.dma_semaphore, #tpu.memory_space<semaphore_mem>>, %arg38: memref<!tpu.dma_semaphore, #tpu.memory_space<semaphore_mem>>, %arg39: memref<!tpu.dma_semaphore, #tpu.memory_space<semaphore_mem>>) attributes {dimension_semantics = [#tpu.dimension_semantics<core_parallel>, #tpu.dimension_semantics<subcore_parallel>], iteration_bounds = array<i64: 2, 16>, scalar_prefetch = 0 : i64, scratch_operands = 32 : i64, tpu.core_type = #tpu.core_type<sc_vector_subcore>, window_params = [{transform_indices = #map}, {transform_indices = #map1}, {transform_indices = #map1}, {transform_indices = #map1}, {transform_indices = #map2}, {transform_indices = #map1}]} {
    %mul3A = arith.constant 2 : i32
    %mul3A_0 = arith.muli %arg1, %mul3A : i32
    %add3A = arith.addi %mul3A_0, %arg0 : i32
    %lt3A = arith.constant 20 : i32
    %lt3A_1 = arith.cmpi slt, %add3A, %lt3A : i32
    %jit3A = arith.constant 1 : i32
    %jit3A_2 = arith.constant 0 : i32
    %select_n3A = arith.select %lt3A_1, %jit3A, %jit3A_2 : i32
    %mul3A_3 = arith.constant 8 : i32
    %mul3A_4 = arith.muli %mul3A_3, %select_n3A : i32
    %add3A_5 = arith.constant 3120 : i32
    %add3A_6 = arith.addi %add3A_5, %mul3A_4 : i32
    %mul3A_7 = arith.constant 3120 : i32
    %mul3A_8 = arith.muli %mul3A_7, %add3A : i32
    %min3A = arith.constant 20 : i32
    %min3A_9 = arith.minsi %add3A, %min3A : i32
    %mul3A_10 = arith.constant 8 : i32
    %mul3A_11 = arith.muli %mul3A_10, %min3A_9 : i32
    %add3A_12 = arith.addi %mul3A_8, %mul3A_11 : i32
    "tpu.region"() ({
      %run_scoped3A = tpu.sem_alloc : memref<!tpu.dma_semaphore, #tpu.memory_space<semaphore_mem>>
      tpu.enqueue_dma source(%arg4 : memref<128xf32, #tpu.memory_space<hbm>>) target(%arg25 : memref<128xf32, #tpu.memory_space<vmem>>) target_semaphore(%run_scoped3A : memref<!tpu.dma_semaphore, #tpu.memory_space<semaphore_mem>>)
      tpu.wait_dma2 semaphore(%run_scoped3A : memref<!tpu.dma_semaphore, #tpu.memory_space<semaphore_mem>>) src(%arg4 : memref<128xf32, #tpu.memory_space<hbm>>) dst(%arg25 : memref<128xf32, #tpu.memory_space<vmem>>)
      tpu.yield
    }) : () -> ()
    "tpu.region"() ({
      %run_scoped3A = tpu.sem_alloc : memref<!tpu.dma_semaphore, #tpu.memory_space<semaphore_mem>>
      tpu.enqueue_dma source(%arg5 : memref<16xf32, #tpu.memory_space<hbm>>) target(%arg26 : memref<16xf32, #tpu.memory_space<vmem>>) target_semaphore(%run_scoped3A : memref<!tpu.dma_semaphore, #tpu.memory_space<semaphore_mem>>)
      tpu.wait_dma2 semaphore(%run_scoped3A : memref<!tpu.dma_semaphore, #tpu.memory_space<semaphore_mem>>) src(%arg5 : memref<16xf32, #tpu.memory_space<hbm>>) dst(%arg26 : memref<16xf32, #tpu.memory_space<vmem>>)
      tpu.yield
    }) : () -> ()
    %get3A = arith.constant 0 : index
    %get3A_13 = tpu.vector_load %arg25[%get3A] {strides = array<i32>} : memref<128xf32, #tpu.memory_space<vmem>>, vector<16xf32>,
    %get3A_14 = arith.constant 16 : index
    %get3A_15 = tpu.vector_load %arg25[%get3A_14] {strides = array<i32>} : memref<128xf32, #tpu.memory_space<vmem>>, vector<16xf32>,
    %get3A_16 = arith.constant 32 : index
    %get3A_17 = tpu.vector_load %arg25[%get3A_16] {strides = array<i32>} : memref<128xf32, #tpu.memory_space<vmem>>, vector<16xf32>,
    %get3A_18 = arith.constant 48 : index
    %get3A_19 = tpu.vector_load %arg25[%get3A_18] {strides = array<i32>} : memref<128xf32, #tpu.memory_space<vmem>>, vector<16xf32>,
    %get3A_20 = arith.constant 64 : index
    %get3A_21 = tpu.vector_load %arg25[%get3A_20] {strides = array<i32>} : memref<128xf32, #tpu.memory_space<vmem>>, vector<16xf32>,
    %get3A_22 = arith.constant 80 : index
    %get3A_23 = tpu.vector_load %arg25[%get3A_22] {strides = array<i32>} : memref<128xf32, #tpu.memory_space<vmem>>, vector<16xf32>,
    %get3A_24 = arith.constant 96 : index
    %get3A_25 = tpu.vector_load %arg25[%get3A_24] {strides = array<i32>} : memref<128xf32, #tpu.memory_space<vmem>>, vector<16xf32>,
    %get3A_26 = arith.constant 112 : index
    %get3A_27 = tpu.vector_load %arg25[%get3A_26] {strides = array<i32>} : memref<128xf32, #tpu.memory_space<vmem>>, vector<16xf32>,
    %get3A_28 = arith.constant 0 : index
    %get3A_29 = tpu.vector_load %arg26[%get3A_28] {strides = array<i32>} : memref<16xf32, #tpu.memory_space<vmem>>, vector<16xf32>,
    %slice3A = vector.extract_strided_slice %get3A_29 {offsets = [0], sizes = [1], strides = [1]} : vector<16xf32> to vector<1xf32>
    %squeeze3A = vector.extract %slice3A[0] : f32 from vector<1xf32>
    %broadcast_in_dim3A = arith.constant 0.000000e+00 : f32
    %broadcast_in_dim3A_30 = vector.broadcast %broadcast_in_dim3A : f32 to vector<16xf32>
    %iota3A = tpu.iota {dimensions = array<i32: 0>} : vector<16xi32>
    %xor3A = arith.constant 8 : i32
    %xor3A_31 = vector.broadcast %xor3A : i32 to vector<16xi32>
    %xor3A_32 = arith.xori %iota3A, %xor3A_31 : vector<16xi32>
    %broadcast_in_dim3A_33 = vector.shape_cast %xor3A_32 : vector<16xi32> to vector<16x1xi32>
    %xor3A_34 = arith.constant 4 : i32
    %xor3A_35 = vector.broadcast %xor3A_34 : i32 to vector<16xi32>
    %xor3A_36 = arith.xori %iota3A, %xor3A_35 : vector<16xi32>
    %broadcast_in_dim3A_37 = vector.shape_cast %xor3A_36 : vector<16xi32> to vector<16x1xi32>
    %xor3A_38 = arith.constant 2 : i32
    %xor3A_39 = vector.broadcast %xor3A_38 : i32 to vector<16xi32>
    %xor3A_40 = arith.xori %iota3A, %xor3A_39 : vector<16xi32>
    %broadcast_in_dim3A_41 = vector.shape_cast %xor3A_40 : vector<16xi32> to vector<16x1xi32>
    %xor3A_42 = arith.constant 1 : i32
    %xor3A_43 = vector.broadcast %xor3A_42 : i32 to vector<16xi32>
    %xor3A_44 = arith.xori %iota3A, %xor3A_43 : vector<16xi32>
    %broadcast_in_dim3A_45 = vector.shape_cast %xor3A_44 : vector<16xi32> to vector<16x1xi32>
    %sub3A = arith.constant 224 : i32
    %sub3A_46 = arith.subi %add3A_6, %sub3A : i32
    %min3A_47 = arith.constant 0 : i32
    %min3A_48 = arith.minsi %min3A_47, %sub3A_46 : i32
    %add3A_49 = arith.addi %add3A_12, %min3A_48 : i32
    %add3A_50 = arith.constant 0 : i32
    %add3A_51 = arith.addi %add3A_49, %add3A_50 : i32
    %add3A_52 = arith.constant 128 : i32
    %add3A_53 = arith.addi %add3A_49, %add3A_52 : i32
    %sub3A_54 = arith.constant 224 : i32
    %sub3A_55 = arith.subi %add3A_6, %sub3A_54 : i32
    %min3A_56 = arith.constant 224 : i32
    %min3A_57 = arith.minsi %min3A_56, %sub3A_55 : i32
    %add3A_58 = arith.addi %add3A_12, %min3A_57 : i32
    %add3A_59 = arith.constant 0 : i32
    %add3A_60 = arith.addi %add3A_58, %add3A_59 : i32
    %add3A_61 = arith.constant 128 : i32
    %add3A_62 = arith.addi %add3A_58, %add3A_61 : i32
    %dma_start3A = arith.constant 0 : i32
    %dma_start3A_63 = tpu.memref_slice %arg2[%add3A_49, %dma_start3A] : memref<100000x128xf32, #tpu.memory_space<hbm>> -> memref<224x128xf32, #tpu.memory_space<hbm>>
    %dma_start3A_64 = arith.constant 0 : i32
    %dma_start3A_65 = tpu.memref_slice %arg2[%add3A_49, %dma_start3A_64] : memref<100000x128xf32, #tpu.memory_space<hbm>> -> memref<224x128xf32, #tpu.memory_space<hbm>>
    tpu.enqueue_dma source(%dma_start3A_65 : memref<224x128xf32, #tpu.memory_space<hbm>>) target(%arg8 : memref<224x128xf32, #tpu.memory_space<vmem>>) target_semaphore(%arg28 : memref<!tpu.dma_semaphore, #tpu.memory_space<semaphore_mem>>)
    %dma_start3A_66 = tpu.memref_slice %arg3[%add3A_51] : memref<100000xi32, #tpu.memory_space<hbm>> -> memref<128xi32, #tpu.memory_space<hbm>>
    %dma_start3A_67 = tpu.memref_slice %arg3[%add3A_51] : memref<100000xi32, #tpu.memory_space<hbm>> -> memref<128xi32, #tpu.memory_space<hbm>>
    tpu.enqueue_dma source(%dma_start3A_67 : memref<128xi32, #tpu.memory_space<hbm>>) target(%arg12 : memref<128xi32, #tpu.memory_space<vmem>>) target_semaphore(%arg28 : memref<!tpu.dma_semaphore, #tpu.memory_space<semaphore_mem>>)
    %dma_start3A_68 = tpu.memref_slice %arg3[%add3A_53] : memref<100000xi32, #tpu.memory_space<hbm>> -> memref<96xi32, #tpu.memory_space<hbm>>
    %dma_start3A_69 = tpu.memref_slice %arg3[%add3A_53] : memref<100000xi32, #tpu.memory_space<hbm>> -> memref<96xi32, #tpu.memory_space<hbm>>
    tpu.enqueue_dma source(%dma_start3A_69 : memref<96xi32, #tpu.memory_space<hbm>>) target(%arg13 : memref<96xi32, #tpu.memory_space<vmem>>) target_semaphore(%arg28 : memref<!tpu.dma_semaphore, #tpu.memory_space<semaphore_mem>>)
    %dma_start3A_70 = arith.constant 0 : i32
    %dma_start3A_71 = tpu.memref_slice %arg2[%add3A_58, %dma_start3A_70] : memref<100000x128xf32, #tpu.memory_space<hbm>> -> memref<224x128xf32, #tpu.memory_space<hbm>>
    %dma_start3A_72 = arith.constant 0 : i32
    %dma_start3A_73 = tpu.memref_slice %arg2[%add3A_58, %dma_start3A_72] : memref<100000x128xf32, #tpu.memory_space<hbm>> -> memref<224x128xf32, #tpu.memory_space<hbm>>
    tpu.enqueue_dma source(%dma_start3A_73 : memref<224x128xf32, #tpu.memory_space<hbm>>) target(%arg9 : memref<224x128xf32, #tpu.memory_space<vmem>>) target_semaphore(%arg29 : memref<!tpu.dma_semaphore, #tpu.memory_space<semaphore_mem>>)
    %dma_start3A_74 = tpu.memref_slice %arg3[%add3A_60] : memref<100000xi32, #tpu.memory_space<hbm>> -> memref<128xi32, #tpu.memory_space<hbm>>
    %dma_start3A_75 = tpu.memref_slice %arg3[%add3A_60] : memref<100000xi32, #tpu.memory_space<hbm>> -> memref<128xi32, #tpu.memory_space<hbm>>
    tpu.enqueue_dma source(%dma_start3A_75 : memref<128xi32, #tpu.memory_space<hbm>>) target(%arg14 : memref<128xi32, #tpu.memory_space<vmem>>) target_semaphore(%arg29 : memref<!tpu.dma_semaphore, #tpu.memory_space<semaphore_mem>>)
    %dma_start3A_76 = tpu.memref_slice %arg3[%add3A_62] : memref<100000xi32, #tpu.memory_space<hbm>> -> memref<96xi32, #tpu.memory_space<hbm>>
    %dma_start3A_77 = tpu.memref_slice %arg3[%add3A_62] : memref<100000xi32, #tpu.memory_space<hbm>> -> memref<96xi32, #tpu.memory_space<hbm>>
    tpu.enqueue_dma source(%dma_start3A_77 : memref<96xi32, #tpu.memory_space<hbm>>) target(%arg15 : memref<96xi32, #tpu.memory_space<vmem>>) target_semaphore(%arg29 : memref<!tpu.dma_semaphore, #tpu.memory_space<semaphore_mem>>)
    %scan3A = arith.constant 0 : i32
    %scan3A_78 = arith.constant 0 : i32
    %scan3A_79 = arith.constant 64 : i32
    %scan3A_80 = arith.addi %scan3A_78, %scan3A_79 : i32
    %scan3A_81 = arith.constant 1 : i32
    %scan3A_82 = scf.for %scan3A_173 = %scan3A_78 to %scan3A_80 step %scan3A_81 iter_args(%scan3A_174 = %scan3A) -> (i32)  : i32 {
      %swap3A = arith.index_cast %scan3A_173 : i32 to index
      %swap3A_175 = arith.constant 0 : index
      %swap3A_176 = tpu.vector_load %arg11[%swap3A, %swap3A_175] {strides = array<i32>} : memref<224x128xf32, #tpu.memory_space<vmem>>, vector<16xf32>,
      tpu.vector_store %arg11[%swap3A, %swap3A_175], %broadcast_in_dim3A_30 {strides = array<i32>} : memref<224x128xf32, #tpu.memory_space<vmem>>, vector<16xf32>,
      %swap3A_177 = arith.index_cast %scan3A_173 : i32 to index
      %swap3A_178 = arith.constant 16 : index
      %swap3A_179 = tpu.vector_load %arg11[%swap3A_177, %swap3A_178] {strides = array<i32>} : memref<224x128xf32, #tpu.memory_space<vmem>>, vector<16xf32>,
      tpu.vector_store %arg11[%swap3A_177, %swap3A_178], %broadcast_in_dim3A_30 {strides = array<i32>} : memref<224x128xf32, #tpu.memory_space<vmem>>, vector<16xf32>,
      %swap3A_180 = arith.index_cast %scan3A_173 : i32 to index
      %swap3A_181 = arith.constant 32 : index
      %swap3A_182 = tpu.vector_load %arg11[%swap3A_180, %swap3A_181] {strides = array<i32>} : memref<224x128xf32, #tpu.memory_space<vmem>>, vector<16xf32>,
      tpu.vector_store %arg11[%swap3A_180, %swap3A_181], %broadcast_in_dim3A_30 {strides = array<i32>} : memref<224x128xf32, #tpu.memory_space<vmem>>, vector<16xf32>,
      %swap3A_183 = arith.index_cast %scan3A_173 : i32 to index
      %swap3A_184 = arith.constant 48 : index
      %swap3A_185 = tpu.vector_load %arg11[%swap3A_183, %swap3A_184] {strides = array<i32>} : memref<224x128xf32, #tpu.memory_space<vmem>>, vector<16xf32>,
      tpu.vector_store %arg11[%swap3A_183, %swap3A_184], %broadcast_in_dim3A_30 {strides = array<i32>} : memref<224x128xf32, #tpu.memory_space<vmem>>, vector<16xf32>,
      %swap3A_186 = arith.index_cast %scan3A_173 : i32 to index
      %swap3A_187 = arith.constant 64 : index
      %swap3A_188 = tpu.vector_load %arg11[%swap3A_186, %swap3A_187] {strides = array<i32>} : memref<224x128xf32, #tpu.memory_space<vmem>>, vector<16xf32>,
      tpu.vector_store %arg11[%swap3A_186, %swap3A_187], %broadcast_in_dim3A_30 {strides = array<i32>} : memref<224x128xf32, #tpu.memory_space<vmem>>, vector<16xf32>,
      %swap3A_189 = arith.index_cast %scan3A_173 : i32 to index
      %swap3A_190 = arith.constant 80 : index
      %swap3A_191 = tpu.vector_load %arg11[%swap3A_189, %swap3A_190] {strides = array<i32>} : memref<224x128xf32, #tpu.memory_space<vmem>>, vector<16xf32>,
      tpu.vector_store %arg11[%swap3A_189, %swap3A_190], %broadcast_in_dim3A_30 {strides = array<i32>} : memref<224x128xf32, #tpu.memory_space<vmem>>, vector<16xf32>,
      %swap3A_192 = arith.index_cast %scan3A_173 : i32 to index
      %swap3A_193 = arith.constant 96 : index
      %swap3A_194 = tpu.vector_load %arg11[%swap3A_192, %swap3A_193] {strides = array<i32>} : memref<224x128xf32, #tpu.memory_space<vmem>>, vector<16xf32>,
      tpu.vector_store %arg11[%swap3A_192, %swap3A_193], %broadcast_in_dim3A_30 {strides = array<i32>} : memref<224x128xf32, #tpu.memory_space<vmem>>, vector<16xf32>,
      %swap3A_195 = arith.index_cast %scan3A_173 : i32 to index
      %swap3A_196 = arith.constant 112 : index
      %swap3A_197 = tpu.vector_load %arg11[%swap3A_195, %swap3A_196] {strides = array<i32>} : memref<224x128xf32, #tpu.memory_space<vmem>>, vector<16xf32>,
      tpu.vector_store %arg11[%swap3A_195, %swap3A_196], %broadcast_in_dim3A_30 {strides = array<i32>} : memref<224x128xf32, #tpu.memory_space<vmem>>, vector<16xf32>,
      %scan3A_198 = arith.constant 0 : i32
      scf.yield %scan3A_198 : i32
    }
    %scan3A_83 = arith.constant 64 : i32
    %mul3A_84 = arith.constant 64 : i32
    %mul3A_85 = arith.muli %mul3A_84, %arg1 : i32
    "tpu.region"() ({
      %run_scoped3A = tpu.sem_alloc : memref<!tpu.dma_semaphore, #tpu.memory_space<semaphore_mem>>
      %dma_start3A_173 = arith.constant 0 : i32
      %dma_start3A_174 = arith.constant 0 : i32
      %dma_start3A_175 = tpu.memref_slice %arg11[%dma_start3A_173, %dma_start3A_174] : memref<224x128xf32, #tpu.memory_space<vmem>> -> memref<64x128xf32, #tpu.memory_space<vmem>>
      %dma_start3A_176 = arith.constant 0 : i32
      %dma_start3A_177 = tpu.memref_slice %arg27[%mul3A_85, %dma_start3A_176] : memref<1024x128xf32, #tpu.memory_space<vmem_shared>> -> memref<64x128xf32, #tpu.memory_space<vmem_shared>>
      %dma_start3A_178 = arith.constant 0 : i32
      %dma_start3A_179 = tpu.memref_slice %arg27[%mul3A_85, %dma_start3A_178] : memref<1024x128xf32, #tpu.memory_space<vmem_shared>> -> memref<64x128xf32, #tpu.memory_space<vmem_shared>>
      %dma_start3A_180 = arith.constant 0 : i32
      %dma_start3A_181 = arith.constant 0 : i32
      %dma_start3A_182 = tpu.memref_slice %arg11[%dma_start3A_180, %dma_start3A_181] : memref<224x128xf32, #tpu.memory_space<vmem>> -> memref<64x128xf32, #tpu.memory_space<vmem>>
      tpu.enqueue_dma source(%dma_start3A_182 : memref<64x128xf32, #tpu.memory_space<vmem>>) target(%dma_start3A_179 : memref<64x128xf32, #tpu.memory_space<vmem_shared>>) target_semaphore(%run_scoped3A : memref<!tpu.dma_semaphore, #tpu.memory_space<semaphore_mem>>)
      %dma_wait3A_183 = arith.constant 0 : i32
      %dma_wait3A_184 = arith.constant 0 : i32
      %dma_wait3A_185 = tpu.memref_slice %arg11[%dma_wait3A_183, %dma_wait3A_184] : memref<224x128xf32, #tpu.memory_space<vmem>> -> memref<64x128xf32, #tpu.memory_space<vmem>>
      %dma_wait3A_186 = arith.constant 0 : i32
      %dma_wait3A_187 = tpu.memref_slice %arg27[%mul3A_85, %dma_wait3A_186] : memref<1024x128xf32, #tpu.memory_space<vmem_shared>> -> memref<64x128xf32, #tpu.memory_space<vmem_shared>>
      %dma_wait3A_188 = arith.constant 0 : i32
      %dma_wait3A_189 = tpu.memref_slice %arg27[%mul3A_85, %dma_wait3A_188] : memref<1024x128xf32, #tpu.memory_space<vmem_shared>> -> memref<64x128xf32, #tpu.memory_space<vmem_shared>>
      %dma_wait3A_190 = arith.constant 0 : i32
      %dma_wait3A_191 = arith.constant 0 : i32
      %dma_wait3A_192 = tpu.memref_slice %arg11[%dma_wait3A_190, %dma_wait3A_191] : memref<224x128xf32, #tpu.memory_space<vmem>> -> memref<64x128xf32, #tpu.memory_space<vmem>>
      tpu.wait_dma2 semaphore(%run_scoped3A : memref<!tpu.dma_semaphore, #tpu.memory_space<semaphore_mem>>) src(%dma_wait3A_192 : memref<64x128xf32, #tpu.memory_space<vmem>>) dst(%dma_wait3A_189 : memref<64x128xf32, #tpu.memory_space<vmem_shared>>)
      tpu.yield
    }) : () -> ()
    %barrier3A = arith.constant 0 : index
    tpu.barrier barrier_id(%barrier3A)
    %scan3A_86 = arith.constant 0 : i32
    %scan3A_87 = arith.constant 0 : i32
    %scan3A_88 = arith.constant 14 : i32
    %scan3A_89 = arith.addi %scan3A_87, %scan3A_88 : i32
    %scan3A_90 = arith.constant 1 : i32
    %scan3A_91 = scf.for %scan3A_173 = %scan3A_87 to %scan3A_89 step %scan3A_90 iter_args(%scan3A_174 = %scan3A_86) -> (i32)  : i32 {
      %jit3A_175 = arith.constant 4 : i32
      %eq3A = arith.constant 0 : i32
      %eq3A_176 = arith.cmpi eq, %jit3A_175, %eq3A : i32
      %jit3A_177 = arith.constant 1 : i32
      %select_n3A_178 = arith.select %eq3A_176, %jit3A_177, %jit3A_175 : i32
      %rem3A = arith.remsi %scan3A_173, %select_n3A_178 : i32
      %ne3A = arith.constant 0 : i32
      %ne3A_179 = arith.cmpi ne, %rem3A, %ne3A : i32
      %lt3A_180 = arith.constant 0 : i32
      %lt3A_181 = arith.cmpi slt, %rem3A, %lt3A_180 : i32
      %lt3A_182 = arith.constant 0 : i32
      %lt3A_183 = arith.cmpi slt, %select_n3A_178, %lt3A_182 : i32
      %ne3A_184 = arith.xori %lt3A_181, %lt3A_183 : i1
      %and3A = arith.andi %ne3A_184, %ne3A_179 : i1
      %add3A_185 = arith.addi %rem3A, %select_n3A_178 : i32
      %select_n3A_186 = arith.select %and3A, %add3A_185, %rem3A : i32
      %eq3A_187 = arith.constant 0 : i32
      %eq3A_188 = arith.cmpi eq, %select_n3A_186, %eq3A_187 : i32
      %convert_element_type3A = arith.extui %eq3A_188 : i1 to i32
      %cond3A = arith.constant 0 : i32
      %cond3A_189 = arith.cmpi ne, %convert_element_type3A, %cond3A : i32
      scf.if %cond3A_189 {
        %mul3A_254 = arith.constant 224 : i32
        %mul3A_255 = arith.muli %scan3A_173, %mul3A_254 : i32
        %sub3A_256 = arith.constant 224 : i32
        %sub3A_257 = arith.subi %add3A_6, %sub3A_256 : i32
        %min3A_258 = arith.minsi %mul3A_255, %sub3A_257 : i32
        %add3A_259 = arith.addi %add3A_12, %min3A_258 : i32
        %add3A_260 = arith.constant 0 : i32
        %add3A_261 = arith.addi %add3A_259, %add3A_260 : i32
        %add3A_262 = arith.constant 128 : i32
        %add3A_263 = arith.addi %add3A_259, %add3A_262 : i32
        %dma_wait3A_264 = arith.constant 0 : i32
        %dma_wait3A_265 = tpu.memref_slice %arg2[%add3A_259, %dma_wait3A_264] : memref<100000x128xf32, #tpu.memory_space<hbm>> -> memref<224x128xf32, #tpu.memory_space<hbm>>
        %dma_wait3A_266 = arith.constant 0 : i32
        %dma_wait3A_267 = tpu.memref_slice %arg2[%add3A_259, %dma_wait3A_266] : memref<100000x128xf32, #tpu.memory_space<hbm>> -> memref<224x128xf32, #tpu.memory_space<hbm>>
        tpu.wait_dma2 semaphore(%arg28 : memref<!tpu.dma_semaphore, #tpu.memory_space<semaphore_mem>>) src(%dma_wait3A_267 : memref<224x128xf32, #tpu.memory_space<hbm>>) dst(%arg8 : memref<224x128xf32, #tpu.memory_space<vmem>>)
        %dma_wait3A_268 = tpu.memref_slice %arg3[%add3A_261] : memref<100000xi32, #tpu.memory_space<hbm>> -> memref<128xi32, #tpu.memory_space<hbm>>
        %dma_wait3A_269 = tpu.memref_slice %arg3[%add3A_261] : memref<100000xi32, #tpu.memory_space<hbm>> -> memref<128xi32, #tpu.memory_space<hbm>>
        tpu.wait_dma2 semaphore(%arg28 : memref<!tpu.dma_semaphore, #tpu.memory_space<semaphore_mem>>) src(%dma_wait3A_269 : memref<128xi32, #tpu.memory_space<hbm>>) dst(%arg12 : memref<128xi32, #tpu.memory_space<vmem>>)
        %dma_wait3A_270 = tpu.memref_slice %arg3[%add3A_263] : memref<100000xi32, #tpu.memory_space<hbm>> -> memref<96xi32, #tpu.memory_space<hbm>>
        %dma_wait3A_271 = tpu.memref_slice %arg3[%add3A_263] : memref<100000xi32, #tpu.memory_space<hbm>> -> memref<96xi32, #tpu.memory_space<hbm>>
        tpu.wait_dma2 semaphore(%arg28 : memref<!tpu.dma_semaphore, #tpu.memory_space<semaphore_mem>>) src(%dma_wait3A_271 : memref<96xi32, #tpu.memory_space<hbm>>) dst(%arg13 : memref<96xi32, #tpu.memory_space<vmem>>)
        %ge3A = arith.constant 4 : i32
        %ge3A_272 = arith.cmpi sge, %scan3A_173, %ge3A : i32
        %convert_element_type3A_273 = arith.extui %ge3A_272 : i1 to i32
        %cond3A_274 = arith.constant 0 : i32
        %cond3A_275 = arith.cmpi ne, %convert_element_type3A_273, %cond3A_274 : i32
        scf.if %cond3A_275 {
          %sub3A_319 = arith.constant 4 : i32
          %sub3A_320 = arith.subi %scan3A_173, %sub3A_319 : i32
          %mul3A_321 = arith.constant 224 : i32
          %mul3A_322 = arith.muli %sub3A_320, %mul3A_321 : i32
          %sub3A_323 = arith.constant 224 : i32
          %sub3A_324 = arith.subi %add3A_6, %sub3A_323 : i32
          %min3A_325 = arith.minsi %mul3A_322, %sub3A_324 : i32
          %add3A_326 = arith.addi %add3A_12, %min3A_325 : i32
          %dma_wait3A_327 = tpu.memref_slice %arg7[%add3A_326] : memref<100000xf32, #tpu.memory_space<hbm>> -> memref<224xf32, #tpu.memory_space<hbm>>
          %dma_wait3A_328 = tpu.memref_slice %arg7[%add3A_326] : memref<100000xf32, #tpu.memory_space<hbm>> -> memref<224xf32, #tpu.memory_space<hbm>>
          tpu.wait_dma2 semaphore(%arg36 : memref<!tpu.dma_semaphore, #tpu.memory_space<semaphore_mem>>) src(%arg20 : memref<224xf32, #tpu.memory_space<vmem>>) dst(%dma_wait3A_328 : memref<224xf32, #tpu.memory_space<hbm>>)
        } else {
        }
        %mul3A_276 = arith.constant 224 : i32
        %mul3A_277 = arith.muli %scan3A_173, %mul3A_276 : i32
        %sub3A_278 = arith.constant 224 : i32
        %sub3A_279 = arith.subi %add3A_6, %sub3A_278 : i32
        %min3A_280 = arith.minsi %mul3A_277, %sub3A_279 : i32
        %mul3A_281 = arith.constant 224 : i32
        %mul3A_282 = arith.muli %scan3A_173, %mul3A_281 : i32
        %parallel_loop3A = arith.constant 0 : i32
        %parallel_loop3A_283 = arith.constant 224 : i32
        %parallel_loop3A_284 = arith.constant 1 : i32
        scf.for %parallel_loop3A_319 = %parallel_loop3A to %parallel_loop3A_283 step %parallel_loop3A_284  : i32 {
          %parallel_loop3A_320 = arith.index_cast %parallel_loop3A_319 : i32 to index
          %parallel_loop3A_321 = arith.constant 0 : index
          %parallel_loop3A_322 = tpu.vector_load %arg8[%parallel_loop3A_320, %parallel_loop3A_321] {strides = array<i32>} : memref<224x128xf32, #tpu.memory_space<vmem>>, vector<16xf32>,
          %parallel_loop3A_323 = arith.index_cast %parallel_loop3A_319 : i32 to index
          %parallel_loop3A_324 = arith.constant 16 : index
          %parallel_loop3A_325 = tpu.vector_load %arg8[%parallel_loop3A_323, %parallel_loop3A_324] {strides = array<i32>} : memref<224x128xf32, #tpu.memory_space<vmem>>, vector<16xf32>,
          %parallel_loop3A_326 = arith.index_cast %parallel_loop3A_319 : i32 to index
          %parallel_loop3A_327 = arith.constant 32 : index
          %parallel_loop3A_328 = tpu.vector_load %arg8[%parallel_loop3A_326, %parallel_loop3A_327] {strides = array<i32>} : memref<224x128xf32, #tpu.memory_space<vmem>>, vector<16xf32>,
          %parallel_loop3A_329 = arith.index_cast %parallel_loop3A_319 : i32 to index
          %parallel_loop3A_330 = arith.constant 48 : index
          %parallel_loop3A_331 = tpu.vector_load %arg8[%parallel_loop3A_329, %parallel_loop3A_330] {strides = array<i32>} : memref<224x128xf32, #tpu.memory_space<vmem>>, vector<16xf32>,
          %parallel_loop3A_332 = arith.index_cast %parallel_loop3A_319 : i32 to index
          %parallel_loop3A_333 = arith.constant 64 : index
          %parallel_loop3A_334 = tpu.vector_load %arg8[%parallel_loop3A_332, %parallel_loop3A_333] {strides = array<i32>} : memref<224x128xf32, #tpu.memory_space<vmem>>, vector<16xf32>,
          %parallel_loop3A_335 = arith.index_cast %parallel_loop3A_319 : i32 to index
          %parallel_loop3A_336 = arith.constant 80 : index
          %parallel_loop3A_337 = tpu.vector_load %arg8[%parallel_loop3A_335, %parallel_loop3A_336] {strides = array<i32>} : memref<224x128xf32, #tpu.memory_space<vmem>>, vector<16xf32>,
          %parallel_loop3A_338 = arith.index_cast %parallel_loop3A_319 : i32 to index
          %parallel_loop3A_339 = arith.constant 96 : index
          %parallel_loop3A_340 = tpu.vector_load %arg8[%parallel_loop3A_338, %parallel_loop3A_339] {strides = array<i32>} : memref<224x128xf32, #tpu.memory_space<vmem>>, vector<16xf32>,
          %parallel_loop3A_341 = arith.index_cast %parallel_loop3A_319 : i32 to index
          %parallel_loop3A_342 = arith.constant 112 : index
          %parallel_loop3A_343 = tpu.vector_load %arg8[%parallel_loop3A_341, %parallel_loop3A_342] {strides = array<i32>} : memref<224x128xf32, #tpu.memory_space<vmem>>, vector<16xf32>,
          %parallel_loop3A_344 = arith.mulf %parallel_loop3A_322, %get3A_13 : vector<16xf32>
          %parallel_loop3A_345 = arith.mulf %parallel_loop3A_325, %get3A_15 : vector<16xf32>
          %parallel_loop3A_346 = arith.addf %parallel_loop3A_344, %parallel_loop3A_345 : vector<16xf32>
          %parallel_loop3A_347 = arith.mulf %parallel_loop3A_328, %get3A_17 : vector<16xf32>
          %parallel_loop3A_348 = arith.addf %parallel_loop3A_346, %parallel_loop3A_347 : vector<16xf32>
          %parallel_loop3A_349 = arith.mulf %parallel_loop3A_331, %get3A_19 : vector<16xf32>
          %parallel_loop3A_350 = arith.addf %parallel_loop3A_348, %parallel_loop3A_349 : vector<16xf32>
          %parallel_loop3A_351 = arith.mulf %parallel_loop3A_334, %get3A_21 : vector<16xf32>
          %parallel_loop3A_352 = arith.addf %parallel_loop3A_350, %parallel_loop3A_351 : vector<16xf32>
          %parallel_loop3A_353 = arith.mulf %parallel_loop3A_337, %get3A_23 : vector<16xf32>
          %parallel_loop3A_354 = arith.addf %parallel_loop3A_352, %parallel_loop3A_353 : vector<16xf32>
          %parallel_loop3A_355 = arith.mulf %parallel_loop3A_340, %get3A_25 : vector<16xf32>
          %parallel_loop3A_356 = arith.addf %parallel_loop3A_354, %parallel_loop3A_355 : vector<16xf32>
          %parallel_loop3A_357 = arith.mulf %parallel_loop3A_343, %get3A_27 : vector<16xf32>
          %parallel_loop3A_358 = arith.addf %parallel_loop3A_356, %parallel_loop3A_357 : vector<16xf32>
          %parallel_loop3A_359 = vector.shape_cast %broadcast_in_dim3A_33 : vector<16x1xi32> to vector<16xi32>
          %parallel_loop3A_360 = tpu.dynamic_gather %parallel_loop3A_358[%parallel_loop3A_359] in [0] : vector<16xf32>, vector<16xi32> -> vector<16xf32>
          %parallel_loop3A_361 = arith.addf %parallel_loop3A_358, %parallel_loop3A_360 : vector<16xf32>
          %parallel_loop3A_362 = vector.shape_cast %broadcast_in_dim3A_37 : vector<16x1xi32> to vector<16xi32>
          %parallel_loop3A_363 = tpu.dynamic_gather %parallel_loop3A_361[%parallel_loop3A_362] in [0] : vector<16xf32>, vector<16xi32> -> vector<16xf32>
          %parallel_loop3A_364 = arith.addf %parallel_loop3A_361, %parallel_loop3A_363 : vector<16xf32>
          %parallel_loop3A_365 = vector.shape_cast %broadcast_in_dim3A_41 : vector<16x1xi32> to vector<16xi32>
          %parallel_loop3A_366 = tpu.dynamic_gather %parallel_loop3A_364[%parallel_loop3A_365] in [0] : vector<16xf32>, vector<16xi32> -> vector<16xf32>
          %parallel_loop3A_367 = arith.addf %parallel_loop3A_364, %parallel_loop3A_366 : vector<16xf32>
          %parallel_loop3A_368 = vector.shape_cast %broadcast_in_dim3A_45 : vector<16x1xi32> to vector<16xi32>
          %parallel_loop3A_369 = tpu.dynamic_gather %parallel_loop3A_367[%parallel_loop3A_368] in [0] : vector<16xf32>, vector<16xi32> -> vector<16xf32>
          %parallel_loop3A_370 = arith.addf %parallel_loop3A_367, %parallel_loop3A_369 : vector<16xf32>
          %parallel_loop3A_371 = vector.broadcast %squeeze3A : f32 to vector<16xf32>
          %parallel_loop3A_372 = arith.addf %parallel_loop3A_370, %parallel_loop3A_371 : vector<16xf32>
          %parallel_loop3A_373 = arith.constant 0.000000e+00 : f32
          %parallel_loop3A_374 = vector.broadcast %parallel_loop3A_373 : f32 to vector<16xf32>
          %parallel_loop3A_375 = arith.subf %parallel_loop3A_374, %parallel_loop3A_372 : vector<16xf32>
          %parallel_loop3A_376 = math.exp %parallel_loop3A_375 : vector<16xf32>
          %parallel_loop3A_377 = arith.constant 1.000000e+00 : f32
          %parallel_loop3A_378 = vector.broadcast %parallel_loop3A_377 : f32 to vector<16xf32>
          %parallel_loop3A_379 = arith.addf %parallel_loop3A_378, %parallel_loop3A_376 : vector<16xf32>
          %parallel_loop3A_380 = arith.constant 1.000000e+00 : f32
          %parallel_loop3A_381 = vector.broadcast %parallel_loop3A_380 : f32 to vector<16xf32>
          %parallel_loop3A_382 = arith.divf %parallel_loop3A_381, %parallel_loop3A_379 : vector<16xf32>
          %parallel_loop3A_383 = arith.constant 16 : i32
          %parallel_loop3A_384 = arith.muli %parallel_loop3A_319, %parallel_loop3A_383 : i32
          %parallel_loop3A_385 = arith.index_cast %parallel_loop3A_384 : i32 to index
          %parallel_loop3A_386 = tpu.vector_load %arg24[%parallel_loop3A_385] {strides = array<i32>} : memref<3584xf32, #tpu.memory_space<vmem>>, vector<16xf32>,
          tpu.vector_store %arg24[%parallel_loop3A_385], %parallel_loop3A_382 {strides = array<i32>} : memref<3584xf32, #tpu.memory_space<vmem>>, vector<16xf32>,
          %parallel_loop3A_387 = arith.addi %min3A_280, %parallel_loop3A_319 : i32
          %parallel_loop3A_388 = arith.cmpi sge, %parallel_loop3A_387, %mul3A_282 : i32
          %parallel_loop3A_389 = arith.select %parallel_loop3A_388, %parallel_loop3A_382, %broadcast_in_dim3A_30 : vector<16xf32>
          %parallel_loop3A_390 = arith.mulf %parallel_loop3A_322, %parallel_loop3A_389 : vector<16xf32>
          %parallel_loop3A_391 = arith.index_cast %parallel_loop3A_319 : i32 to index
          %parallel_loop3A_392 = arith.constant 0 : index
          %parallel_loop3A_393 = tpu.vector_load %arg8[%parallel_loop3A_391, %parallel_loop3A_392] {strides = array<i32>} : memref<224x128xf32, #tpu.memory_space<vmem>>, vector<16xf32>,
          tpu.vector_store %arg8[%parallel_loop3A_391, %parallel_loop3A_392], %parallel_loop3A_390 {strides = array<i32>} : memref<224x128xf32, #tpu.memory_space<vmem>>, vector<16xf32>,
          %parallel_loop3A_394 = arith.mulf %parallel_loop3A_325, %parallel_loop3A_389 : vector<16xf32>
          %parallel_loop3A_395 = arith.index_cast %parallel_loop3A_319 : i32 to index
          %parallel_loop3A_396 = arith.constant 16 : index
          %parallel_loop3A_397 = tpu.vector_load %arg8[%parallel_loop3A_395, %parallel_loop3A_396] {strides = array<i32>} : memref<224x128xf32, #tpu.memory_space<vmem>>, vector<16xf32>,
          tpu.vector_store %arg8[%parallel_loop3A_395, %parallel_loop3A_396], %parallel_loop3A_394 {strides = array<i32>} : memref<224x128xf32, #tpu.memory_space<vmem>>, vector<16xf32>,
          %parallel_loop3A_398 = arith.mulf %parallel_loop3A_328, %parallel_loop3A_389 : vector<16xf32>
          %parallel_loop3A_399 = arith.index_cast %parallel_loop3A_319 : i32 to index
          %parallel_loop3A_400 = arith.constant 32 : index
          %parallel_loop3A_401 = tpu.vector_load %arg8[%parallel_loop3A_399, %parallel_loop3A_400] {strides = array<i32>} : memref<224x128xf32, #tpu.memory_space<vmem>>, vector<16xf32>,
          tpu.vector_store %arg8[%parallel_loop3A_399, %parallel_loop3A_400], %parallel_loop3A_398 {strides = array<i32>} : memref<224x128xf32, #tpu.memory_space<vmem>>, vector<16xf32>,
          %parallel_loop3A_402 = arith.mulf %parallel_loop3A_331, %parallel_loop3A_389 : vector<16xf32>
          %parallel_loop3A_403 = arith.index_cast %parallel_loop3A_319 : i32 to index
          %parallel_loop3A_404 = arith.constant 48 : index
          %parallel_loop3A_405 = tpu.vector_load %arg8[%parallel_loop3A_403, %parallel_loop3A_404] {strides = array<i32>} : memref<224x128xf32, #tpu.memory_space<vmem>>, vector<16xf32>,
          tpu.vector_store %arg8[%parallel_loop3A_403, %parallel_loop3A_404], %parallel_loop3A_402 {strides = array<i32>} : memref<224x128xf32, #tpu.memory_space<vmem>>, vector<16xf32>,
          %parallel_loop3A_406 = arith.mulf %parallel_loop3A_334, %parallel_loop3A_389 : vector<16xf32>
          %parallel_loop3A_407 = arith.index_cast %parallel_loop3A_319 : i32 to index
          %parallel_loop3A_408 = arith.constant 64 : index
          %parallel_loop3A_409 = tpu.vector_load %arg8[%parallel_loop3A_407, %parallel_loop3A_408] {strides = array<i32>} : memref<224x128xf32, #tpu.memory_space<vmem>>, vector<16xf32>,
          tpu.vector_store %arg8[%parallel_loop3A_407, %parallel_loop3A_408], %parallel_loop3A_406 {strides = array<i32>} : memref<224x128xf32, #tpu.memory_space<vmem>>, vector<16xf32>,
          %parallel_loop3A_410 = arith.mulf %parallel_loop3A_337, %parallel_loop3A_389 : vector<16xf32>
          %parallel_loop3A_411 = arith.index_cast %parallel_loop3A_319 : i32 to index
          %parallel_loop3A_412 = arith.constant 80 : index
          %parallel_loop3A_413 = tpu.vector_load %arg8[%parallel_loop3A_411, %parallel_loop3A_412] {strides = array<i32>} : memref<224x128xf32, #tpu.memory_space<vmem>>, vector<16xf32>,
          tpu.vector_store %arg8[%parallel_loop3A_411, %parallel_loop3A_412], %parallel_loop3A_410 {strides = array<i32>} : memref<224x128xf32, #tpu.memory_space<vmem>>, vector<16xf32>,
          %parallel_loop3A_414 = arith.mulf %parallel_loop3A_340, %parallel_loop3A_389 : vector<16xf32>
          %parallel_loop3A_415 = arith.index_cast %parallel_loop3A_319 : i32 to index
          %parallel_loop3A_416 = arith.constant 96 : index
          %parallel_loop3A_417 = tpu.vector_load %arg8[%parallel_loop3A_415, %parallel_loop3A_416] {strides = array<i32>} : memref<224x128xf32, #tpu.memory_space<vmem>>, vector<16xf32>,
          tpu.vector_store %arg8[%parallel_loop3A_415, %parallel_loop3A_416], %parallel_loop3A_414 {strides = array<i32>} : memref<224x128xf32, #tpu.memory_space<vmem>>, vector<16xf32>,
          %parallel_loop3A_418 = arith.mulf %parallel_loop3A_343, %parallel_loop3A_389 : vector<16xf32>
          %parallel_loop3A_419 = arith.index_cast %parallel_loop3A_319 : i32 to index
          %parallel_loop3A_420 = arith.constant 112 : index
          %parallel_loop3A_421 = tpu.vector_load %arg8[%parallel_loop3A_419, %parallel_loop3A_420] {strides = array<i32>} : memref<224x128xf32, #tpu.memory_space<vmem>>, vector<16xf32>,
          tpu.vector_store %arg8[%parallel_loop3A_419, %parallel_loop3A_420], %parallel_loop3A_418 {strides = array<i32>} : memref<224x128xf32, #tpu.memory_space<vmem>>, vector<16xf32>,
        } {sc.loop_unroll_factor = 1 : i64, sc.parallel_access}
        %scan3A_285 = arith.constant 0 : i32
        %scan3A_286 = arith.constant 0 : i32
        %scan3A_287 = arith.constant 14 : i32
        %scan3A_288 = arith.addi %scan3A_286, %scan3A_287 : i32
        %scan3A_289 = arith.constant 1 : i32
        %scan3A_290 = scf.for %scan3A_319 = %scan3A_286 to %scan3A_288 step %scan3A_289 iter_args(%scan3A_320 = %scan3A_285) -> (i32)  : i32 {
          %mul3A_321 = arith.constant 256 : i32
          %mul3A_322 = arith.muli %scan3A_319, %mul3A_321 : i32
          %mul3A_323 = arith.constant 17 : i32
          %mul3A_324 = vector.broadcast %mul3A_323 : i32 to vector<16xi32>
          %mul3A_325 = arith.muli %mul3A_324, %iota3A : vector<16xi32>
          %add3A_326 = vector.broadcast %mul3A_322 : i32 to vector<16xi32>
          %add3A_327 = arith.addi %add3A_326, %mul3A_325 : vector<16xi32>
          %gather3A = tpu.vector_load_idx %arg24[%add3A_327] : memref<3584xf32, #tpu.memory_space<vmem>>[vector<16xi32>], vector<16xf32>,
          %mul3A_328 = arith.constant 16 : i32
          %mul3A_329 = arith.muli %scan3A_319, %mul3A_328 : i32
          %swap3A = arith.index_cast %mul3A_329 : i32 to index
          %swap3A_330 = tpu.vector_load %arg20[%swap3A] {strides = array<i32>} : memref<224xf32, #tpu.memory_space<vmem>>, vector<16xf32>,
          tpu.vector_store %arg20[%swap3A], %gather3A {strides = array<i32>} : memref<224xf32, #tpu.memory_space<vmem>>, vector<16xf32>,
          %scan3A_331 = arith.constant 0 : i32
          scf.yield %scan3A_331 : i32
        }
        %scan3A_291 = arith.constant 14 : i32
        %mul3A_292 = arith.constant 224 : i32
        %mul3A_293 = arith.muli %scan3A_173, %mul3A_292 : i32
        %sub3A_294 = arith.constant 224 : i32
        %sub3A_295 = arith.subi %add3A_6, %sub3A_294 : i32
        %min3A_296 = arith.minsi %mul3A_293, %sub3A_295 : i32
        %add3A_297 = arith.addi %add3A_12, %min3A_296 : i32
        %dma_start3A_298 = tpu.memref_slice %arg7[%add3A_297] : memref<100000xf32, #tpu.memory_space<hbm>> -> memref<224xf32, #tpu.memory_space<hbm>>
        %dma_start3A_299 = tpu.memref_slice %arg7[%add3A_297] : memref<100000xf32, #tpu.memory_space<hbm>> -> memref<224xf32, #tpu.memory_space<hbm>>
        tpu.enqueue_dma source(%arg20 : memref<224xf32, #tpu.memory_space<vmem>>) target(%dma_start3A_299 : memref<224xf32, #tpu.memory_space<hbm>>) target_semaphore(%arg36 : memref<!tpu.dma_semaphore, #tpu.memory_space<semaphore_mem>>)
        %dma_start3A_300 = arith.constant 0 : i32
        %dma_start3A_301 = arith.constant 0 : i32
        %dma_start3A_302 = tpu.memref_slice %arg8[%dma_start3A_300, %dma_start3A_301] : memref<224x128xf32, #tpu.memory_space<vmem>> -> memref<128x128xf32, #tpu.memory_space<vmem>>
        %dma_start3A_303 = arith.constant 0 : i32
        %dma_start3A_304 = arith.constant 0 : i32
        %dma_start3A_305 = tpu.memref_slice %arg27[%dma_start3A_303, %dma_start3A_304] : memref<1024x128xf32, #tpu.memory_space<vmem_shared>> -> memref<1024x128xf32, #tpu.memory_space<vmem_shared>>
        tpu.enqueue_indirect_dma source(%dma_start3A_302 : memref<128x128xf32, #tpu.memory_space<vmem>>) target(%dma_start3A_305 : memref<1024x128xf32, #tpu.memory_space<vmem_shared>>) offsets(%arg12 : memref<128xi32, #tpu.memory_space<vmem>>) semaphore(%arg32 : memref<!tpu.dma_semaphore, #tpu.memory_space<semaphore_mem>>) {add = true}
        %dma_start3A_306 = arith.constant 128 : i32
        %dma_start3A_307 = arith.constant 0 : i32
        %dma_start3A_308 = tpu.memref_slice %arg8[%dma_start3A_306, %dma_start3A_307] : memref<224x128xf32, #tpu.memory_space<vmem>> -> memref<96x128xf32, #tpu.memory_space<vmem>>
        %dma_start3A_309 = arith.constant 0 : i32
        %dma_start3A_310 = arith.constant 0 : i32
        %dma_start3A_311 = tpu.memref_slice %arg27[%dma_start3A_309, %dma_start3A_310] : memref<1024x128xf32, #tpu.memory_space<vmem_shared>> -> memref<1024x128xf32, #tpu.memory_space<vmem_shared>>
        tpu.enqueue_indirect_dma source(%dma_start3A_308 : memref<96x128xf32, #tpu.memory_space<vmem>>) target(%dma_start3A_311 : memref<1024x128xf32, #tpu.memory_space<vmem_shared>>) offsets(%arg13 : memref<96xi32, #tpu.memory_space<vmem>>) semaphore(%arg32 : memref<!tpu.dma_semaphore, #tpu.memory_space<semaphore_mem>>) {add = true}
        %add3A_312 = arith.constant 2 : i32
        %add3A_313 = arith.addi %scan3A_173, %add3A_312 : i32
        %lt3A_314 = arith.constant 14 : i32
        %lt3A_315 = arith.cmpi slt, %add3A_313, %lt3A_314 : i32
        %convert_element_type3A_316 = arith.extui %lt3A_315 : i1 to i32
        %cond3A_317 = arith.constant 0 : i32
        %cond3A_318 = arith.cmpi ne, %convert_element_type3A_316, %cond3A_317 : i32
        scf.if %cond3A_318 {
          %ge3A_319 = arith.constant 2 : i32
          %ge3A_320 = arith.cmpi sge, %scan3A_173, %ge3A_319 : i32
          %convert_element_type3A_321 = arith.extui %ge3A_320 : i1 to i32
          %cond3A_322 = arith.constant 0 : i32
          %cond3A_323 = arith.cmpi ne, %convert_element_type3A_321, %cond3A_322 : i32
          scf.if %cond3A_323 {
            %dma_wait3A_344 = arith.constant 0 : i32
            %dma_wait3A_345 = arith.constant 0 : i32
            %dma_wait3A_346 = tpu.memref_slice %arg10[%dma_wait3A_344, %dma_wait3A_345] : memref<224x128xf32, #tpu.memory_space<vmem>> -> memref<128x128xf32, #tpu.memory_space<vmem>>
            %dma_wait3A_347 = arith.constant 0 : i32
            %dma_wait3A_348 = arith.constant 0 : i32
            %dma_wait3A_349 = tpu.memref_slice %arg27[%dma_wait3A_347, %dma_wait3A_348] : memref<1024x128xf32, #tpu.memory_space<vmem_shared>> -> memref<1024x128xf32, #tpu.memory_space<vmem_shared>>
            tpu.wait_indirect_dma semaphore(%arg34 : memref<!tpu.dma_semaphore, #tpu.memory_space<semaphore_mem>>) src(%dma_wait3A_346 : memref<128x128xf32, #tpu.memory_space<vmem>>) dst(%dma_wait3A_349 : memref<1024x128xf32, #tpu.memory_space<vmem_shared>>)
            %dma_wait3A_350 = arith.constant 128 : i32
            %dma_wait3A_351 = arith.constant 0 : i32
            %dma_wait3A_352 = tpu.memref_slice %arg10[%dma_wait3A_350, %dma_wait3A_351] : memref<224x128xf32, #tpu.memory_space<vmem>> -> memref<96x128xf32, #tpu.memory_space<vmem>>
            %dma_wait3A_353 = arith.constant 0 : i32
            %dma_wait3A_354 = arith.constant 0 : i32
            %dma_wait3A_355 = tpu.memref_slice %arg27[%dma_wait3A_353, %dma_wait3A_354] : memref<1024x128xf32, #tpu.memory_space<vmem_shared>> -> memref<1024x128xf32, #tpu.memory_space<vmem_shared>>
            tpu.wait_indirect_dma semaphore(%arg34 : memref<!tpu.dma_semaphore, #tpu.memory_space<semaphore_mem>>) src(%dma_wait3A_352 : memref<96x128xf32, #tpu.memory_space<vmem>>) dst(%dma_wait3A_355 : memref<1024x128xf32, #tpu.memory_space<vmem_shared>>)
          } else {
          }
          %add3A_324 = arith.constant 2 : i32
          %add3A_325 = arith.addi %scan3A_173, %add3A_324 : i32
          %mul3A_326 = arith.constant 224 : i32
          %mul3A_327 = arith.muli %add3A_325, %mul3A_326 : i32
          %sub3A_328 = arith.constant 224 : i32
          %sub3A_329 = arith.subi %add3A_6, %sub3A_328 : i32
          %min3A_330 = arith.minsi %mul3A_327, %sub3A_329 : i32
          %add3A_331 = arith.addi %add3A_12, %min3A_330 : i32
          %add3A_332 = arith.constant 0 : i32
          %add3A_333 = arith.addi %add3A_331, %add3A_332 : i32
          %add3A_334 = arith.constant 128 : i32
          %add3A_335 = arith.addi %add3A_331, %add3A_334 : i32
          %dma_start3A_336 = arith.constant 0 : i32
          %dma_start3A_337 = tpu.memref_slice %arg2[%add3A_331, %dma_start3A_336] : memref<100000x128xf32, #tpu.memory_space<hbm>> -> memref<224x128xf32, #tpu.memory_space<hbm>>
          %dma_start3A_338 = arith.constant 0 : i32
          %dma_start3A_339 = tpu.memref_slice %arg2[%add3A_331, %dma_start3A_338] : memref<100000x128xf32, #tpu.memory_space<hbm>> -> memref<224x128xf32, #tpu.memory_space<hbm>>
          tpu.enqueue_dma source(%dma_start3A_339 : memref<224x128xf32, #tpu.memory_space<hbm>>) target(%arg10 : memref<224x128xf32, #tpu.memory_space<vmem>>) target_semaphore(%arg30 : memref<!tpu.dma_semaphore, #tpu.memory_space<semaphore_mem>>)
          %dma_start3A_340 = tpu.memref_slice %arg3[%add3A_333] : memref<100000xi32, #tpu.memory_space<hbm>> -> memref<128xi32, #tpu.memory_space<hbm>>
          %dma_start3A_341 = tpu.memref_slice %arg3[%add3A_333] : memref<100000xi32, #tpu.memory_space<hbm>> -> memref<128xi32, #tpu.memory_space<hbm>>
          tpu.enqueue_dma source(%dma_start3A_341 : memref<128xi32, #tpu.memory_space<hbm>>) target(%arg16 : memref<128xi32, #tpu.memory_space<vmem>>) target_semaphore(%arg30 : memref<!tpu.dma_semaphore, #tpu.memory_space<semaphore_mem>>)
          %dma_start3A_342 = tpu.memref_slice %arg3[%add3A_335] : memref<100000xi32, #tpu.memory_space<hbm>> -> memref<96xi32, #tpu.memory_space<hbm>>
          %dma_start3A_343 = tpu.memref_slice %arg3[%add3A_335] : memref<100000xi32, #tpu.memory_space<hbm>> -> memref<96xi32, #tpu.memory_space<hbm>>
          tpu.enqueue_dma source(%dma_start3A_343 : memref<96xi32, #tpu.memory_space<hbm>>) target(%arg17 : memref<96xi32, #tpu.memory_space<vmem>>) target_semaphore(%arg30 : memref<!tpu.dma_semaphore, #tpu.memory_space<semaphore_mem>>)
        } else {
        }
      } else {
      }
      %jit3A_190 = arith.constant 4 : i32
      %eq3A_191 = arith.constant 0 : i32
      %eq3A_192 = arith.cmpi eq, %jit3A_190, %eq3A_191 : i32
      %jit3A_193 = arith.constant 1 : i32
      %select_n3A_194 = arith.select %eq3A_192, %jit3A_193, %jit3A_190 : i32
      %rem3A_195 = arith.remsi %scan3A_173, %select_n3A_194 : i32
      %ne3A_196 = arith.constant 0 : i32
      %ne3A_197 = arith.cmpi ne, %rem3A_195, %ne3A_196 : i32
      %lt3A_198 = arith.constant 0 : i32
      %lt3A_199 = arith.cmpi slt, %rem3A_195, %lt3A_198 : i32
      %lt3A_200 = arith.constant 0 : i32
      %lt3A_201 = arith.cmpi slt, %select_n3A_194, %lt3A_200 : i32
      %ne3A_202 = arith.xori %lt3A_199, %lt3A_201 : i1
      %and3A_203 = arith.andi %ne3A_202, %ne3A_197 : i1
      %add3A_204 = arith.addi %rem3A_195, %select_n3A_194 : i32
      %select_n3A_205 = arith.select %and3A_203, %add3A_204, %rem3A_195 : i32
      %eq3A_206 = arith.constant 1 : i32
      %eq3A_207 = arith.cmpi eq, %select_n3A_205, %eq3A_206 : i32
      %convert_element_type3A_208 = arith.extui %eq3A_207 : i1 to i32
      %cond3A_209 = arith.constant 0 : i32
      %cond3A_210 = arith.cmpi ne, %convert_element_type3A_208, %cond3A_209 : i32
      scf.if %cond3A_210 {
        %mul3A_254 = arith.constant 224 : i32
        %mul3A_255 = arith.muli %scan3A_173, %mul3A_254 : i32
        %sub3A_256 = arith.constant 224 : i32
        %sub3A_257 = arith.subi %add3A_6, %sub3A_256 : i32
        %min3A_258 = arith.minsi %mul3A_255, %sub3A_257 : i32
        %add3A_259 = arith.addi %add3A_12, %min3A_258 : i32
        %add3A_260 = arith.constant 0 : i32
        %add3A_261 = arith.addi %add3A_259, %add3A_260 : i32
        %add3A_262 = arith.constant 128 : i32
        %add3A_263 = arith.addi %add3A_259, %add3A_262 : i32
        %dma_wait3A_264 = arith.constant 0 : i32
        %dma_wait3A_265 = tpu.memref_slice %arg2[%add3A_259, %dma_wait3A_264] : memref<100000x128xf32, #tpu.memory_space<hbm>> -> memref<224x128xf32, #tpu.memory_space<hbm>>
        %dma_wait3A_266 = arith.constant 0 : i32
        %dma_wait3A_267 = tpu.memref_slice %arg2[%add3A_259, %dma_wait3A_266] : memref<100000x128xf32, #tpu.memory_space<hbm>> -> memref<224x128xf32, #tpu.memory_space<hbm>>
        tpu.wait_dma2 semaphore(%arg29 : memref<!tpu.dma_semaphore, #tpu.memory_space<semaphore_mem>>) src(%dma_wait3A_267 : memref<224x128xf32, #tpu.memory_space<hbm>>) dst(%arg9 : memref<224x128xf32, #tpu.memory_space<vmem>>)
        %dma_wait3A_268 = tpu.memref_slice %arg3[%add3A_261] : memref<100000xi32, #tpu.memory_space<hbm>> -> memref<128xi32, #tpu.memory_space<hbm>>
        %dma_wait3A_269 = tpu.memref_slice %arg3[%add3A_261] : memref<100000xi32, #tpu.memory_space<hbm>> -> memref<128xi32, #tpu.memory_space<hbm>>
        tpu.wait_dma2 semaphore(%arg29 : memref<!tpu.dma_semaphore, #tpu.memory_space<semaphore_mem>>) src(%dma_wait3A_269 : memref<128xi32, #tpu.memory_space<hbm>>) dst(%arg14 : memref<128xi32, #tpu.memory_space<vmem>>)
        %dma_wait3A_270 = tpu.memref_slice %arg3[%add3A_263] : memref<100000xi32, #tpu.memory_space<hbm>> -> memref<96xi32, #tpu.memory_space<hbm>>
        %dma_wait3A_271 = tpu.memref_slice %arg3[%add3A_263] : memref<100000xi32, #tpu.memory_space<hbm>> -> memref<96xi32, #tpu.memory_space<hbm>>
        tpu.wait_dma2 semaphore(%arg29 : memref<!tpu.dma_semaphore, #tpu.memory_space<semaphore_mem>>) src(%dma_wait3A_271 : memref<96xi32, #tpu.memory_space<hbm>>) dst(%arg15 : memref<96xi32, #tpu.memory_space<vmem>>)
        %ge3A = arith.constant 4 : i32
        %ge3A_272 = arith.cmpi sge, %scan3A_173, %ge3A : i32
        %convert_element_type3A_273 = arith.extui %ge3A_272 : i1 to i32
        %cond3A_274 = arith.constant 0 : i32
        %cond3A_275 = arith.cmpi ne, %convert_element_type3A_273, %cond3A_274 : i32
        scf.if %cond3A_275 {
          %sub3A_319 = arith.constant 4 : i32
          %sub3A_320 = arith.subi %scan3A_173, %sub3A_319 : i32
          %mul3A_321 = arith.constant 224 : i32
          %mul3A_322 = arith.muli %sub3A_320, %mul3A_321 : i32
          %sub3A_323 = arith.constant 224 : i32
          %sub3A_324 = arith.subi %add3A_6, %sub3A_323 : i32
          %min3A_325 = arith.minsi %mul3A_322, %sub3A_324 : i32
          %add3A_326 = arith.addi %add3A_12, %min3A_325 : i32
          %dma_wait3A_327 = tpu.memref_slice %arg7[%add3A_326] : memref<100000xf32, #tpu.memory_space<hbm>> -> memref<224xf32, #tpu.memory_space<hbm>>
          %dma_wait3A_328 = tpu.memref_slice %arg7[%add3A_326] : memref<100000xf32, #tpu.memory_space<hbm>> -> memref<224xf32, #tpu.memory_space<hbm>>
          tpu.wait_dma2 semaphore(%arg37 : memref<!tpu.dma_semaphore, #tpu.memory_space<semaphore_mem>>) src(%arg21 : memref<224xf32, #tpu.memory_space<vmem>>) dst(%dma_wait3A_328 : memref<224xf32, #tpu.memory_space<hbm>>)
        } else {
        }
        %mul3A_276 = arith.constant 224 : i32
        %mul3A_277 = arith.muli %scan3A_173, %mul3A_276 : i32
        %sub3A_278 = arith.constant 224 : i32
        %sub3A_279 = arith.subi %add3A_6, %sub3A_278 : i32
        %min3A_280 = arith.minsi %mul3A_277, %sub3A_279 : i32
        %mul3A_281 = arith.constant 224 : i32
        %mul3A_282 = arith.muli %scan3A_173, %mul3A_281 : i32
        %parallel_loop3A = arith.constant 0 : i32
        %parallel_loop3A_283 = arith.constant 224 : i32
        %parallel_loop3A_284 = arith.constant 1 : i32
        scf.for %parallel_loop3A_319 = %parallel_loop3A to %parallel_loop3A_283 step %parallel_loop3A_284  : i32 {
          %parallel_loop3A_320 = arith.index_cast %parallel_loop3A_319 : i32 to index
          %parallel_loop3A_321 = arith.constant 0 : index
          %parallel_loop3A_322 = tpu.vector_load %arg9[%parallel_loop3A_320, %parallel_loop3A_321] {strides = array<i32>} : memref<224x128xf32, #tpu.memory_space<vmem>>, vector<16xf32>,
          %parallel_loop3A_323 = arith.index_cast %parallel_loop3A_319 : i32 to index
          %parallel_loop3A_324 = arith.constant 16 : index
          %parallel_loop3A_325 = tpu.vector_load %arg9[%parallel_loop3A_323, %parallel_loop3A_324] {strides = array<i32>} : memref<224x128xf32, #tpu.memory_space<vmem>>, vector<16xf32>,
          %parallel_loop3A_326 = arith.index_cast %parallel_loop3A_319 : i32 to index
          %parallel_loop3A_327 = arith.constant 32 : index
          %parallel_loop3A_328 = tpu.vector_load %arg9[%parallel_loop3A_326, %parallel_loop3A_327] {strides = array<i32>} : memref<224x128xf32, #tpu.memory_space<vmem>>, vector<16xf32>,
          %parallel_loop3A_329 = arith.index_cast %parallel_loop3A_319 : i32 to index
          %parallel_loop3A_330 = arith.constant 48 : index
          %parallel_loop3A_331 = tpu.vector_load %arg9[%parallel_loop3A_329, %parallel_loop3A_330] {strides = array<i32>} : memref<224x128xf32, #tpu.memory_space<vmem>>, vector<16xf32>,
          %parallel_loop3A_332 = arith.index_cast %parallel_loop3A_319 : i32 to index
          %parallel_loop3A_333 = arith.constant 64 : index
          %parallel_loop3A_334 = tpu.vector_load %arg9[%parallel_loop3A_332, %parallel_loop3A_333] {strides = array<i32>} : memref<224x128xf32, #tpu.memory_space<vmem>>, vector<16xf32>,
          %parallel_loop3A_335 = arith.index_cast %parallel_loop3A_319 : i32 to index
          %parallel_loop3A_336 = arith.constant 80 : index
          %parallel_loop3A_337 = tpu.vector_load %arg9[%parallel_loop3A_335, %parallel_loop3A_336] {strides = array<i32>} : memref<224x128xf32, #tpu.memory_space<vmem>>, vector<16xf32>,
          %parallel_loop3A_338 = arith.index_cast %parallel_loop3A_319 : i32 to index
          %parallel_loop3A_339 = arith.constant 96 : index
          %parallel_loop3A_340 = tpu.vector_load %arg9[%parallel_loop3A_338, %parallel_loop3A_339] {strides = array<i32>} : memref<224x128xf32, #tpu.memory_space<vmem>>, vector<16xf32>,
          %parallel_loop3A_341 = arith.index_cast %parallel_loop3A_319 : i32 to index
          %parallel_loop3A_342 = arith.constant 112 : index
          %parallel_loop3A_343 = tpu.vector_load %arg9[%parallel_loop3A_341, %parallel_loop3A_342] {strides = array<i32>} : memref<224x128xf32, #tpu.memory_space<vmem>>, vector<16xf32>,
          %parallel_loop3A_344 = arith.mulf %parallel_loop3A_322, %get3A_13 : vector<16xf32>
          %parallel_loop3A_345 = arith.mulf %parallel_loop3A_325, %get3A_15 : vector<16xf32>
          %parallel_loop3A_346 = arith.addf %parallel_loop3A_344, %parallel_loop3A_345 : vector<16xf32>
          %parallel_loop3A_347 = arith.mulf %parallel_loop3A_328, %get3A_17 : vector<16xf32>
          %parallel_loop3A_348 = arith.addf %parallel_loop3A_346, %parallel_loop3A_347 : vector<16xf32>
          %parallel_loop3A_349 = arith.mulf %parallel_loop3A_331, %get3A_19 : vector<16xf32>
          %parallel_loop3A_350 = arith.addf %parallel_loop3A_348, %parallel_loop3A_349 : vector<16xf32>
          %parallel_loop3A_351 = arith.mulf %parallel_loop3A_334, %get3A_21 : vector<16xf32>
          %parallel_loop3A_352 = arith.addf %parallel_loop3A_350, %parallel_loop3A_351 : vector<16xf32>
          %parallel_loop3A_353 = arith.mulf %parallel_loop3A_337, %get3A_23 : vector<16xf32>
          %parallel_loop3A_354 = arith.addf %parallel_loop3A_352, %parallel_loop3A_353 : vector<16xf32>
          %parallel_loop3A_355 = arith.mulf %parallel_loop3A_340, %get3A_25 : vector<16xf32>
          %parallel_loop3A_356 = arith.addf %parallel_loop3A_354, %parallel_loop3A_355 : vector<16xf32>
          %parallel_loop3A_357 = arith.mulf %parallel_loop3A_343, %get3A_27 : vector<16xf32>
          %parallel_loop3A_358 = arith.addf %parallel_loop3A_356, %parallel_loop3A_357 : vector<16xf32>
          %parallel_loop3A_359 = vector.shape_cast %broadcast_in_dim3A_33 : vector<16x1xi32> to vector<16xi32>
          %parallel_loop3A_360 = tpu.dynamic_gather %parallel_loop3A_358[%parallel_loop3A_359] in [0] : vector<16xf32>, vector<16xi32> -> vector<16xf32>
          %parallel_loop3A_361 = arith.addf %parallel_loop3A_358, %parallel_loop3A_360 : vector<16xf32>
          %parallel_loop3A_362 = vector.shape_cast %broadcast_in_dim3A_37 : vector<16x1xi32> to vector<16xi32>
          %parallel_loop3A_363 = tpu.dynamic_gather %parallel_loop3A_361[%parallel_loop3A_362] in [0] : vector<16xf32>, vector<16xi32> -> vector<16xf32>
          %parallel_loop3A_364 = arith.addf %parallel_loop3A_361, %parallel_loop3A_363 : vector<16xf32>
          %parallel_loop3A_365 = vector.shape_cast %broadcast_in_dim3A_41 : vector<16x1xi32> to vector<16xi32>
          %parallel_loop3A_366 = tpu.dynamic_gather %parallel_loop3A_364[%parallel_loop3A_365] in [0] : vector<16xf32>, vector<16xi32> -> vector<16xf32>
          %parallel_loop3A_367 = arith.addf %parallel_loop3A_364, %parallel_loop3A_366 : vector<16xf32>
          %parallel_loop3A_368 = vector.shape_cast %broadcast_in_dim3A_45 : vector<16x1xi32> to vector<16xi32>
          %parallel_loop3A_369 = tpu.dynamic_gather %parallel_loop3A_367[%parallel_loop3A_368] in [0] : vector<16xf32>, vector<16xi32> -> vector<16xf32>
          %parallel_loop3A_370 = arith.addf %parallel_loop3A_367, %parallel_loop3A_369 : vector<16xf32>
          %parallel_loop3A_371 = vector.broadcast %squeeze3A : f32 to vector<16xf32>
          %parallel_loop3A_372 = arith.addf %parallel_loop3A_370, %parallel_loop3A_371 : vector<16xf32>
          %parallel_loop3A_373 = arith.constant 0.000000e+00 : f32
          %parallel_loop3A_374 = vector.broadcast %parallel_loop3A_373 : f32 to vector<16xf32>
          %parallel_loop3A_375 = arith.subf %parallel_loop3A_374, %parallel_loop3A_372 : vector<16xf32>
          %parallel_loop3A_376 = math.exp %parallel_loop3A_375 : vector<16xf32>
          %parallel_loop3A_377 = arith.constant 1.000000e+00 : f32
          %parallel_loop3A_378 = vector.broadcast %parallel_loop3A_377 : f32 to vector<16xf32>
          %parallel_loop3A_379 = arith.addf %parallel_loop3A_378, %parallel_loop3A_376 : vector<16xf32>
          %parallel_loop3A_380 = arith.constant 1.000000e+00 : f32
          %parallel_loop3A_381 = vector.broadcast %parallel_loop3A_380 : f32 to vector<16xf32>
          %parallel_loop3A_382 = arith.divf %parallel_loop3A_381, %parallel_loop3A_379 : vector<16xf32>
          %parallel_loop3A_383 = arith.constant 16 : i32
          %parallel_loop3A_384 = arith.muli %parallel_loop3A_319, %parallel_loop3A_383 : i32
          %parallel_loop3A_385 = arith.index_cast %parallel_loop3A_384 : i32 to index
          %parallel_loop3A_386 = tpu.vector_load %arg24[%parallel_loop3A_385] {strides = array<i32>} : memref<3584xf32, #tpu.memory_space<vmem>>, vector<16xf32>,
          tpu.vector_store %arg24[%parallel_loop3A_385], %parallel_loop3A_382 {strides = array<i32>} : memref<3584xf32, #tpu.memory_space<vmem>>, vector<16xf32>,
          %parallel_loop3A_387 = arith.addi %min3A_280, %parallel_loop3A_319 : i32
          %parallel_loop3A_388 = arith.cmpi sge, %parallel_loop3A_387, %mul3A_282 : i32
          %parallel_loop3A_389 = arith.select %parallel_loop3A_388, %parallel_loop3A_382, %broadcast_in_dim3A_30 : vector<16xf32>
          %parallel_loop3A_390 = arith.mulf %parallel_loop3A_322, %parallel_loop3A_389 : vector<16xf32>
          %parallel_loop3A_391 = arith.index_cast %parallel_loop3A_319 : i32 to index
          %parallel_loop3A_392 = arith.constant 0 : index
          %parallel_loop3A_393 = tpu.vector_load %arg9[%parallel_loop3A_391, %parallel_loop3A_392] {strides = array<i32>} : memref<224x128xf32, #tpu.memory_space<vmem>>, vector<16xf32>,
          tpu.vector_store %arg9[%parallel_loop3A_391, %parallel_loop3A_392], %parallel_loop3A_390 {strides = array<i32>} : memref<224x128xf32, #tpu.memory_space<vmem>>, vector<16xf32>,
          %parallel_loop3A_394 = arith.mulf %parallel_loop3A_325, %parallel_loop3A_389 : vector<16xf32>
          %parallel_loop3A_395 = arith.index_cast %parallel_loop3A_319 : i32 to index
          %parallel_loop3A_396 = arith.constant 16 : index
          %parallel_loop3A_397 = tpu.vector_load %arg9[%parallel_loop3A_395, %parallel_loop3A_396] {strides = array<i32>} : memref<224x128xf32, #tpu.memory_space<vmem>>, vector<16xf32>,
          tpu.vector_store %arg9[%parallel_loop3A_395, %parallel_loop3A_396], %parallel_loop3A_394 {strides = array<i32>} : memref<224x128xf32, #tpu.memory_space<vmem>>, vector<16xf32>,
          %parallel_loop3A_398 = arith.mulf %parallel_loop3A_328, %parallel_loop3A_389 : vector<16xf32>
          %parallel_loop3A_399 = arith.index_cast %parallel_loop3A_319 : i32 to index
          %parallel_loop3A_400 = arith.constant 32 : index
          %parallel_loop3A_401 = tpu.vector_load %arg9[%parallel_loop3A_399, %parallel_loop3A_400] {strides = array<i32>} : memref<224x128xf32, #tpu.memory_space<vmem>>, vector<16xf32>,
          tpu.vector_store %arg9[%parallel_loop3A_399, %parallel_loop3A_400], %parallel_loop3A_398 {strides = array<i32>} : memref<224x128xf32, #tpu.memory_space<vmem>>, vector<16xf32>,
          %parallel_loop3A_402 = arith.mulf %parallel_loop3A_331, %parallel_loop3A_389 : vector<16xf32>
          %parallel_loop3A_403 = arith.index_cast %parallel_loop3A_319 : i32 to index
          %parallel_loop3A_404 = arith.constant 48 : index
          %parallel_loop3A_405 = tpu.vector_load %arg9[%parallel_loop3A_403, %parallel_loop3A_404] {strides = array<i32>} : memref<224x128xf32, #tpu.memory_space<vmem>>, vector<16xf32>,
          tpu.vector_store %arg9[%parallel_loop3A_403, %parallel_loop3A_404], %parallel_loop3A_402 {strides = array<i32>} : memref<224x128xf32, #tpu.memory_space<vmem>>, vector<16xf32>,
          %parallel_loop3A_406 = arith.mulf %parallel_loop3A_334, %parallel_loop3A_389 : vector<16xf32>
          %parallel_loop3A_407 = arith.index_cast %parallel_loop3A_319 : i32 to index
          %parallel_loop3A_408 = arith.constant 64 : index
          %parallel_loop3A_409 = tpu.vector_load %arg9[%parallel_loop3A_407, %parallel_loop3A_408] {strides = array<i32>} : memref<224x128xf32, #tpu.memory_space<vmem>>, vector<16xf32>,
          tpu.vector_store %arg9[%parallel_loop3A_407, %parallel_loop3A_408], %parallel_loop3A_406 {strides = array<i32>} : memref<224x128xf32, #tpu.memory_space<vmem>>, vector<16xf32>,
          %parallel_loop3A_410 = arith.mulf %parallel_loop3A_337, %parallel_loop3A_389 : vector<16xf32>
          %parallel_loop3A_411 = arith.index_cast %parallel_loop3A_319 : i32 to index
          %parallel_loop3A_412 = arith.constant 80 : index
          %parallel_loop3A_413 = tpu.vector_load %arg9[%parallel_loop3A_411, %parallel_loop3A_412] {strides = array<i32>} : memref<224x128xf32, #tpu.memory_space<vmem>>, vector<16xf32>,
          tpu.vector_store %arg9[%parallel_loop3A_411, %parallel_loop3A_412], %parallel_loop3A_410 {strides = array<i32>} : memref<224x128xf32, #tpu.memory_space<vmem>>, vector<16xf32>,
          %parallel_loop3A_414 = arith.mulf %parallel_loop3A_340, %parallel_loop3A_389 : vector<16xf32>
          %parallel_loop3A_415 = arith.index_cast %parallel_loop3A_319 : i32 to index
          %parallel_loop3A_416 = arith.constant 96 : index
          %parallel_loop3A_417 = tpu.vector_load %arg9[%parallel_loop3A_415, %parallel_loop3A_416] {strides = array<i32>} : memref<224x128xf32, #tpu.memory_space<vmem>>, vector<16xf32>,
          tpu.vector_store %arg9[%parallel_loop3A_415, %parallel_loop3A_416], %parallel_loop3A_414 {strides = array<i32>} : memref<224x128xf32, #tpu.memory_space<vmem>>, vector<16xf32>,
          %parallel_loop3A_418 = arith.mulf %parallel_loop3A_343, %parallel_loop3A_389 : vector<16xf32>
          %parallel_loop3A_419 = arith.index_cast %parallel_loop3A_319 : i32 to index
          %parallel_loop3A_420 = arith.constant 112 : index
          %parallel_loop3A_421 = tpu.vector_load %arg9[%parallel_loop3A_419, %parallel_loop3A_420] {strides = array<i32>} : memref<224x128xf32, #tpu.memory_space<vmem>>, vector<16xf32>,
          tpu.vector_store %arg9[%parallel_loop3A_419, %parallel_loop3A_420], %parallel_loop3A_418 {strides = array<i32>} : memref<224x128xf32, #tpu.memory_space<vmem>>, vector<16xf32>,
        } {sc.loop_unroll_factor = 1 : i64, sc.parallel_access}
        %scan3A_285 = arith.constant 0 : i32
        %scan3A_286 = arith.constant 0 : i32
        %scan3A_287 = arith.constant 14 : i32
        %scan3A_288 = arith.addi %scan3A_286, %scan3A_287 : i32
        %scan3A_289 = arith.constant 1 : i32
        %scan3A_290 = scf.for %scan3A_319 = %scan3A_286 to %scan3A_288 step %scan3A_289 iter_args(%scan3A_320 = %scan3A_285) -> (i32)  : i32 {
          %mul3A_321 = arith.constant 256 : i32
          %mul3A_322 = arith.muli %scan3A_319, %mul3A_321 : i32
          %mul3A_323 = arith.constant 17 : i32
          %mul3A_324 = vector.broadcast %mul3A_323 : i32 to vector<16xi32>
          %mul3A_325 = arith.muli %mul3A_324, %iota3A : vector<16xi32>
          %add3A_326 = vector.broadcast %mul3A_322 : i32 to vector<16xi32>
          %add3A_327 = arith.addi %add3A_326, %mul3A_325 : vector<16xi32>
          %gather3A = tpu.vector_load_idx %arg24[%add3A_327] : memref<3584xf32, #tpu.memory_space<vmem>>[vector<16xi32>], vector<16xf32>,
          %mul3A_328 = arith.constant 16 : i32
          %mul3A_329 = arith.muli %scan3A_319, %mul3A_328 : i32
          %swap3A = arith.index_cast %mul3A_329 : i32 to index
          %swap3A_330 = tpu.vector_load %arg21[%swap3A] {strides = array<i32>} : memref<224xf32, #tpu.memory_space<vmem>>, vector<16xf32>,
          tpu.vector_store %arg21[%swap3A], %gather3A {strides = array<i32>} : memref<224xf32, #tpu.memory_space<vmem>>, vector<16xf32>,
          %scan3A_331 = arith.constant 0 : i32
          scf.yield %scan3A_331 : i32
        }
        %scan3A_291 = arith.constant 14 : i32
        %mul3A_292 = arith.constant 224 : i32
        %mul3A_293 = arith.muli %scan3A_173, %mul3A_292 : i32
        %sub3A_294 = arith.constant 224 : i32
        %sub3A_295 = arith.subi %add3A_6, %sub3A_294 : i32
        %min3A_296 = arith.minsi %mul3A_293, %sub3A_295 : i32
        %add3A_297 = arith.addi %add3A_12, %min3A_296 : i32
        %dma_start3A_298 = tpu.memref_slice %arg7[%add3A_297] : memref<100000xf32, #tpu.memory_space<hbm>> -> memref<224xf32, #tpu.memory_space<hbm>>
        %dma_start3A_299 = tpu.memref_slice %arg7[%add3A_297] : memref<100000xf32, #tpu.memory_space<hbm>> -> memref<224xf32, #tpu.memory_space<hbm>>
        tpu.enqueue_dma source(%arg21 : memref<224xf32, #tpu.memory_space<vmem>>) target(%dma_start3A_299 : memref<224xf32, #tpu.memory_space<hbm>>) target_semaphore(%arg37 : memref<!tpu.dma_semaphore, #tpu.memory_space<semaphore_mem>>)
        %dma_start3A_300 = arith.constant 0 : i32
        %dma_start3A_301 = arith.constant 0 : i32
        %dma_start3A_302 = tpu.memref_slice %arg9[%dma_start3A_300, %dma_start3A_301] : memref<224x128xf32, #tpu.memory_space<vmem>> -> memref<128x128xf32, #tpu.memory_space<vmem>>
        %dma_start3A_303 = arith.constant 0 : i32
        %dma_start3A_304 = arith.constant 0 : i32
        %dma_start3A_305 = tpu.memref_slice %arg27[%dma_start3A_303, %dma_start3A_304] : memref<1024x128xf32, #tpu.memory_space<vmem_shared>> -> memref<1024x128xf32, #tpu.memory_space<vmem_shared>>
        tpu.enqueue_indirect_dma source(%dma_start3A_302 : memref<128x128xf32, #tpu.memory_space<vmem>>) target(%dma_start3A_305 : memref<1024x128xf32, #tpu.memory_space<vmem_shared>>) offsets(%arg14 : memref<128xi32, #tpu.memory_space<vmem>>) semaphore(%arg33 : memref<!tpu.dma_semaphore, #tpu.memory_space<semaphore_mem>>) {add = true}
        %dma_start3A_306 = arith.constant 128 : i32
        %dma_start3A_307 = arith.constant 0 : i32
        %dma_start3A_308 = tpu.memref_slice %arg9[%dma_start3A_306, %dma_start3A_307] : memref<224x128xf32, #tpu.memory_space<vmem>> -> memref<96x128xf32, #tpu.memory_space<vmem>>
        %dma_start3A_309 = arith.constant 0 : i32
        %dma_start3A_310 = arith.constant 0 : i32
        %dma_start3A_311 = tpu.memref_slice %arg27[%dma_start3A_309, %dma_start3A_310] : memref<1024x128xf32, #tpu.memory_space<vmem_shared>> -> memref<1024x128xf32, #tpu.memory_space<vmem_shared>>
        tpu.enqueue_indirect_dma source(%dma_start3A_308 : memref<96x128xf32, #tpu.memory_space<vmem>>) target(%dma_start3A_311 : memref<1024x128xf32, #tpu.memory_space<vmem_shared>>) offsets(%arg15 : memref<96xi32, #tpu.memory_space<vmem>>) semaphore(%arg33 : memref<!tpu.dma_semaphore, #tpu.memory_space<semaphore_mem>>) {add = true}
        %add3A_312 = arith.constant 2 : i32
        %add3A_313 = arith.addi %scan3A_173, %add3A_312 : i32
        %lt3A_314 = arith.constant 14 : i32
        %lt3A_315 = arith.cmpi slt, %add3A_313, %lt3A_314 : i32
        %convert_element_type3A_316 = arith.extui %lt3A_315 : i1 to i32
        %cond3A_317 = arith.constant 0 : i32
        %cond3A_318 = arith.cmpi ne, %convert_element_type3A_316, %cond3A_317 : i32
        scf.if %cond3A_318 {
          %ge3A_319 = arith.constant 2 : i32
          %ge3A_320 = arith.cmpi sge, %scan3A_173, %ge3A_319 : i32
          %convert_element_type3A_321 = arith.extui %ge3A_320 : i1 to i32
          %cond3A_322 = arith.constant 0 : i32
          %cond3A_323 = arith.cmpi ne, %convert_element_type3A_321, %cond3A_322 : i32
          scf.if %cond3A_323 {
            %dma_wait3A_344 = arith.constant 0 : i32
            %dma_wait3A_345 = arith.constant 0 : i32
            %dma_wait3A_346 = tpu.memref_slice %arg11[%dma_wait3A_344, %dma_wait3A_345] : memref<224x128xf32, #tpu.memory_space<vmem>> -> memref<128x128xf32, #tpu.memory_space<vmem>>
            %dma_wait3A_347 = arith.constant 0 : i32
            %dma_wait3A_348 = arith.constant 0 : i32
            %dma_wait3A_349 = tpu.memref_slice %arg27[%dma_wait3A_347, %dma_wait3A_348] : memref<1024x128xf32, #tpu.memory_space<vmem_shared>> -> memref<1024x128xf32, #tpu.memory_space<vmem_shared>>
            tpu.wait_indirect_dma semaphore(%arg35 : memref<!tpu.dma_semaphore, #tpu.memory_space<semaphore_mem>>) src(%dma_wait3A_346 : memref<128x128xf32, #tpu.memory_space<vmem>>) dst(%dma_wait3A_349 : memref<1024x128xf32, #tpu.memory_space<vmem_shared>>)
            %dma_wait3A_350 = arith.constant 128 : i32
            %dma_wait3A_351 = arith.constant 0 : i32
            %dma_wait3A_352 = tpu.memref_slice %arg11[%dma_wait3A_350, %dma_wait3A_351] : memref<224x128xf32, #tpu.memory_space<vmem>> -> memref<96x128xf32, #tpu.memory_space<vmem>>
            %dma_wait3A_353 = arith.constant 0 : i32
            %dma_wait3A_354 = arith.constant 0 : i32
            %dma_wait3A_355 = tpu.memref_slice %arg27[%dma_wait3A_353, %dma_wait3A_354] : memref<1024x128xf32, #tpu.memory_space<vmem_shared>> -> memref<1024x128xf32, #tpu.memory_space<vmem_shared>>
            tpu.wait_indirect_dma semaphore(%arg35 : memref<!tpu.dma_semaphore, #tpu.memory_space<semaphore_mem>>) src(%dma_wait3A_352 : memref<96x128xf32, #tpu.memory_space<vmem>>) dst(%dma_wait3A_355 : memref<1024x128xf32, #tpu.memory_space<vmem_shared>>)
          } else {
          }
          %add3A_324 = arith.constant 2 : i32
          %add3A_325 = arith.addi %scan3A_173, %add3A_324 : i32
          %mul3A_326 = arith.constant 224 : i32
          %mul3A_327 = arith.muli %add3A_325, %mul3A_326 : i32
          %sub3A_328 = arith.constant 224 : i32
          %sub3A_329 = arith.subi %add3A_6, %sub3A_328 : i32
          %min3A_330 = arith.minsi %mul3A_327, %sub3A_329 : i32
          %add3A_331 = arith.addi %add3A_12, %min3A_330 : i32
          %add3A_332 = arith.constant 0 : i32
          %add3A_333 = arith.addi %add3A_331, %add3A_332 : i32
          %add3A_334 = arith.constant 128 : i32
          %add3A_335 = arith.addi %add3A_331, %add3A_334 : i32
          %dma_start3A_336 = arith.constant 0 : i32
          %dma_start3A_337 = tpu.memref_slice %arg2[%add3A_331, %dma_start3A_336] : memref<100000x128xf32, #tpu.memory_space<hbm>> -> memref<224x128xf32, #tpu.memory_space<hbm>>
          %dma_start3A_338 = arith.constant 0 : i32
          %dma_start3A_339 = tpu.memref_slice %arg2[%add3A_331, %dma_start3A_338] : memref<100000x128xf32, #tpu.memory_space<hbm>> -> memref<224x128xf32, #tpu.memory_space<hbm>>
          tpu.enqueue_dma source(%dma_start3A_339 : memref<224x128xf32, #tpu.memory_space<hbm>>) target(%arg11 : memref<224x128xf32, #tpu.memory_space<vmem>>) target_semaphore(%arg31 : memref<!tpu.dma_semaphore, #tpu.memory_space<semaphore_mem>>)
          %dma_start3A_340 = tpu.memref_slice %arg3[%add3A_333] : memref<100000xi32, #tpu.memory_space<hbm>> -> memref<128xi32, #tpu.memory_space<hbm>>
          %dma_start3A_341 = tpu.memref_slice %arg3[%add3A_333] : memref<100000xi32, #tpu.memory_space<hbm>> -> memref<128xi32, #tpu.memory_space<hbm>>
          tpu.enqueue_dma source(%dma_start3A_341 : memref<128xi32, #tpu.memory_space<hbm>>) target(%arg18 : memref<128xi32, #tpu.memory_space<vmem>>) target_semaphore(%arg31 : memref<!tpu.dma_semaphore, #tpu.memory_space<semaphore_mem>>)
          %dma_start3A_342 = tpu.memref_slice %arg3[%add3A_335] : memref<100000xi32, #tpu.memory_space<hbm>> -> memref<96xi32, #tpu.memory_space<hbm>>
          %dma_start3A_343 = tpu.memref_slice %arg3[%add3A_335] : memref<100000xi32, #tpu.memory_space<hbm>> -> memref<96xi32, #tpu.memory_space<hbm>>
          tpu.enqueue_dma source(%dma_start3A_343 : memref<96xi32, #tpu.memory_space<hbm>>) target(%arg19 : memref<96xi32, #tpu.memory_space<vmem>>) target_semaphore(%arg31 : memref<!tpu.dma_semaphore, #tpu.memory_space<semaphore_mem>>)
        } else {
        }
      } else {
      }
      %jit3A_211 = arith.constant 4 : i32
      %eq3A_212 = arith.constant 0 : i32
      %eq3A_213 = arith.cmpi eq, %jit3A_211, %eq3A_212 : i32
      %jit3A_214 = arith.constant 1 : i32
      %select_n3A_215 = arith.select %eq3A_213, %jit3A_214, %jit3A_211 : i32
      %rem3A_216 = arith.remsi %scan3A_173, %select_n3A_215 : i32
      %ne3A_217 = arith.constant 0 : i32
      %ne3A_218 = arith.cmpi ne, %rem3A_216, %ne3A_217 : i32
      %lt3A_219 = arith.constant 0 : i32
      %lt3A_220 = arith.cmpi slt, %rem3A_216, %lt3A_219 : i32
      %lt3A_221 = arith.constant 0 : i32
      %lt3A_222 = arith.cmpi slt, %select_n3A_215, %lt3A_221 : i32
      %ne3A_223 = arith.xori %lt3A_220, %lt3A_222 : i1
      %and3A_224 = arith.andi %ne3A_223, %ne3A_218 : i1
      %add3A_225 = arith.addi %rem3A_216, %select_n3A_215 : i32
      %select_n3A_226 = arith.select %and3A_224, %add3A_225, %rem3A_216 : i32
      %eq3A_227 = arith.constant 2 : i32
      %eq3A_228 = arith.cmpi eq, %select_n3A_226, %eq3A_227 : i32
      %convert_element_type3A_229 = arith.extui %eq3A_228 : i1 to i32
      %cond3A_230 = arith.constant 0 : i32
      %cond3A_231 = arith.cmpi ne, %convert_element_type3A_229, %cond3A_230 : i32
      scf.if %cond3A_231 {
        %mul3A_254 = arith.constant 224 : i32
        %mul3A_255 = arith.muli %scan3A_173, %mul3A_254 : i32
        %sub3A_256 = arith.constant 224 : i32
        %sub3A_257 = arith.subi %add3A_6, %sub3A_256 : i32
        %min3A_258 = arith.minsi %mul3A_255, %sub3A_257 : i32
        %add3A_259 = arith.addi %add3A_12, %min3A_258 : i32
        %add3A_260 = arith.constant 0 : i32
        %add3A_261 = arith.addi %add3A_259, %add3A_260 : i32
        %add3A_262 = arith.constant 128 : i32
        %add3A_263 = arith.addi %add3A_259, %add3A_262 : i32
        %dma_wait3A_264 = arith.constant 0 : i32
        %dma_wait3A_265 = tpu.memref_slice %arg2[%add3A_259, %dma_wait3A_264] : memref<100000x128xf32, #tpu.memory_space<hbm>> -> memref<224x128xf32, #tpu.memory_space<hbm>>
        %dma_wait3A_266 = arith.constant 0 : i32
        %dma_wait3A_267 = tpu.memref_slice %arg2[%add3A_259, %dma_wait3A_266] : memref<100000x128xf32, #tpu.memory_space<hbm>> -> memref<224x128xf32, #tpu.memory_space<hbm>>
        tpu.wait_dma2 semaphore(%arg30 : memref<!tpu.dma_semaphore, #tpu.memory_space<semaphore_mem>>) src(%dma_wait3A_267 : memref<224x128xf32, #tpu.memory_space<hbm>>) dst(%arg10 : memref<224x128xf32, #tpu.memory_space<vmem>>)
        %dma_wait3A_268 = tpu.memref_slice %arg3[%add3A_261] : memref<100000xi32, #tpu.memory_space<hbm>> -> memref<128xi32, #tpu.memory_space<hbm>>
        %dma_wait3A_269 = tpu.memref_slice %arg3[%add3A_261] : memref<100000xi32, #tpu.memory_space<hbm>> -> memref<128xi32, #tpu.memory_space<hbm>>
        tpu.wait_dma2 semaphore(%arg30 : memref<!tpu.dma_semaphore, #tpu.memory_space<semaphore_mem>>) src(%dma_wait3A_269 : memref<128xi32, #tpu.memory_space<hbm>>) dst(%arg16 : memref<128xi32, #tpu.memory_space<vmem>>)
        %dma_wait3A_270 = tpu.memref_slice %arg3[%add3A_263] : memref<100000xi32, #tpu.memory_space<hbm>> -> memref<96xi32, #tpu.memory_space<hbm>>
        %dma_wait3A_271 = tpu.memref_slice %arg3[%add3A_263] : memref<100000xi32, #tpu.memory_space<hbm>> -> memref<96xi32, #tpu.memory_space<hbm>>
        tpu.wait_dma2 semaphore(%arg30 : memref<!tpu.dma_semaphore, #tpu.memory_space<semaphore_mem>>) src(%dma_wait3A_271 : memref<96xi32, #tpu.memory_space<hbm>>) dst(%arg17 : memref<96xi32, #tpu.memory_space<vmem>>)
        %ge3A = arith.constant 4 : i32
        %ge3A_272 = arith.cmpi sge, %scan3A_173, %ge3A : i32
        %convert_element_type3A_273 = arith.extui %ge3A_272 : i1 to i32
        %cond3A_274 = arith.constant 0 : i32
        %cond3A_275 = arith.cmpi ne, %convert_element_type3A_273, %cond3A_274 : i32
        scf.if %cond3A_275 {
          %sub3A_319 = arith.constant 4 : i32
          %sub3A_320 = arith.subi %scan3A_173, %sub3A_319 : i32
          %mul3A_321 = arith.constant 224 : i32
          %mul3A_322 = arith.muli %sub3A_320, %mul3A_321 : i32
          %sub3A_323 = arith.constant 224 : i32
          %sub3A_324 = arith.subi %add3A_6, %sub3A_323 : i32
          %min3A_325 = arith.minsi %mul3A_322, %sub3A_324 : i32
          %add3A_326 = arith.addi %add3A_12, %min3A_325 : i32
          %dma_wait3A_327 = tpu.memref_slice %arg7[%add3A_326] : memref<100000xf32, #tpu.memory_space<hbm>> -> memref<224xf32, #tpu.memory_space<hbm>>
          %dma_wait3A_328 = tpu.memref_slice %arg7[%add3A_326] : memref<100000xf32, #tpu.memory_space<hbm>> -> memref<224xf32, #tpu.memory_space<hbm>>
          tpu.wait_dma2 semaphore(%arg38 : memref<!tpu.dma_semaphore, #tpu.memory_space<semaphore_mem>>) src(%arg22 : memref<224xf32, #tpu.memory_space<vmem>>) dst(%dma_wait3A_328 : memref<224xf32, #tpu.memory_space<hbm>>)
        } else {
        }
        %mul3A_276 = arith.constant 224 : i32
        %mul3A_277 = arith.muli %scan3A_173, %mul3A_276 : i32
        %sub3A_278 = arith.constant 224 : i32
        %sub3A_279 = arith.subi %add3A_6, %sub3A_278 : i32
        %min3A_280 = arith.minsi %mul3A_277, %sub3A_279 : i32
        %mul3A_281 = arith.constant 224 : i32
        %mul3A_282 = arith.muli %scan3A_173, %mul3A_281 : i32
        %parallel_loop3A = arith.constant 0 : i32
        %parallel_loop3A_283 = arith.constant 224 : i32
        %parallel_loop3A_284 = arith.constant 1 : i32
        scf.for %parallel_loop3A_319 = %parallel_loop3A to %parallel_loop3A_283 step %parallel_loop3A_284  : i32 {
          %parallel_loop3A_320 = arith.index_cast %parallel_loop3A_319 : i32 to index
          %parallel_loop3A_321 = arith.constant 0 : index
          %parallel_loop3A_322 = tpu.vector_load %arg10[%parallel_loop3A_320, %parallel_loop3A_321] {strides = array<i32>} : memref<224x128xf32, #tpu.memory_space<vmem>>, vector<16xf32>,
          %parallel_loop3A_323 = arith.index_cast %parallel_loop3A_319 : i32 to index
          %parallel_loop3A_324 = arith.constant 16 : index
          %parallel_loop3A_325 = tpu.vector_load %arg10[%parallel_loop3A_323, %parallel_loop3A_324] {strides = array<i32>} : memref<224x128xf32, #tpu.memory_space<vmem>>, vector<16xf32>,
          %parallel_loop3A_326 = arith.index_cast %parallel_loop3A_319 : i32 to index
          %parallel_loop3A_327 = arith.constant 32 : index
          %parallel_loop3A_328 = tpu.vector_load %arg10[%parallel_loop3A_326, %parallel_loop3A_327] {strides = array<i32>} : memref<224x128xf32, #tpu.memory_space<vmem>>, vector<16xf32>,
          %parallel_loop3A_329 = arith.index_cast %parallel_loop3A_319 : i32 to index
          %parallel_loop3A_330 = arith.constant 48 : index
          %parallel_loop3A_331 = tpu.vector_load %arg10[%parallel_loop3A_329, %parallel_loop3A_330] {strides = array<i32>} : memref<224x128xf32, #tpu.memory_space<vmem>>, vector<16xf32>,
          %parallel_loop3A_332 = arith.index_cast %parallel_loop3A_319 : i32 to index
          %parallel_loop3A_333 = arith.constant 64 : index
          %parallel_loop3A_334 = tpu.vector_load %arg10[%parallel_loop3A_332, %parallel_loop3A_333] {strides = array<i32>} : memref<224x128xf32, #tpu.memory_space<vmem>>, vector<16xf32>,
          %parallel_loop3A_335 = arith.index_cast %parallel_loop3A_319 : i32 to index
          %parallel_loop3A_336 = arith.constant 80 : index
          %parallel_loop3A_337 = tpu.vector_load %arg10[%parallel_loop3A_335, %parallel_loop3A_336] {strides = array<i32>} : memref<224x128xf32, #tpu.memory_space<vmem>>, vector<16xf32>,
          %parallel_loop3A_338 = arith.index_cast %parallel_loop3A_319 : i32 to index
          %parallel_loop3A_339 = arith.constant 96 : index
          %parallel_loop3A_340 = tpu.vector_load %arg10[%parallel_loop3A_338, %parallel_loop3A_339] {strides = array<i32>} : memref<224x128xf32, #tpu.memory_space<vmem>>, vector<16xf32>,
          %parallel_loop3A_341 = arith.index_cast %parallel_loop3A_319 : i32 to index
          %parallel_loop3A_342 = arith.constant 112 : index
          %parallel_loop3A_343 = tpu.vector_load %arg10[%parallel_loop3A_341, %parallel_loop3A_342] {strides = array<i32>} : memref<224x128xf32, #tpu.memory_space<vmem>>, vector<16xf32>,
          %parallel_loop3A_344 = arith.mulf %parallel_loop3A_322, %get3A_13 : vector<16xf32>
          %parallel_loop3A_345 = arith.mulf %parallel_loop3A_325, %get3A_15 : vector<16xf32>
          %parallel_loop3A_346 = arith.addf %parallel_loop3A_344, %parallel_loop3A_345 : vector<16xf32>
          %parallel_loop3A_347 = arith.mulf %parallel_loop3A_328, %get3A_17 : vector<16xf32>
          %parallel_loop3A_348 = arith.addf %parallel_loop3A_346, %parallel_loop3A_347 : vector<16xf32>
          %parallel_loop3A_349 = arith.mulf %parallel_loop3A_331, %get3A_19 : vector<16xf32>
          %parallel_loop3A_350 = arith.addf %parallel_loop3A_348, %parallel_loop3A_349 : vector<16xf32>
          %parallel_loop3A_351 = arith.mulf %parallel_loop3A_334, %get3A_21 : vector<16xf32>
          %parallel_loop3A_352 = arith.addf %parallel_loop3A_350, %parallel_loop3A_351 : vector<16xf32>
          %parallel_loop3A_353 = arith.mulf %parallel_loop3A_337, %get3A_23 : vector<16xf32>
          %parallel_loop3A_354 = arith.addf %parallel_loop3A_352, %parallel_loop3A_353 : vector<16xf32>
          %parallel_loop3A_355 = arith.mulf %parallel_loop3A_340, %get3A_25 : vector<16xf32>
          %parallel_loop3A_356 = arith.addf %parallel_loop3A_354, %parallel_loop3A_355 : vector<16xf32>
          %parallel_loop3A_357 = arith.mulf %parallel_loop3A_343, %get3A_27 : vector<16xf32>
          %parallel_loop3A_358 = arith.addf %parallel_loop3A_356, %parallel_loop3A_357 : vector<16xf32>
          %parallel_loop3A_359 = vector.shape_cast %broadcast_in_dim3A_33 : vector<16x1xi32> to vector<16xi32>
          %parallel_loop3A_360 = tpu.dynamic_gather %parallel_loop3A_358[%parallel_loop3A_359] in [0] : vector<16xf32>, vector<16xi32> -> vector<16xf32>
          %parallel_loop3A_361 = arith.addf %parallel_loop3A_358, %parallel_loop3A_360 : vector<16xf32>
          %parallel_loop3A_362 = vector.shape_cast %broadcast_in_dim3A_37 : vector<16x1xi32> to vector<16xi32>
          %parallel_loop3A_363 = tpu.dynamic_gather %parallel_loop3A_361[%parallel_loop3A_362] in [0] : vector<16xf32>, vector<16xi32> -> vector<16xf32>
          %parallel_loop3A_364 = arith.addf %parallel_loop3A_361, %parallel_loop3A_363 : vector<16xf32>
          %parallel_loop3A_365 = vector.shape_cast %broadcast_in_dim3A_41 : vector<16x1xi32> to vector<16xi32>
          %parallel_loop3A_366 = tpu.dynamic_gather %parallel_loop3A_364[%parallel_loop3A_365] in [0] : vector<16xf32>, vector<16xi32> -> vector<16xf32>
          %parallel_loop3A_367 = arith.addf %parallel_loop3A_364, %parallel_loop3A_366 : vector<16xf32>
          %parallel_loop3A_368 = vector.shape_cast %broadcast_in_dim3A_45 : vector<16x1xi32> to vector<16xi32>
          %parallel_loop3A_369 = tpu.dynamic_gather %parallel_loop3A_367[%parallel_loop3A_368] in [0] : vector<16xf32>, vector<16xi32> -> vector<16xf32>
          %parallel_loop3A_370 = arith.addf %parallel_loop3A_367, %parallel_loop3A_369 : vector<16xf32>
          %parallel_loop3A_371 = vector.broadcast %squeeze3A : f32 to vector<16xf32>
          %parallel_loop3A_372 = arith.addf %parallel_loop3A_370, %parallel_loop3A_371 : vector<16xf32>
          %parallel_loop3A_373 = arith.constant 0.000000e+00 : f32
          %parallel_loop3A_374 = vector.broadcast %parallel_loop3A_373 : f32 to vector<16xf32>
          %parallel_loop3A_375 = arith.subf %parallel_loop3A_374, %parallel_loop3A_372 : vector<16xf32>
          %parallel_loop3A_376 = math.exp %parallel_loop3A_375 : vector<16xf32>
          %parallel_loop3A_377 = arith.constant 1.000000e+00 : f32
          %parallel_loop3A_378 = vector.broadcast %parallel_loop3A_377 : f32 to vector<16xf32>
          %parallel_loop3A_379 = arith.addf %parallel_loop3A_378, %parallel_loop3A_376 : vector<16xf32>
          %parallel_loop3A_380 = arith.constant 1.000000e+00 : f32
          %parallel_loop3A_381 = vector.broadcast %parallel_loop3A_380 : f32 to vector<16xf32>
          %parallel_loop3A_382 = arith.divf %parallel_loop3A_381, %parallel_loop3A_379 : vector<16xf32>
          %parallel_loop3A_383 = arith.constant 16 : i32
          %parallel_loop3A_384 = arith.muli %parallel_loop3A_319, %parallel_loop3A_383 : i32
          %parallel_loop3A_385 = arith.index_cast %parallel_loop3A_384 : i32 to index
          %parallel_loop3A_386 = tpu.vector_load %arg24[%parallel_loop3A_385] {strides = array<i32>} : memref<3584xf32, #tpu.memory_space<vmem>>, vector<16xf32>,
          tpu.vector_store %arg24[%parallel_loop3A_385], %parallel_loop3A_382 {strides = array<i32>} : memref<3584xf32, #tpu.memory_space<vmem>>, vector<16xf32>,
          %parallel_loop3A_387 = arith.addi %min3A_280, %parallel_loop3A_319 : i32
          %parallel_loop3A_388 = arith.cmpi sge, %parallel_loop3A_387, %mul3A_282 : i32
          %parallel_loop3A_389 = arith.select %parallel_loop3A_388, %parallel_loop3A_382, %broadcast_in_dim3A_30 : vector<16xf32>
          %parallel_loop3A_390 = arith.mulf %parallel_loop3A_322, %parallel_loop3A_389 : vector<16xf32>
          %parallel_loop3A_391 = arith.index_cast %parallel_loop3A_319 : i32 to index
          %parallel_loop3A_392 = arith.constant 0 : index
          %parallel_loop3A_393 = tpu.vector_load %arg10[%parallel_loop3A_391, %parallel_loop3A_392] {strides = array<i32>} : memref<224x128xf32, #tpu.memory_space<vmem>>, vector<16xf32>,
          tpu.vector_store %arg10[%parallel_loop3A_391, %parallel_loop3A_392], %parallel_loop3A_390 {strides = array<i32>} : memref<224x128xf32, #tpu.memory_space<vmem>>, vector<16xf32>,
          %parallel_loop3A_394 = arith.mulf %parallel_loop3A_325, %parallel_loop3A_389 : vector<16xf32>
          %parallel_loop3A_395 = arith.index_cast %parallel_loop3A_319 : i32 to index
          %parallel_loop3A_396 = arith.constant 16 : index
          %parallel_loop3A_397 = tpu.vector_load %arg10[%parallel_loop3A_395, %parallel_loop3A_396] {strides = array<i32>} : memref<224x128xf32, #tpu.memory_space<vmem>>, vector<16xf32>,
          tpu.vector_store %arg10[%parallel_loop3A_395, %parallel_loop3A_396], %parallel_loop3A_394 {strides = array<i32>} : memref<224x128xf32, #tpu.memory_space<vmem>>, vector<16xf32>,
          %parallel_loop3A_398 = arith.mulf %parallel_loop3A_328, %parallel_loop3A_389 : vector<16xf32>
          %parallel_loop3A_399 = arith.index_cast %parallel_loop3A_319 : i32 to index
          %parallel_loop3A_400 = arith.constant 32 : index
          %parallel_loop3A_401 = tpu.vector_load %arg10[%parallel_loop3A_399, %parallel_loop3A_400] {strides = array<i32>} : memref<224x128xf32, #tpu.memory_space<vmem>>, vector<16xf32>,
          tpu.vector_store %arg10[%parallel_loop3A_399, %parallel_loop3A_400], %parallel_loop3A_398 {strides = array<i32>} : memref<224x128xf32, #tpu.memory_space<vmem>>, vector<16xf32>,
          %parallel_loop3A_402 = arith.mulf %parallel_loop3A_331, %parallel_loop3A_389 : vector<16xf32>
          %parallel_loop3A_403 = arith.index_cast %parallel_loop3A_319 : i32 to index
          %parallel_loop3A_404 = arith.constant 48 : index
          %parallel_loop3A_405 = tpu.vector_load %arg10[%parallel_loop3A_403, %parallel_loop3A_404] {strides = array<i32>} : memref<224x128xf32, #tpu.memory_space<vmem>>, vector<16xf32>,
          tpu.vector_store %arg10[%parallel_loop3A_403, %parallel_loop3A_404], %parallel_loop3A_402 {strides = array<i32>} : memref<224x128xf32, #tpu.memory_space<vmem>>, vector<16xf32>,
          %parallel_loop3A_406 = arith.mulf %parallel_loop3A_334, %parallel_loop3A_389 : vector<16xf32>
          %parallel_loop3A_407 = arith.index_cast %parallel_loop3A_319 : i32 to index
          %parallel_loop3A_408 = arith.constant 64 : index
          %parallel_loop3A_409 = tpu.vector_load %arg10[%parallel_loop3A_407, %parallel_loop3A_408] {strides = array<i32>} : memref<224x128xf32, #tpu.memory_space<vmem>>, vector<16xf32>,
          tpu.vector_store %arg10[%parallel_loop3A_407, %parallel_loop3A_408], %parallel_loop3A_406 {strides = array<i32>} : memref<224x128xf32, #tpu.memory_space<vmem>>, vector<16xf32>,
          %parallel_loop3A_410 = arith.mulf %parallel_loop3A_337, %parallel_loop3A_389 : vector<16xf32>
          %parallel_loop3A_411 = arith.index_cast %parallel_loop3A_319 : i32 to index
          %parallel_loop3A_412 = arith.constant 80 : index
          %parallel_loop3A_413 = tpu.vector_load %arg10[%parallel_loop3A_411, %parallel_loop3A_412] {strides = array<i32>} : memref<224x128xf32, #tpu.memory_space<vmem>>, vector<16xf32>,
          tpu.vector_store %arg10[%parallel_loop3A_411, %parallel_loop3A_412], %parallel_loop3A_410 {strides = array<i32>} : memref<224x128xf32, #tpu.memory_space<vmem>>, vector<16xf32>,
          %parallel_loop3A_414 = arith.mulf %parallel_loop3A_340, %parallel_loop3A_389 : vector<16xf32>
          %parallel_loop3A_415 = arith.index_cast %parallel_loop3A_319 : i32 to index
          %parallel_loop3A_416 = arith.constant 96 : index
          %parallel_loop3A_417 = tpu.vector_load %arg10[%parallel_loop3A_415, %parallel_loop3A_416] {strides = array<i32>} : memref<224x128xf32, #tpu.memory_space<vmem>>, vector<16xf32>,
          tpu.vector_store %arg10[%parallel_loop3A_415, %parallel_loop3A_416], %parallel_loop3A_414 {strides = array<i32>} : memref<224x128xf32, #tpu.memory_space<vmem>>, vector<16xf32>,
          %parallel_loop3A_418 = arith.mulf %parallel_loop3A_343, %parallel_loop3A_389 : vector<16xf32>
          %parallel_loop3A_419 = arith.index_cast %parallel_loop3A_319 : i32 to index
          %parallel_loop3A_420 = arith.constant 112 : index
          %parallel_loop3A_421 = tpu.vector_load %arg10[%parallel_loop3A_419, %parallel_loop3A_420] {strides = array<i32>} : memref<224x128xf32, #tpu.memory_space<vmem>>, vector<16xf32>,
          tpu.vector_store %arg10[%parallel_loop3A_419, %parallel_loop3A_420], %parallel_loop3A_418 {strides = array<i32>} : memref<224x128xf32, #tpu.memory_space<vmem>>, vector<16xf32>,
        } {sc.loop_unroll_factor = 1 : i64, sc.parallel_access}
        %scan3A_285 = arith.constant 0 : i32
        %scan3A_286 = arith.constant 0 : i32
        %scan3A_287 = arith.constant 14 : i32
        %scan3A_288 = arith.addi %scan3A_286, %scan3A_287 : i32
        %scan3A_289 = arith.constant 1 : i32
        %scan3A_290 = scf.for %scan3A_319 = %scan3A_286 to %scan3A_288 step %scan3A_289 iter_args(%scan3A_320 = %scan3A_285) -> (i32)  : i32 {
          %mul3A_321 = arith.constant 256 : i32
          %mul3A_322 = arith.muli %scan3A_319, %mul3A_321 : i32
          %mul3A_323 = arith.constant 17 : i32
          %mul3A_324 = vector.broadcast %mul3A_323 : i32 to vector<16xi32>
          %mul3A_325 = arith.muli %mul3A_324, %iota3A : vector<16xi32>
          %add3A_326 = vector.broadcast %mul3A_322 : i32 to vector<16xi32>
          %add3A_327 = arith.addi %add3A_326, %mul3A_325 : vector<16xi32>
          %gather3A = tpu.vector_load_idx %arg24[%add3A_327] : memref<3584xf32, #tpu.memory_space<vmem>>[vector<16xi32>], vector<16xf32>,
          %mul3A_328 = arith.constant 16 : i32
          %mul3A_329 = arith.muli %scan3A_319, %mul3A_328 : i32
          %swap3A = arith.index_cast %mul3A_329 : i32 to index
          %swap3A_330 = tpu.vector_load %arg22[%swap3A] {strides = array<i32>} : memref<224xf32, #tpu.memory_space<vmem>>, vector<16xf32>,
          tpu.vector_store %arg22[%swap3A], %gather3A {strides = array<i32>} : memref<224xf32, #tpu.memory_space<vmem>>, vector<16xf32>,
          %scan3A_331 = arith.constant 0 : i32
          scf.yield %scan3A_331 : i32
        }
        %scan3A_291 = arith.constant 14 : i32
        %mul3A_292 = arith.constant 224 : i32
        %mul3A_293 = arith.muli %scan3A_173, %mul3A_292 : i32
        %sub3A_294 = arith.constant 224 : i32
        %sub3A_295 = arith.subi %add3A_6, %sub3A_294 : i32
        %min3A_296 = arith.minsi %mul3A_293, %sub3A_295 : i32
        %add3A_297 = arith.addi %add3A_12, %min3A_296 : i32
        %dma_start3A_298 = tpu.memref_slice %arg7[%add3A_297] : memref<100000xf32, #tpu.memory_space<hbm>> -> memref<224xf32, #tpu.memory_space<hbm>>
        %dma_start3A_299 = tpu.memref_slice %arg7[%add3A_297] : memref<100000xf32, #tpu.memory_space<hbm>> -> memref<224xf32, #tpu.memory_space<hbm>>
        tpu.enqueue_dma source(%arg22 : memref<224xf32, #tpu.memory_space<vmem>>) target(%dma_start3A_299 : memref<224xf32, #tpu.memory_space<hbm>>) target_semaphore(%arg38 : memref<!tpu.dma_semaphore, #tpu.memory_space<semaphore_mem>>)
        %dma_start3A_300 = arith.constant 0 : i32
        %dma_start3A_301 = arith.constant 0 : i32
        %dma_start3A_302 = tpu.memref_slice %arg10[%dma_start3A_300, %dma_start3A_301] : memref<224x128xf32, #tpu.memory_space<vmem>> -> memref<128x128xf32, #tpu.memory_space<vmem>>
        %dma_start3A_303 = arith.constant 0 : i32
        %dma_start3A_304 = arith.constant 0 : i32
        %dma_start3A_305 = tpu.memref_slice %arg27[%dma_start3A_303, %dma_start3A_304] : memref<1024x128xf32, #tpu.memory_space<vmem_shared>> -> memref<1024x128xf32, #tpu.memory_space<vmem_shared>>
        tpu.enqueue_indirect_dma source(%dma_start3A_302 : memref<128x128xf32, #tpu.memory_space<vmem>>) target(%dma_start3A_305 : memref<1024x128xf32, #tpu.memory_space<vmem_shared>>) offsets(%arg16 : memref<128xi32, #tpu.memory_space<vmem>>) semaphore(%arg34 : memref<!tpu.dma_semaphore, #tpu.memory_space<semaphore_mem>>) {add = true}
        %dma_start3A_306 = arith.constant 128 : i32
        %dma_start3A_307 = arith.constant 0 : i32
        %dma_start3A_308 = tpu.memref_slice %arg10[%dma_start3A_306, %dma_start3A_307] : memref<224x128xf32, #tpu.memory_space<vmem>> -> memref<96x128xf32, #tpu.memory_space<vmem>>
        %dma_start3A_309 = arith.constant 0 : i32
        %dma_start3A_310 = arith.constant 0 : i32
        %dma_start3A_311 = tpu.memref_slice %arg27[%dma_start3A_309, %dma_start3A_310] : memref<1024x128xf32, #tpu.memory_space<vmem_shared>> -> memref<1024x128xf32, #tpu.memory_space<vmem_shared>>
        tpu.enqueue_indirect_dma source(%dma_start3A_308 : memref<96x128xf32, #tpu.memory_space<vmem>>) target(%dma_start3A_311 : memref<1024x128xf32, #tpu.memory_space<vmem_shared>>) offsets(%arg17 : memref<96xi32, #tpu.memory_space<vmem>>) semaphore(%arg34 : memref<!tpu.dma_semaphore, #tpu.memory_space<semaphore_mem>>) {add = true}
        %add3A_312 = arith.constant 2 : i32
        %add3A_313 = arith.addi %scan3A_173, %add3A_312 : i32
        %lt3A_314 = arith.constant 14 : i32
        %lt3A_315 = arith.cmpi slt, %add3A_313, %lt3A_314 : i32
        %convert_element_type3A_316 = arith.extui %lt3A_315 : i1 to i32
        %cond3A_317 = arith.constant 0 : i32
        %cond3A_318 = arith.cmpi ne, %convert_element_type3A_316, %cond3A_317 : i32
        scf.if %cond3A_318 {
          %ge3A_319 = arith.constant 2 : i32
          %ge3A_320 = arith.cmpi sge, %scan3A_173, %ge3A_319 : i32
          %convert_element_type3A_321 = arith.extui %ge3A_320 : i1 to i32
          %cond3A_322 = arith.constant 0 : i32
          %cond3A_323 = arith.cmpi ne, %convert_element_type3A_321, %cond3A_322 : i32
          scf.if %cond3A_323 {
            %dma_wait3A_344 = arith.constant 0 : i32
            %dma_wait3A_345 = arith.constant 0 : i32
            %dma_wait3A_346 = tpu.memref_slice %arg8[%dma_wait3A_344, %dma_wait3A_345] : memref<224x128xf32, #tpu.memory_space<vmem>> -> memref<128x128xf32, #tpu.memory_space<vmem>>
            %dma_wait3A_347 = arith.constant 0 : i32
            %dma_wait3A_348 = arith.constant 0 : i32
            %dma_wait3A_349 = tpu.memref_slice %arg27[%dma_wait3A_347, %dma_wait3A_348] : memref<1024x128xf32, #tpu.memory_space<vmem_shared>> -> memref<1024x128xf32, #tpu.memory_space<vmem_shared>>
            tpu.wait_indirect_dma semaphore(%arg32 : memref<!tpu.dma_semaphore, #tpu.memory_space<semaphore_mem>>) src(%dma_wait3A_346 : memref<128x128xf32, #tpu.memory_space<vmem>>) dst(%dma_wait3A_349 : memref<1024x128xf32, #tpu.memory_space<vmem_shared>>)
            %dma_wait3A_350 = arith.constant 128 : i32
            %dma_wait3A_351 = arith.constant 0 : i32
            %dma_wait3A_352 = tpu.memref_slice %arg8[%dma_wait3A_350, %dma_wait3A_351] : memref<224x128xf32, #tpu.memory_space<vmem>> -> memref<96x128xf32, #tpu.memory_space<vmem>>
            %dma_wait3A_353 = arith.constant 0 : i32
            %dma_wait3A_354 = arith.constant 0 : i32
            %dma_wait3A_355 = tpu.memref_slice %arg27[%dma_wait3A_353, %dma_wait3A_354] : memref<1024x128xf32, #tpu.memory_space<vmem_shared>> -> memref<1024x128xf32, #tpu.memory_space<vmem_shared>>
            tpu.wait_indirect_dma semaphore(%arg32 : memref<!tpu.dma_semaphore, #tpu.memory_space<semaphore_mem>>) src(%dma_wait3A_352 : memref<96x128xf32, #tpu.memory_space<vmem>>) dst(%dma_wait3A_355 : memref<1024x128xf32, #tpu.memory_space<vmem_shared>>)
          } else {
          }
          %add3A_324 = arith.constant 2 : i32
          %add3A_325 = arith.addi %scan3A_173, %add3A_324 : i32
          %mul3A_326 = arith.constant 224 : i32
          %mul3A_327 = arith.muli %add3A_325, %mul3A_326 : i32
          %sub3A_328 = arith.constant 224 : i32
          %sub3A_329 = arith.subi %add3A_6, %sub3A_328 : i32
          %min3A_330 = arith.minsi %mul3A_327, %sub3A_329 : i32
          %add3A_331 = arith.addi %add3A_12, %min3A_330 : i32
          %add3A_332 = arith.constant 0 : i32
          %add3A_333 = arith.addi %add3A_331, %add3A_332 : i32
          %add3A_334 = arith.constant 128 : i32
          %add3A_335 = arith.addi %add3A_331, %add3A_334 : i32
          %dma_start3A_336 = arith.constant 0 : i32
          %dma_start3A_337 = tpu.memref_slice %arg2[%add3A_331, %dma_start3A_336] : memref<100000x128xf32, #tpu.memory_space<hbm>> -> memref<224x128xf32, #tpu.memory_space<hbm>>
          %dma_start3A_338 = arith.constant 0 : i32
          %dma_start3A_339 = tpu.memref_slice %arg2[%add3A_331, %dma_start3A_338] : memref<100000x128xf32, #tpu.memory_space<hbm>> -> memref<224x128xf32, #tpu.memory_space<hbm>>
          tpu.enqueue_dma source(%dma_start3A_339 : memref<224x128xf32, #tpu.memory_space<hbm>>) target(%arg8 : memref<224x128xf32, #tpu.memory_space<vmem>>) target_semaphore(%arg28 : memref<!tpu.dma_semaphore, #tpu.memory_space<semaphore_mem>>)
          %dma_start3A_340 = tpu.memref_slice %arg3[%add3A_333] : memref<100000xi32, #tpu.memory_space<hbm>> -> memref<128xi32, #tpu.memory_space<hbm>>
          %dma_start3A_341 = tpu.memref_slice %arg3[%add3A_333] : memref<100000xi32, #tpu.memory_space<hbm>> -> memref<128xi32, #tpu.memory_space<hbm>>
          tpu.enqueue_dma source(%dma_start3A_341 : memref<128xi32, #tpu.memory_space<hbm>>) target(%arg12 : memref<128xi32, #tpu.memory_space<vmem>>) target_semaphore(%arg28 : memref<!tpu.dma_semaphore, #tpu.memory_space<semaphore_mem>>)
          %dma_start3A_342 = tpu.memref_slice %arg3[%add3A_335] : memref<100000xi32, #tpu.memory_space<hbm>> -> memref<96xi32, #tpu.memory_space<hbm>>
          %dma_start3A_343 = tpu.memref_slice %arg3[%add3A_335] : memref<100000xi32, #tpu.memory_space<hbm>> -> memref<96xi32, #tpu.memory_space<hbm>>
          tpu.enqueue_dma source(%dma_start3A_343 : memref<96xi32, #tpu.memory_space<hbm>>) target(%arg13 : memref<96xi32, #tpu.memory_space<vmem>>) target_semaphore(%arg28 : memref<!tpu.dma_semaphore, #tpu.memory_space<semaphore_mem>>)
        } else {
        }
      } else {
      }
      %jit3A_232 = arith.constant 4 : i32
      %eq3A_233 = arith.constant 0 : i32
      %eq3A_234 = arith.cmpi eq, %jit3A_232, %eq3A_233 : i32
      %jit3A_235 = arith.constant 1 : i32
      %select_n3A_236 = arith.select %eq3A_234, %jit3A_235, %jit3A_232 : i32
      %rem3A_237 = arith.remsi %scan3A_173, %select_n3A_236 : i32
      %ne3A_238 = arith.constant 0 : i32
      %ne3A_239 = arith.cmpi ne, %rem3A_237, %ne3A_238 : i32
      %lt3A_240 = arith.constant 0 : i32
      %lt3A_241 = arith.cmpi slt, %rem3A_237, %lt3A_240 : i32
      %lt3A_242 = arith.constant 0 : i32
      %lt3A_243 = arith.cmpi slt, %select_n3A_236, %lt3A_242 : i32
      %ne3A_244 = arith.xori %lt3A_241, %lt3A_243 : i1
      %and3A_245 = arith.andi %ne3A_244, %ne3A_239 : i1
      %add3A_246 = arith.addi %rem3A_237, %select_n3A_236 : i32
      %select_n3A_247 = arith.select %and3A_245, %add3A_246, %rem3A_237 : i32
      %eq3A_248 = arith.constant 3 : i32
      %eq3A_249 = arith.cmpi eq, %select_n3A_247, %eq3A_248 : i32
      %convert_element_type3A_250 = arith.extui %eq3A_249 : i1 to i32
      %cond3A_251 = arith.constant 0 : i32
      %cond3A_252 = arith.cmpi ne, %convert_element_type3A_250, %cond3A_251 : i32
      scf.if %cond3A_252 {
        %mul3A_254 = arith.constant 224 : i32
        %mul3A_255 = arith.muli %scan3A_173, %mul3A_254 : i32
        %sub3A_256 = arith.constant 224 : i32
        %sub3A_257 = arith.subi %add3A_6, %sub3A_256 : i32
        %min3A_258 = arith.minsi %mul3A_255, %sub3A_257 : i32
        %add3A_259 = arith.addi %add3A_12, %min3A_258 : i32
        %add3A_260 = arith.constant 0 : i32
        %add3A_261 = arith.addi %add3A_259, %add3A_260 : i32
        %add3A_262 = arith.constant 128 : i32
        %add3A_263 = arith.addi %add3A_259, %add3A_262 : i32
        %dma_wait3A_264 = arith.constant 0 : i32
        %dma_wait3A_265 = tpu.memref_slice %arg2[%add3A_259, %dma_wait3A_264] : memref<100000x128xf32, #tpu.memory_space<hbm>> -> memref<224x128xf32, #tpu.memory_space<hbm>>
        %dma_wait3A_266 = arith.constant 0 : i32
        %dma_wait3A_267 = tpu.memref_slice %arg2[%add3A_259, %dma_wait3A_266] : memref<100000x128xf32, #tpu.memory_space<hbm>> -> memref<224x128xf32, #tpu.memory_space<hbm>>
        tpu.wait_dma2 semaphore(%arg31 : memref<!tpu.dma_semaphore, #tpu.memory_space<semaphore_mem>>) src(%dma_wait3A_267 : memref<224x128xf32, #tpu.memory_space<hbm>>) dst(%arg11 : memref<224x128xf32, #tpu.memory_space<vmem>>)
        %dma_wait3A_268 = tpu.memref_slice %arg3[%add3A_261] : memref<100000xi32, #tpu.memory_space<hbm>> -> memref<128xi32, #tpu.memory_space<hbm>>
        %dma_wait3A_269 = tpu.memref_slice %arg3[%add3A_261] : memref<100000xi32, #tpu.memory_space<hbm>> -> memref<128xi32, #tpu.memory_space<hbm>>
        tpu.wait_dma2 semaphore(%arg31 : memref<!tpu.dma_semaphore, #tpu.memory_space<semaphore_mem>>) src(%dma_wait3A_269 : memref<128xi32, #tpu.memory_space<hbm>>) dst(%arg18 : memref<128xi32, #tpu.memory_space<vmem>>)
        %dma_wait3A_270 = tpu.memref_slice %arg3[%add3A_263] : memref<100000xi32, #tpu.memory_space<hbm>> -> memref<96xi32, #tpu.memory_space<hbm>>
        %dma_wait3A_271 = tpu.memref_slice %arg3[%add3A_263] : memref<100000xi32, #tpu.memory_space<hbm>> -> memref<96xi32, #tpu.memory_space<hbm>>
        tpu.wait_dma2 semaphore(%arg31 : memref<!tpu.dma_semaphore, #tpu.memory_space<semaphore_mem>>) src(%dma_wait3A_271 : memref<96xi32, #tpu.memory_space<hbm>>) dst(%arg19 : memref<96xi32, #tpu.memory_space<vmem>>)
        %ge3A = arith.constant 4 : i32
        %ge3A_272 = arith.cmpi sge, %scan3A_173, %ge3A : i32
        %convert_element_type3A_273 = arith.extui %ge3A_272 : i1 to i32
        %cond3A_274 = arith.constant 0 : i32
        %cond3A_275 = arith.cmpi ne, %convert_element_type3A_273, %cond3A_274 : i32
        scf.if %cond3A_275 {
          %sub3A_319 = arith.constant 4 : i32
          %sub3A_320 = arith.subi %scan3A_173, %sub3A_319 : i32
          %mul3A_321 = arith.constant 224 : i32
          %mul3A_322 = arith.muli %sub3A_320, %mul3A_321 : i32
          %sub3A_323 = arith.constant 224 : i32
          %sub3A_324 = arith.subi %add3A_6, %sub3A_323 : i32
          %min3A_325 = arith.minsi %mul3A_322, %sub3A_324 : i32
          %add3A_326 = arith.addi %add3A_12, %min3A_325 : i32
          %dma_wait3A_327 = tpu.memref_slice %arg7[%add3A_326] : memref<100000xf32, #tpu.memory_space<hbm>> -> memref<224xf32, #tpu.memory_space<hbm>>
          %dma_wait3A_328 = tpu.memref_slice %arg7[%add3A_326] : memref<100000xf32, #tpu.memory_space<hbm>> -> memref<224xf32, #tpu.memory_space<hbm>>
          tpu.wait_dma2 semaphore(%arg39 : memref<!tpu.dma_semaphore, #tpu.memory_space<semaphore_mem>>) src(%arg23 : memref<224xf32, #tpu.memory_space<vmem>>) dst(%dma_wait3A_328 : memref<224xf32, #tpu.memory_space<hbm>>)
        } else {
        }
        %mul3A_276 = arith.constant 224 : i32
        %mul3A_277 = arith.muli %scan3A_173, %mul3A_276 : i32
        %sub3A_278 = arith.constant 224 : i32
        %sub3A_279 = arith.subi %add3A_6, %sub3A_278 : i32
        %min3A_280 = arith.minsi %mul3A_277, %sub3A_279 : i32
        %mul3A_281 = arith.constant 224 : i32
        %mul3A_282 = arith.muli %scan3A_173, %mul3A_281 : i32
        %parallel_loop3A = arith.constant 0 : i32
        %parallel_loop3A_283 = arith.constant 224 : i32
        %parallel_loop3A_284 = arith.constant 1 : i32
        scf.for %parallel_loop3A_319 = %parallel_loop3A to %parallel_loop3A_283 step %parallel_loop3A_284  : i32 {
          %parallel_loop3A_320 = arith.index_cast %parallel_loop3A_319 : i32 to index
          %parallel_loop3A_321 = arith.constant 0 : index
          %parallel_loop3A_322 = tpu.vector_load %arg11[%parallel_loop3A_320, %parallel_loop3A_321] {strides = array<i32>} : memref<224x128xf32, #tpu.memory_space<vmem>>, vector<16xf32>,
          %parallel_loop3A_323 = arith.index_cast %parallel_loop3A_319 : i32 to index
          %parallel_loop3A_324 = arith.constant 16 : index
          %parallel_loop3A_325 = tpu.vector_load %arg11[%parallel_loop3A_323, %parallel_loop3A_324] {strides = array<i32>} : memref<224x128xf32, #tpu.memory_space<vmem>>, vector<16xf32>,
          %parallel_loop3A_326 = arith.index_cast %parallel_loop3A_319 : i32 to index
          %parallel_loop3A_327 = arith.constant 32 : index
          %parallel_loop3A_328 = tpu.vector_load %arg11[%parallel_loop3A_326, %parallel_loop3A_327] {strides = array<i32>} : memref<224x128xf32, #tpu.memory_space<vmem>>, vector<16xf32>,
          %parallel_loop3A_329 = arith.index_cast %parallel_loop3A_319 : i32 to index
          %parallel_loop3A_330 = arith.constant 48 : index
          %parallel_loop3A_331 = tpu.vector_load %arg11[%parallel_loop3A_329, %parallel_loop3A_330] {strides = array<i32>} : memref<224x128xf32, #tpu.memory_space<vmem>>, vector<16xf32>,
          %parallel_loop3A_332 = arith.index_cast %parallel_loop3A_319 : i32 to index
          %parallel_loop3A_333 = arith.constant 64 : index
          %parallel_loop3A_334 = tpu.vector_load %arg11[%parallel_loop3A_332, %parallel_loop3A_333] {strides = array<i32>} : memref<224x128xf32, #tpu.memory_space<vmem>>, vector<16xf32>,
          %parallel_loop3A_335 = arith.index_cast %parallel_loop3A_319 : i32 to index
          %parallel_loop3A_336 = arith.constant 80 : index
          %parallel_loop3A_337 = tpu.vector_load %arg11[%parallel_loop3A_335, %parallel_loop3A_336] {strides = array<i32>} : memref<224x128xf32, #tpu.memory_space<vmem>>, vector<16xf32>,
          %parallel_loop3A_338 = arith.index_cast %parallel_loop3A_319 : i32 to index
          %parallel_loop3A_339 = arith.constant 96 : index
          %parallel_loop3A_340 = tpu.vector_load %arg11[%parallel_loop3A_338, %parallel_loop3A_339] {strides = array<i32>} : memref<224x128xf32, #tpu.memory_space<vmem>>, vector<16xf32>,
          %parallel_loop3A_341 = arith.index_cast %parallel_loop3A_319 : i32 to index
          %parallel_loop3A_342 = arith.constant 112 : index
          %parallel_loop3A_343 = tpu.vector_load %arg11[%parallel_loop3A_341, %parallel_loop3A_342] {strides = array<i32>} : memref<224x128xf32, #tpu.memory_space<vmem>>, vector<16xf32>,
          %parallel_loop3A_344 = arith.mulf %parallel_loop3A_322, %get3A_13 : vector<16xf32>
          %parallel_loop3A_345 = arith.mulf %parallel_loop3A_325, %get3A_15 : vector<16xf32>
          %parallel_loop3A_346 = arith.addf %parallel_loop3A_344, %parallel_loop3A_345 : vector<16xf32>
          %parallel_loop3A_347 = arith.mulf %parallel_loop3A_328, %get3A_17 : vector<16xf32>
          %parallel_loop3A_348 = arith.addf %parallel_loop3A_346, %parallel_loop3A_347 : vector<16xf32>
          %parallel_loop3A_349 = arith.mulf %parallel_loop3A_331, %get3A_19 : vector<16xf32>
          %parallel_loop3A_350 = arith.addf %parallel_loop3A_348, %parallel_loop3A_349 : vector<16xf32>
          %parallel_loop3A_351 = arith.mulf %parallel_loop3A_334, %get3A_21 : vector<16xf32>
          %parallel_loop3A_352 = arith.addf %parallel_loop3A_350, %parallel_loop3A_351 : vector<16xf32>
          %parallel_loop3A_353 = arith.mulf %parallel_loop3A_337, %get3A_23 : vector<16xf32>
          %parallel_loop3A_354 = arith.addf %parallel_loop3A_352, %parallel_loop3A_353 : vector<16xf32>
          %parallel_loop3A_355 = arith.mulf %parallel_loop3A_340, %get3A_25 : vector<16xf32>
          %parallel_loop3A_356 = arith.addf %parallel_loop3A_354, %parallel_loop3A_355 : vector<16xf32>
          %parallel_loop3A_357 = arith.mulf %parallel_loop3A_343, %get3A_27 : vector<16xf32>
          %parallel_loop3A_358 = arith.addf %parallel_loop3A_356, %parallel_loop3A_357 : vector<16xf32>
          %parallel_loop3A_359 = vector.shape_cast %broadcast_in_dim3A_33 : vector<16x1xi32> to vector<16xi32>
          %parallel_loop3A_360 = tpu.dynamic_gather %parallel_loop3A_358[%parallel_loop3A_359] in [0] : vector<16xf32>, vector<16xi32> -> vector<16xf32>
          %parallel_loop3A_361 = arith.addf %parallel_loop3A_358, %parallel_loop3A_360 : vector<16xf32>
          %parallel_loop3A_362 = vector.shape_cast %broadcast_in_dim3A_37 : vector<16x1xi32> to vector<16xi32>
          %parallel_loop3A_363 = tpu.dynamic_gather %parallel_loop3A_361[%parallel_loop3A_362] in [0] : vector<16xf32>, vector<16xi32> -> vector<16xf32>
          %parallel_loop3A_364 = arith.addf %parallel_loop3A_361, %parallel_loop3A_363 : vector<16xf32>
          %parallel_loop3A_365 = vector.shape_cast %broadcast_in_dim3A_41 : vector<16x1xi32> to vector<16xi32>
          %parallel_loop3A_366 = tpu.dynamic_gather %parallel_loop3A_364[%parallel_loop3A_365] in [0] : vector<16xf32>, vector<16xi32> -> vector<16xf32>
          %parallel_loop3A_367 = arith.addf %parallel_loop3A_364, %parallel_loop3A_366 : vector<16xf32>
          %parallel_loop3A_368 = vector.shape_cast %broadcast_in_dim3A_45 : vector<16x1xi32> to vector<16xi32>
          %parallel_loop3A_369 = tpu.dynamic_gather %parallel_loop3A_367[%parallel_loop3A_368] in [0] : vector<16xf32>, vector<16xi32> -> vector<16xf32>
          %parallel_loop3A_370 = arith.addf %parallel_loop3A_367, %parallel_loop3A_369 : vector<16xf32>
          %parallel_loop3A_371 = vector.broadcast %squeeze3A : f32 to vector<16xf32>
          %parallel_loop3A_372 = arith.addf %parallel_loop3A_370, %parallel_loop3A_371 : vector<16xf32>
          %parallel_loop3A_373 = arith.constant 0.000000e+00 : f32
          %parallel_loop3A_374 = vector.broadcast %parallel_loop3A_373 : f32 to vector<16xf32>
          %parallel_loop3A_375 = arith.subf %parallel_loop3A_374, %parallel_loop3A_372 : vector<16xf32>
          %parallel_loop3A_376 = math.exp %parallel_loop3A_375 : vector<16xf32>
          %parallel_loop3A_377 = arith.constant 1.000000e+00 : f32
          %parallel_loop3A_378 = vector.broadcast %parallel_loop3A_377 : f32 to vector<16xf32>
          %parallel_loop3A_379 = arith.addf %parallel_loop3A_378, %parallel_loop3A_376 : vector<16xf32>
          %parallel_loop3A_380 = arith.constant 1.000000e+00 : f32
          %parallel_loop3A_381 = vector.broadcast %parallel_loop3A_380 : f32 to vector<16xf32>
          %parallel_loop3A_382 = arith.divf %parallel_loop3A_381, %parallel_loop3A_379 : vector<16xf32>
          %parallel_loop3A_383 = arith.constant 16 : i32
          %parallel_loop3A_384 = arith.muli %parallel_loop3A_319, %parallel_loop3A_383 : i32
          %parallel_loop3A_385 = arith.index_cast %parallel_loop3A_384 : i32 to index
          %parallel_loop3A_386 = tpu.vector_load %arg24[%parallel_loop3A_385] {strides = array<i32>} : memref<3584xf32, #tpu.memory_space<vmem>>, vector<16xf32>,
          tpu.vector_store %arg24[%parallel_loop3A_385], %parallel_loop3A_382 {strides = array<i32>} : memref<3584xf32, #tpu.memory_space<vmem>>, vector<16xf32>,
          %parallel_loop3A_387 = arith.addi %min3A_280, %parallel_loop3A_319 : i32
          %parallel_loop3A_388 = arith.cmpi sge, %parallel_loop3A_387, %mul3A_282 : i32
          %parallel_loop3A_389 = arith.select %parallel_loop3A_388, %parallel_loop3A_382, %broadcast_in_dim3A_30 : vector<16xf32>
          %parallel_loop3A_390 = arith.mulf %parallel_loop3A_322, %parallel_loop3A_389 : vector<16xf32>
          %parallel_loop3A_391 = arith.index_cast %parallel_loop3A_319 : i32 to index
          %parallel_loop3A_392 = arith.constant 0 : index
          %parallel_loop3A_393 = tpu.vector_load %arg11[%parallel_loop3A_391, %parallel_loop3A_392] {strides = array<i32>} : memref<224x128xf32, #tpu.memory_space<vmem>>, vector<16xf32>,
          tpu.vector_store %arg11[%parallel_loop3A_391, %parallel_loop3A_392], %parallel_loop3A_390 {strides = array<i32>} : memref<224x128xf32, #tpu.memory_space<vmem>>, vector<16xf32>,
          %parallel_loop3A_394 = arith.mulf %parallel_loop3A_325, %parallel_loop3A_389 : vector<16xf32>
          %parallel_loop3A_395 = arith.index_cast %parallel_loop3A_319 : i32 to index
          %parallel_loop3A_396 = arith.constant 16 : index
          %parallel_loop3A_397 = tpu.vector_load %arg11[%parallel_loop3A_395, %parallel_loop3A_396] {strides = array<i32>} : memref<224x128xf32, #tpu.memory_space<vmem>>, vector<16xf32>,
          tpu.vector_store %arg11[%parallel_loop3A_395, %parallel_loop3A_396], %parallel_loop3A_394 {strides = array<i32>} : memref<224x128xf32, #tpu.memory_space<vmem>>, vector<16xf32>,
          %parallel_loop3A_398 = arith.mulf %parallel_loop3A_328, %parallel_loop3A_389 : vector<16xf32>
          %parallel_loop3A_399 = arith.index_cast %parallel_loop3A_319 : i32 to index
          %parallel_loop3A_400 = arith.constant 32 : index
          %parallel_loop3A_401 = tpu.vector_load %arg11[%parallel_loop3A_399, %parallel_loop3A_400] {strides = array<i32>} : memref<224x128xf32, #tpu.memory_space<vmem>>, vector<16xf32>,
          tpu.vector_store %arg11[%parallel_loop3A_399, %parallel_loop3A_400], %parallel_loop3A_398 {strides = array<i32>} : memref<224x128xf32, #tpu.memory_space<vmem>>, vector<16xf32>,
          %parallel_loop3A_402 = arith.mulf %parallel_loop3A_331, %parallel_loop3A_389 : vector<16xf32>
          %parallel_loop3A_403 = arith.index_cast %parallel_loop3A_319 : i32 to index
          %parallel_loop3A_404 = arith.constant 48 : index
          %parallel_loop3A_405 = tpu.vector_load %arg11[%parallel_loop3A_403, %parallel_loop3A_404] {strides = array<i32>} : memref<224x128xf32, #tpu.memory_space<vmem>>, vector<16xf32>,
          tpu.vector_store %arg11[%parallel_loop3A_403, %parallel_loop3A_404], %parallel_loop3A_402 {strides = array<i32>} : memref<224x128xf32, #tpu.memory_space<vmem>>, vector<16xf32>,
          %parallel_loop3A_406 = arith.mulf %parallel_loop3A_334, %parallel_loop3A_389 : vector<16xf32>
          %parallel_loop3A_407 = arith.index_cast %parallel_loop3A_319 : i32 to index
          %parallel_loop3A_408 = arith.constant 64 : index
          %parallel_loop3A_409 = tpu.vector_load %arg11[%parallel_loop3A_407, %parallel_loop3A_408] {strides = array<i32>} : memref<224x128xf32, #tpu.memory_space<vmem>>, vector<16xf32>,
          tpu.vector_store %arg11[%parallel_loop3A_407, %parallel_loop3A_408], %parallel_loop3A_406 {strides = array<i32>} : memref<224x128xf32, #tpu.memory_space<vmem>>, vector<16xf32>,
          %parallel_loop3A_410 = arith.mulf %parallel_loop3A_337, %parallel_loop3A_389 : vector<16xf32>
          %parallel_loop3A_411 = arith.index_cast %parallel_loop3A_319 : i32 to index
          %parallel_loop3A_412 = arith.constant 80 : index
          %parallel_loop3A_413 = tpu.vector_load %arg11[%parallel_loop3A_411, %parallel_loop3A_412] {strides = array<i32>} : memref<224x128xf32, #tpu.memory_space<vmem>>, vector<16xf32>,
          tpu.vector_store %arg11[%parallel_loop3A_411, %parallel_loop3A_412], %parallel_loop3A_410 {strides = array<i32>} : memref<224x128xf32, #tpu.memory_space<vmem>>, vector<16xf32>,
          %parallel_loop3A_414 = arith.mulf %parallel_loop3A_340, %parallel_loop3A_389 : vector<16xf32>
          %parallel_loop3A_415 = arith.index_cast %parallel_loop3A_319 : i32 to index
          %parallel_loop3A_416 = arith.constant 96 : index
          %parallel_loop3A_417 = tpu.vector_load %arg11[%parallel_loop3A_415, %parallel_loop3A_416] {strides = array<i32>} : memref<224x128xf32, #tpu.memory_space<vmem>>, vector<16xf32>,
          tpu.vector_store %arg11[%parallel_loop3A_415, %parallel_loop3A_416], %parallel_loop3A_414 {strides = array<i32>} : memref<224x128xf32, #tpu.memory_space<vmem>>, vector<16xf32>,
          %parallel_loop3A_418 = arith.mulf %parallel_loop3A_343, %parallel_loop3A_389 : vector<16xf32>
          %parallel_loop3A_419 = arith.index_cast %parallel_loop3A_319 : i32 to index
          %parallel_loop3A_420 = arith.constant 112 : index
          %parallel_loop3A_421 = tpu.vector_load %arg11[%parallel_loop3A_419, %parallel_loop3A_420] {strides = array<i32>} : memref<224x128xf32, #tpu.memory_space<vmem>>, vector<16xf32>,
          tpu.vector_store %arg11[%parallel_loop3A_419, %parallel_loop3A_420], %parallel_loop3A_418 {strides = array<i32>} : memref<224x128xf32, #tpu.memory_space<vmem>>, vector<16xf32>,
        } {sc.loop_unroll_factor = 1 : i64, sc.parallel_access}
        %scan3A_285 = arith.constant 0 : i32
        %scan3A_286 = arith.constant 0 : i32
        %scan3A_287 = arith.constant 14 : i32
        %scan3A_288 = arith.addi %scan3A_286, %scan3A_287 : i32
        %scan3A_289 = arith.constant 1 : i32
        %scan3A_290 = scf.for %scan3A_319 = %scan3A_286 to %scan3A_288 step %scan3A_289 iter_args(%scan3A_320 = %scan3A_285) -> (i32)  : i32 {
          %mul3A_321 = arith.constant 256 : i32
          %mul3A_322 = arith.muli %scan3A_319, %mul3A_321 : i32
          %mul3A_323 = arith.constant 17 : i32
          %mul3A_324 = vector.broadcast %mul3A_323 : i32 to vector<16xi32>
          %mul3A_325 = arith.muli %mul3A_324, %iota3A : vector<16xi32>
          %add3A_326 = vector.broadcast %mul3A_322 : i32 to vector<16xi32>
          %add3A_327 = arith.addi %add3A_326, %mul3A_325 : vector<16xi32>
          %gather3A = tpu.vector_load_idx %arg24[%add3A_327] : memref<3584xf32, #tpu.memory_space<vmem>>[vector<16xi32>], vector<16xf32>,
          %mul3A_328 = arith.constant 16 : i32
          %mul3A_329 = arith.muli %scan3A_319, %mul3A_328 : i32
          %swap3A = arith.index_cast %mul3A_329 : i32 to index
          %swap3A_330 = tpu.vector_load %arg23[%swap3A] {strides = array<i32>} : memref<224xf32, #tpu.memory_space<vmem>>, vector<16xf32>,
          tpu.vector_store %arg23[%swap3A], %gather3A {strides = array<i32>} : memref<224xf32, #tpu.memory_space<vmem>>, vector<16xf32>,
          %scan3A_331 = arith.constant 0 : i32
          scf.yield %scan3A_331 : i32
        }
        %scan3A_291 = arith.constant 14 : i32
        %mul3A_292 = arith.constant 224 : i32
        %mul3A_293 = arith.muli %scan3A_173, %mul3A_292 : i32
        %sub3A_294 = arith.constant 224 : i32
        %sub3A_295 = arith.subi %add3A_6, %sub3A_294 : i32
        %min3A_296 = arith.minsi %mul3A_293, %sub3A_295 : i32
        %add3A_297 = arith.addi %add3A_12, %min3A_296 : i32
        %dma_start3A_298 = tpu.memref_slice %arg7[%add3A_297] : memref<100000xf32, #tpu.memory_space<hbm>> -> memref<224xf32, #tpu.memory_space<hbm>>
        %dma_start3A_299 = tpu.memref_slice %arg7[%add3A_297] : memref<100000xf32, #tpu.memory_space<hbm>> -> memref<224xf32, #tpu.memory_space<hbm>>
        tpu.enqueue_dma source(%arg23 : memref<224xf32, #tpu.memory_space<vmem>>) target(%dma_start3A_299 : memref<224xf32, #tpu.memory_space<hbm>>) target_semaphore(%arg39 : memref<!tpu.dma_semaphore, #tpu.memory_space<semaphore_mem>>)
        %dma_start3A_300 = arith.constant 0 : i32
        %dma_start3A_301 = arith.constant 0 : i32
        %dma_start3A_302 = tpu.memref_slice %arg11[%dma_start3A_300, %dma_start3A_301] : memref<224x128xf32, #tpu.memory_space<vmem>> -> memref<128x128xf32, #tpu.memory_space<vmem>>
        %dma_start3A_303 = arith.constant 0 : i32
        %dma_start3A_304 = arith.constant 0 : i32
        %dma_start3A_305 = tpu.memref_slice %arg27[%dma_start3A_303, %dma_start3A_304] : memref<1024x128xf32, #tpu.memory_space<vmem_shared>> -> memref<1024x128xf32, #tpu.memory_space<vmem_shared>>
        tpu.enqueue_indirect_dma source(%dma_start3A_302 : memref<128x128xf32, #tpu.memory_space<vmem>>) target(%dma_start3A_305 : memref<1024x128xf32, #tpu.memory_space<vmem_shared>>) offsets(%arg18 : memref<128xi32, #tpu.memory_space<vmem>>) semaphore(%arg35 : memref<!tpu.dma_semaphore, #tpu.memory_space<semaphore_mem>>) {add = true}
        %dma_start3A_306 = arith.constant 128 : i32
        %dma_start3A_307 = arith.constant 0 : i32
        %dma_start3A_308 = tpu.memref_slice %arg11[%dma_start3A_306, %dma_start3A_307] : memref<224x128xf32, #tpu.memory_space<vmem>> -> memref<96x128xf32, #tpu.memory_space<vmem>>
        %dma_start3A_309 = arith.constant 0 : i32
        %dma_start3A_310 = arith.constant 0 : i32
        %dma_start3A_311 = tpu.memref_slice %arg27[%dma_start3A_309, %dma_start3A_310] : memref<1024x128xf32, #tpu.memory_space<vmem_shared>> -> memref<1024x128xf32, #tpu.memory_space<vmem_shared>>
        tpu.enqueue_indirect_dma source(%dma_start3A_308 : memref<96x128xf32, #tpu.memory_space<vmem>>) target(%dma_start3A_311 : memref<1024x128xf32, #tpu.memory_space<vmem_shared>>) offsets(%arg19 : memref<96xi32, #tpu.memory_space<vmem>>) semaphore(%arg35 : memref<!tpu.dma_semaphore, #tpu.memory_space<semaphore_mem>>) {add = true}
        %add3A_312 = arith.constant 2 : i32
        %add3A_313 = arith.addi %scan3A_173, %add3A_312 : i32
        %lt3A_314 = arith.constant 14 : i32
        %lt3A_315 = arith.cmpi slt, %add3A_313, %lt3A_314 : i32
        %convert_element_type3A_316 = arith.extui %lt3A_315 : i1 to i32
        %cond3A_317 = arith.constant 0 : i32
        %cond3A_318 = arith.cmpi ne, %convert_element_type3A_316, %cond3A_317 : i32
        scf.if %cond3A_318 {
          %ge3A_319 = arith.constant 2 : i32
          %ge3A_320 = arith.cmpi sge, %scan3A_173, %ge3A_319 : i32
          %convert_element_type3A_321 = arith.extui %ge3A_320 : i1 to i32
          %cond3A_322 = arith.constant 0 : i32
          %cond3A_323 = arith.cmpi ne, %convert_element_type3A_321, %cond3A_322 : i32
          scf.if %cond3A_323 {
            %dma_wait3A_344 = arith.constant 0 : i32
            %dma_wait3A_345 = arith.constant 0 : i32
            %dma_wait3A_346 = tpu.memref_slice %arg9[%dma_wait3A_344, %dma_wait3A_345] : memref<224x128xf32, #tpu.memory_space<vmem>> -> memref<128x128xf32, #tpu.memory_space<vmem>>
            %dma_wait3A_347 = arith.constant 0 : i32
            %dma_wait3A_348 = arith.constant 0 : i32
            %dma_wait3A_349 = tpu.memref_slice %arg27[%dma_wait3A_347, %dma_wait3A_348] : memref<1024x128xf32, #tpu.memory_space<vmem_shared>> -> memref<1024x128xf32, #tpu.memory_space<vmem_shared>>
            tpu.wait_indirect_dma semaphore(%arg33 : memref<!tpu.dma_semaphore, #tpu.memory_space<semaphore_mem>>) src(%dma_wait3A_346 : memref<128x128xf32, #tpu.memory_space<vmem>>) dst(%dma_wait3A_349 : memref<1024x128xf32, #tpu.memory_space<vmem_shared>>)
            %dma_wait3A_350 = arith.constant 128 : i32
            %dma_wait3A_351 = arith.constant 0 : i32
            %dma_wait3A_352 = tpu.memref_slice %arg9[%dma_wait3A_350, %dma_wait3A_351] : memref<224x128xf32, #tpu.memory_space<vmem>> -> memref<96x128xf32, #tpu.memory_space<vmem>>
            %dma_wait3A_353 = arith.constant 0 : i32
            %dma_wait3A_354 = arith.constant 0 : i32
            %dma_wait3A_355 = tpu.memref_slice %arg27[%dma_wait3A_353, %dma_wait3A_354] : memref<1024x128xf32, #tpu.memory_space<vmem_shared>> -> memref<1024x128xf32, #tpu.memory_space<vmem_shared>>
            tpu.wait_indirect_dma semaphore(%arg33 : memref<!tpu.dma_semaphore, #tpu.memory_space<semaphore_mem>>) src(%dma_wait3A_352 : memref<96x128xf32, #tpu.memory_space<vmem>>) dst(%dma_wait3A_355 : memref<1024x128xf32, #tpu.memory_space<vmem_shared>>)
          } else {
          }
          %add3A_324 = arith.constant 2 : i32
          %add3A_325 = arith.addi %scan3A_173, %add3A_324 : i32
          %mul3A_326 = arith.constant 224 : i32
          %mul3A_327 = arith.muli %add3A_325, %mul3A_326 : i32
          %sub3A_328 = arith.constant 224 : i32
          %sub3A_329 = arith.subi %add3A_6, %sub3A_328 : i32
          %min3A_330 = arith.minsi %mul3A_327, %sub3A_329 : i32
          %add3A_331 = arith.addi %add3A_12, %min3A_330 : i32
          %add3A_332 = arith.constant 0 : i32
          %add3A_333 = arith.addi %add3A_331, %add3A_332 : i32
          %add3A_334 = arith.constant 128 : i32
          %add3A_335 = arith.addi %add3A_331, %add3A_334 : i32
          %dma_start3A_336 = arith.constant 0 : i32
          %dma_start3A_337 = tpu.memref_slice %arg2[%add3A_331, %dma_start3A_336] : memref<100000x128xf32, #tpu.memory_space<hbm>> -> memref<224x128xf32, #tpu.memory_space<hbm>>
          %dma_start3A_338 = arith.constant 0 : i32
          %dma_start3A_339 = tpu.memref_slice %arg2[%add3A_331, %dma_start3A_338] : memref<100000x128xf32, #tpu.memory_space<hbm>> -> memref<224x128xf32, #tpu.memory_space<hbm>>
          tpu.enqueue_dma source(%dma_start3A_339 : memref<224x128xf32, #tpu.memory_space<hbm>>) target(%arg9 : memref<224x128xf32, #tpu.memory_space<vmem>>) target_semaphore(%arg29 : memref<!tpu.dma_semaphore, #tpu.memory_space<semaphore_mem>>)
          %dma_start3A_340 = tpu.memref_slice %arg3[%add3A_333] : memref<100000xi32, #tpu.memory_space<hbm>> -> memref<128xi32, #tpu.memory_space<hbm>>
          %dma_start3A_341 = tpu.memref_slice %arg3[%add3A_333] : memref<100000xi32, #tpu.memory_space<hbm>> -> memref<128xi32, #tpu.memory_space<hbm>>
          tpu.enqueue_dma source(%dma_start3A_341 : memref<128xi32, #tpu.memory_space<hbm>>) target(%arg14 : memref<128xi32, #tpu.memory_space<vmem>>) target_semaphore(%arg29 : memref<!tpu.dma_semaphore, #tpu.memory_space<semaphore_mem>>)
          %dma_start3A_342 = tpu.memref_slice %arg3[%add3A_335] : memref<100000xi32, #tpu.memory_space<hbm>> -> memref<96xi32, #tpu.memory_space<hbm>>
          %dma_start3A_343 = tpu.memref_slice %arg3[%add3A_335] : memref<100000xi32, #tpu.memory_space<hbm>> -> memref<96xi32, #tpu.memory_space<hbm>>
          tpu.enqueue_dma source(%dma_start3A_343 : memref<96xi32, #tpu.memory_space<hbm>>) target(%arg15 : memref<96xi32, #tpu.memory_space<vmem>>) target_semaphore(%arg29 : memref<!tpu.dma_semaphore, #tpu.memory_space<semaphore_mem>>)
        } else {
        }
      } else {
      }
      %scan3A_253 = arith.constant 0 : i32
      scf.yield %scan3A_253 : i32
    }
    %scan3A_92 = arith.constant 14 : i32
    %dma_wait3A = arith.constant 0 : i32
    %dma_wait3A_93 = arith.constant 0 : i32
    %dma_wait3A_94 = tpu.memref_slice %arg10[%dma_wait3A, %dma_wait3A_93] : memref<224x128xf32, #tpu.memory_space<vmem>> -> memref<128x128xf32, #tpu.memory_space<vmem>>
    %dma_wait3A_95 = arith.constant 0 : i32
    %dma_wait3A_96 = arith.constant 0 : i32
    %dma_wait3A_97 = tpu.memref_slice %arg27[%dma_wait3A_95, %dma_wait3A_96] : memref<1024x128xf32, #tpu.memory_space<vmem_shared>> -> memref<1024x128xf32, #tpu.memory_space<vmem_shared>>
    tpu.wait_indirect_dma semaphore(%arg34 : memref<!tpu.dma_semaphore, #tpu.memory_space<semaphore_mem>>) src(%dma_wait3A_94 : memref<128x128xf32, #tpu.memory_space<vmem>>) dst(%dma_wait3A_97 : memref<1024x128xf32, #tpu.memory_space<vmem_shared>>)
    %dma_wait3A_98 = arith.constant 128 : i32
    %dma_wait3A_99 = arith.constant 0 : i32
    %dma_wait3A_100 = tpu.memref_slice %arg10[%dma_wait3A_98, %dma_wait3A_99] : memref<224x128xf32, #tpu.memory_space<vmem>> -> memref<96x128xf32, #tpu.memory_space<vmem>>
    %dma_wait3A_101 = arith.constant 0 : i32
    %dma_wait3A_102 = arith.constant 0 : i32
    %dma_wait3A_103 = tpu.memref_slice %arg27[%dma_wait3A_101, %dma_wait3A_102] : memref<1024x128xf32, #tpu.memory_space<vmem_shared>> -> memref<1024x128xf32, #tpu.memory_space<vmem_shared>>
    tpu.wait_indirect_dma semaphore(%arg34 : memref<!tpu.dma_semaphore, #tpu.memory_space<semaphore_mem>>) src(%dma_wait3A_100 : memref<96x128xf32, #tpu.memory_space<vmem>>) dst(%dma_wait3A_103 : memref<1024x128xf32, #tpu.memory_space<vmem_shared>>)
    %sub3A_104 = arith.constant 224 : i32
    %sub3A_105 = arith.subi %add3A_6, %sub3A_104 : i32
    %min3A_106 = arith.constant 2240 : i32
    %min3A_107 = arith.minsi %min3A_106, %sub3A_105 : i32
    %add3A_108 = arith.addi %add3A_12, %min3A_107 : i32
    %dma_wait3A_109 = tpu.memref_slice %arg7[%add3A_108] : memref<100000xf32, #tpu.memory_space<hbm>> -> memref<224xf32, #tpu.memory_space<hbm>>
    %dma_wait3A_110 = tpu.memref_slice %arg7[%add3A_108] : memref<100000xf32, #tpu.memory_space<hbm>> -> memref<224xf32, #tpu.memory_space<hbm>>
    tpu.wait_dma2 semaphore(%arg38 : memref<!tpu.dma_semaphore, #tpu.memory_space<semaphore_mem>>) src(%arg22 : memref<224xf32, #tpu.memory_space<vmem>>) dst(%dma_wait3A_110 : memref<224xf32, #tpu.memory_space<hbm>>)
    %dma_wait3A_111 = arith.constant 0 : i32
    %dma_wait3A_112 = arith.constant 0 : i32
    %dma_wait3A_113 = tpu.memref_slice %arg11[%dma_wait3A_111, %dma_wait3A_112] : memref<224x128xf32, #tpu.memory_space<vmem>> -> memref<128x128xf32, #tpu.memory_space<vmem>>
    %dma_wait3A_114 = arith.constant 0 : i32
    %dma_wait3A_115 = arith.constant 0 : i32
    %dma_wait3A_116 = tpu.memref_slice %arg27[%dma_wait3A_114, %dma_wait3A_115] : memref<1024x128xf32, #tpu.memory_space<vmem_shared>> -> memref<1024x128xf32, #tpu.memory_space<vmem_shared>>
    tpu.wait_indirect_dma semaphore(%arg35 : memref<!tpu.dma_semaphore, #tpu.memory_space<semaphore_mem>>) src(%dma_wait3A_113 : memref<128x128xf32, #tpu.memory_space<vmem>>) dst(%dma_wait3A_116 : memref<1024x128xf32, #tpu.memory_space<vmem_shared>>)
    %dma_wait3A_117 = arith.constant 128 : i32
    %dma_wait3A_118 = arith.constant 0 : i32
    %dma_wait3A_119 = tpu.memref_slice %arg11[%dma_wait3A_117, %dma_wait3A_118] : memref<224x128xf32, #tpu.memory_space<vmem>> -> memref<96x128xf32, #tpu.memory_space<vmem>>
    %dma_wait3A_120 = arith.constant 0 : i32
    %dma_wait3A_121 = arith.constant 0 : i32
    %dma_wait3A_122 = tpu.memref_slice %arg27[%dma_wait3A_120, %dma_wait3A_121] : memref<1024x128xf32, #tpu.memory_space<vmem_shared>> -> memref<1024x128xf32, #tpu.memory_space<vmem_shared>>
    tpu.wait_indirect_dma semaphore(%arg35 : memref<!tpu.dma_semaphore, #tpu.memory_space<semaphore_mem>>) src(%dma_wait3A_119 : memref<96x128xf32, #tpu.memory_space<vmem>>) dst(%dma_wait3A_122 : memref<1024x128xf32, #tpu.memory_space<vmem_shared>>)
    %sub3A_123 = arith.constant 224 : i32
    %sub3A_124 = arith.subi %add3A_6, %sub3A_123 : i32
    %min3A_125 = arith.constant 2464 : i32
    %min3A_126 = arith.minsi %min3A_125, %sub3A_124 : i32
    %add3A_127 = arith.addi %add3A_12, %min3A_126 : i32
    %dma_wait3A_128 = tpu.memref_slice %arg7[%add3A_127] : memref<100000xf32, #tpu.memory_space<hbm>> -> memref<224xf32, #tpu.memory_space<hbm>>
    %dma_wait3A_129 = tpu.memref_slice %arg7[%add3A_127] : memref<100000xf32, #tpu.memory_space<hbm>> -> memref<224xf32, #tpu.memory_space<hbm>>
    tpu.wait_dma2 semaphore(%arg39 : memref<!tpu.dma_semaphore, #tpu.memory_space<semaphore_mem>>) src(%arg23 : memref<224xf32, #tpu.memory_space<vmem>>) dst(%dma_wait3A_129 : memref<224xf32, #tpu.memory_space<hbm>>)
    %dma_wait3A_130 = arith.constant 0 : i32
    %dma_wait3A_131 = arith.constant 0 : i32
    %dma_wait3A_132 = tpu.memref_slice %arg8[%dma_wait3A_130, %dma_wait3A_131] : memref<224x128xf32, #tpu.memory_space<vmem>> -> memref<128x128xf32, #tpu.memory_space<vmem>>
    %dma_wait3A_133 = arith.constant 0 : i32
    %dma_wait3A_134 = arith.constant 0 : i32
    %dma_wait3A_135 = tpu.memref_slice %arg27[%dma_wait3A_133, %dma_wait3A_134] : memref<1024x128xf32, #tpu.memory_space<vmem_shared>> -> memref<1024x128xf32, #tpu.memory_space<vmem_shared>>
    tpu.wait_indirect_dma semaphore(%arg32 : memref<!tpu.dma_semaphore, #tpu.memory_space<semaphore_mem>>) src(%dma_wait3A_132 : memref<128x128xf32, #tpu.memory_space<vmem>>) dst(%dma_wait3A_135 : memref<1024x128xf32, #tpu.memory_space<vmem_shared>>)
    %dma_wait3A_136 = arith.constant 128 : i32
    %dma_wait3A_137 = arith.constant 0 : i32
    %dma_wait3A_138 = tpu.memref_slice %arg8[%dma_wait3A_136, %dma_wait3A_137] : memref<224x128xf32, #tpu.memory_space<vmem>> -> memref<96x128xf32, #tpu.memory_space<vmem>>
    %dma_wait3A_139 = arith.constant 0 : i32
    %dma_wait3A_140 = arith.constant 0 : i32
    %dma_wait3A_141 = tpu.memref_slice %arg27[%dma_wait3A_139, %dma_wait3A_140] : memref<1024x128xf32, #tpu.memory_space<vmem_shared>> -> memref<1024x128xf32, #tpu.memory_space<vmem_shared>>
    tpu.wait_indirect_dma semaphore(%arg32 : memref<!tpu.dma_semaphore, #tpu.memory_space<semaphore_mem>>) src(%dma_wait3A_138 : memref<96x128xf32, #tpu.memory_space<vmem>>) dst(%dma_wait3A_141 : memref<1024x128xf32, #tpu.memory_space<vmem_shared>>)
    %sub3A_142 = arith.constant 224 : i32
    %sub3A_143 = arith.subi %add3A_6, %sub3A_142 : i32
    %min3A_144 = arith.constant 2688 : i32
    %min3A_145 = arith.minsi %min3A_144, %sub3A_143 : i32
    %add3A_146 = arith.addi %add3A_12, %min3A_145 : i32
    %dma_wait3A_147 = tpu.memref_slice %arg7[%add3A_146] : memref<100000xf32, #tpu.memory_space<hbm>> -> memref<224xf32, #tpu.memory_space<hbm>>
    %dma_wait3A_148 = tpu.memref_slice %arg7[%add3A_146] : memref<100000xf32, #tpu.memory_space<hbm>> -> memref<224xf32, #tpu.memory_space<hbm>>
    tpu.wait_dma2 semaphore(%arg36 : memref<!tpu.dma_semaphore, #tpu.memory_space<semaphore_mem>>) src(%arg20 : memref<224xf32, #tpu.memory_space<vmem>>) dst(%dma_wait3A_148 : memref<224xf32, #tpu.memory_space<hbm>>)
    %dma_wait3A_149 = arith.constant 0 : i32
    %dma_wait3A_150 = arith.constant 0 : i32
    %dma_wait3A_151 = tpu.memref_slice %arg9[%dma_wait3A_149, %dma_wait3A_150] : memref<224x128xf32, #tpu.memory_space<vmem>> -> memref<128x128xf32, #tpu.memory_space<vmem>>
    %dma_wait3A_152 = arith.constant 0 : i32
    %dma_wait3A_153 = arith.constant 0 : i32
    %dma_wait3A_154 = tpu.memref_slice %arg27[%dma_wait3A_152, %dma_wait3A_153] : memref<1024x128xf32, #tpu.memory_space<vmem_shared>> -> memref<1024x128xf32, #tpu.memory_space<vmem_shared>>
    tpu.wait_indirect_dma semaphore(%arg33 : memref<!tpu.dma_semaphore, #tpu.memory_space<semaphore_mem>>) src(%dma_wait3A_151 : memref<128x128xf32, #tpu.memory_space<vmem>>) dst(%dma_wait3A_154 : memref<1024x128xf32, #tpu.memory_space<vmem_shared>>)
    %dma_wait3A_155 = arith.constant 128 : i32
    %dma_wait3A_156 = arith.constant 0 : i32
    %dma_wait3A_157 = tpu.memref_slice %arg9[%dma_wait3A_155, %dma_wait3A_156] : memref<224x128xf32, #tpu.memory_space<vmem>> -> memref<96x128xf32, #tpu.memory_space<vmem>>
    %dma_wait3A_158 = arith.constant 0 : i32
    %dma_wait3A_159 = arith.constant 0 : i32
    %dma_wait3A_160 = tpu.memref_slice %arg27[%dma_wait3A_158, %dma_wait3A_159] : memref<1024x128xf32, #tpu.memory_space<vmem_shared>> -> memref<1024x128xf32, #tpu.memory_space<vmem_shared>>
    tpu.wait_indirect_dma semaphore(%arg33 : memref<!tpu.dma_semaphore, #tpu.memory_space<semaphore_mem>>) src(%dma_wait3A_157 : memref<96x128xf32, #tpu.memory_space<vmem>>) dst(%dma_wait3A_160 : memref<1024x128xf32, #tpu.memory_space<vmem_shared>>)
    %sub3A_161 = arith.constant 224 : i32
    %sub3A_162 = arith.subi %add3A_6, %sub3A_161 : i32
    %min3A_163 = arith.constant 2912 : i32
    %min3A_164 = arith.minsi %min3A_163, %sub3A_162 : i32
    %add3A_165 = arith.addi %add3A_12, %min3A_164 : i32
    %dma_wait3A_166 = tpu.memref_slice %arg7[%add3A_165] : memref<100000xf32, #tpu.memory_space<hbm>> -> memref<224xf32, #tpu.memory_space<hbm>>
    %dma_wait3A_167 = tpu.memref_slice %arg7[%add3A_165] : memref<100000xf32, #tpu.memory_space<hbm>> -> memref<224xf32, #tpu.memory_space<hbm>>
    tpu.wait_dma2 semaphore(%arg37 : memref<!tpu.dma_semaphore, #tpu.memory_space<semaphore_mem>>) src(%arg21 : memref<224xf32, #tpu.memory_space<vmem>>) dst(%dma_wait3A_167 : memref<224xf32, #tpu.memory_space<hbm>>)
    %barrier3A_168 = arith.constant 0 : index
    tpu.barrier barrier_id(%barrier3A_168)
    %mul3A_169 = arith.constant 64 : i32
    %mul3A_170 = arith.muli %mul3A_169, %arg1 : i32
    %mul3A_171 = arith.constant 64 : i32
    %mul3A_172 = arith.muli %mul3A_171, %arg1 : i32
    "tpu.region"() ({
      %run_scoped3A = tpu.sem_alloc : memref<!tpu.dma_semaphore, #tpu.memory_space<semaphore_mem>>
      %dma_start3A_173 = arith.constant 0 : i32
      %dma_start3A_174 = tpu.memref_slice %arg6[%arg0, %mul3A_172, %dma_start3A_173] : memref<2x1024x128xf32, #tpu.memory_space<hbm>> -> memref<1x64x128xf32, #tpu.memory_space<hbm>>
      %dma_start3A_175 = tpu.memref_squeeze %dma_start3A_174 : memref<1x64x128xf32, #tpu.memory_space<hbm>> -> memref<64x128xf32, #tpu.memory_space<hbm>>
      %dma_start3A_176 = arith.constant 0 : i32
      %dma_start3A_177 = tpu.memref_slice %arg27[%mul3A_170, %dma_start3A_176] : memref<1024x128xf32, #tpu.memory_space<vmem_shared>> -> memref<64x128xf32, #tpu.memory_space<vmem_shared>>
      tpu.enqueue_dma source(%dma_start3A_177 : memref<64x128xf32, #tpu.memory_space<vmem_shared>>) target(%dma_start3A_175 : memref<64x128xf32, #tpu.memory_space<hbm>>) target_semaphore(%run_scoped3A : memref<!tpu.dma_semaphore, #tpu.memory_space<semaphore_mem>>)
      %dma_wait3A_178 = arith.constant 0 : i32
      %dma_wait3A_179 = tpu.memref_slice %arg6[%arg0, %mul3A_172, %dma_wait3A_178] : memref<2x1024x128xf32, #tpu.memory_space<hbm>> -> memref<1x64x128xf32, #tpu.memory_space<hbm>>
      %dma_wait3A_180 = tpu.memref_squeeze %dma_wait3A_179 : memref<1x64x128xf32, #tpu.memory_space<hbm>> -> memref<64x128xf32, #tpu.memory_space<hbm>>
      %dma_wait3A_181 = arith.constant 0 : i32
      %dma_wait3A_182 = tpu.memref_slice %arg27[%mul3A_170, %dma_wait3A_181] : memref<1024x128xf32, #tpu.memory_space<vmem_shared>> -> memref<64x128xf32, #tpu.memory_space<vmem_shared>>
      tpu.wait_dma2 semaphore(%run_scoped3A : memref<!tpu.dma_semaphore, #tpu.memory_space<semaphore_mem>>) src(%dma_wait3A_182 : memref<64x128xf32, #tpu.memory_space<vmem_shared>>) dst(%dma_wait3A_180 : memref<64x128xf32, #tpu.memory_space<hbm>>)
      tpu.yield
    }) : () -> ()
    return
  }
}

module attributes {stable_mosaic.version = 14 : i64} {
  func.func @_combine_body(%arg0: memref<2x1024x128xf32, #tpu.memory_space<vmem>>, %arg1: memref<1024x128xf32, #tpu.memory_space<vmem>>) attributes {dimension_semantics = [], scalar_prefetch = 0 : i64, scratch_operands = 0 : i64, tpu.core_type = #tpu.core_type<tc>} {
    %get3A = arith.constant 0 : index
    %get3A_0 = arith.constant 0 : index
    %get3A_1 = arith.constant 0 : index
    %get3A_2 = vector.load %arg0[%get3A, %get3A_0, %get3A_1] : memref<2x1024x128xf32, #tpu.memory_space<vmem>>, vector<1x1024x128xf32>
    %get3A_3 = vector.shape_cast %get3A_2 : vector<1x1024x128xf32> to vector<1024x128xf32>
    %get3A_4 = arith.constant 1 : index
    %get3A_5 = arith.constant 0 : index
    %get3A_6 = arith.constant 0 : index
    %get3A_7 = vector.load %arg0[%get3A_4, %get3A_5, %get3A_6] : memref<2x1024x128xf32, #tpu.memory_space<vmem>>, vector<1x1024x128xf32>
    %get3A_8 = vector.shape_cast %get3A_7 : vector<1x1024x128xf32> to vector<1024x128xf32>
    %add3A = arith.addf %get3A_3, %get3A_8 : vector<1024x128xf32>
    %swap3A = arith.constant 0 : index
    %swap3A_9 = arith.constant 0 : index
    %swap3A_10 = vector.load %arg1[%swap3A, %swap3A_9] : memref<1024x128xf32, #tpu.memory_space<vmem>>, vector<1024x128xf32>
    tpu.vector_store %arg1[%swap3A, %swap3A_9], %add3A {strides = array<i32>} : memref<1024x128xf32, #tpu.memory_space<vmem>>, vector<1024x128xf32>,
    return
  }
}

</mosaic_0001>

<sc_bundles>
// kernel: _run.4.cloned.1.call-start
scs
__scs_entry_jumppad:
0x0: {  	(pc) =	sbr.rel $0x88, $3  }
0x1: {  	(tag) =	ssettag $0x0;
	lr =	simm.s32 $0x1  }
0x2: {  	[smem:$0x3F9D] =	sst lr;
	_ =	strace $0xD0000000  }
0x3: {  	_ = 	snop  }
0x4: {  	_ = 	snop  }
0x5: {  	_ = 	snop  }
0x6: {  	_ = 	snop  }
0x7: {  	_ = 	snop  }
__scs_overlays_trampoline_lowered:
0x8: {  	[smem:$0x3FAC] =	sst s0  }
0x9: {  	[smem:$0x3FAD] =	sst s1  }
0xa: {  	[smem:$0x3FAE] =	sst s2  }
0xb: {  	[smem:$0x3FAF] =	sst s3  }
0xc: {  	[smem:$0x3FB0] =	sst s4  }
0xd: {  	[smem:$0x3FB1] =	sst s5  }
0xe: {  	[smem:$0x3FB2] =	sst s6  }
0xf: {  	[smem:$0x3FB3] =	sst s7  }
0x10: {  	[smem:$0x3FB4] =	sst s8  }
0x11: {  	[smem:$0x3FB5] =	sst s9;
	s0 =	simm.s32 @!p0 $0x0  }
0x12: {  	s1 =	sld [smem:$0x3F9B];
	s0 =	simm.s32 @p0 $0x1  }
0x13: {  	[smem:$0x3FB6] =	sst s0;
	s0 =	simm.s32 @!p1 $0x0  }
0x14: {  	s2 =	sld [smem:$0x3F9A];
	s0 =	simm.s32 @p1 $0x1  }
0x15: {  	[smem:$0x3FB7] =	sst s0;
	s0 =	simm.s32 @!p2 $0x0  }
0x16: {  	s3 =	sld [smem:$0x3FDB];
	s0 =	simm.s32 @p2 $0x1  }
0x17: {  	s4 =	simm.s32 $0x1BF5;
	[smem:$0x3FB9] =	sst s0  }
0x18: {  	s0 =	sld [smem:$0x3F9C];
	_ =	swait.ge [sflag:s4], $0x0  }
0x19: {  	s7 =	sld [smem:$0x3F9D]  }
0x1a: {  	s8 =	sadd.s32 $0xFFFFE003, lr  }
0x1b: {  	s9 =	sadd.s32 $0xFFFFFEF7, lr;
	s5 =	simm.s32 $0xFFFFFFFF;
	p2 =	slt.u32 s8, $0xFFFFF086  }
0x1c: {  	p1 =	slt.u32 s9, $0xF7A;
	s5 =	simm.s32 @!p2 $0x0  }
0x1d: {  	s5 =	simm.s32 @p1 $0x1;
	p0 =	seq.s32 s7, s2  }
0x1e: {  	s7 =	smul.u32 @!p0 $0xF7A, s2;
	p2 =	seq.s32 @!p0 s5, $0x0  }
0x1f: {  	s9 =	smul.u32 $0xF7A, s1;
	s8 =	simm.s32 @!p0 $0x1BF5;
	p2 =	por !p2, p0  }
0x20: {  	[sflag:s8] =	ssyncset.s32 @!p0 $0xFFFFF086;
	s6 =	sadd.s32 @!p0 s3, s7;
	s7 =	simm.s32 @!p0 $0x108  }
0x21: {  	s3 =	sadd.s32 s3, s9;
	s6 =	sadd.s32 @!p0 $0x88, s6;
	s7 =	simm.s32 @p2 $0x1082  }
0x22: {  	[simem:s7], [sflag:s8] =	dma.local @!p0 [hbm:s6], $0xF7A  }
0x23: {  	s9 =	sor.u32 $0xD0000000, s2;
	s6 =	simm.s32 $0x108;
	_ =	swait.ge @!p0 [sflag:s8], $0x0  }
0x24: {  	s3 =	sadd.s32 $0x88, s3;
	s6 =	simm.s32 @!p1 $0x1082;
	[sflag:s4] =	ssyncset.s32 $0xFFFFF086  }
0x25: {  	[simem:s6], [sflag:s4] =	dma.local [hbm:s3], $0xF7A  }
0x26: {  	[smem:$0x3F9D] =	sst s1;
	(tag) =	ssettag s2;
	_ =	strace s9  }
0x27: {  	s1 =	sld [smem:$0x3FAD]  }
0x28: {  	s2 =	sld [smem:$0x3FAE]  }
0x29: {  	s4 =	sld [smem:$0x3FB0]  }
0x2a: {  	p0 =	seq.s32 s5, $0x0;
	s5 =	sld [smem:$0x3FB1]  }
0x2b: {  	s6 =	sld [smem:$0x3FB2]  }
0x2c: {  	s7 =	sld [smem:$0x3FB3]  }
0x2d: {  	s3 =	simm.s32 $0x108;
	s8 =	sld [smem:$0x3FB4]  }
0x2e: {  	s3 =	simm.s32 @!p0 $0x1082;
	s9 =	sld [smem:$0x3FB5]  }
0x2f: {  	lr =	sadd.s32 s0, s3;
	s0 =	sld [smem:$0x3FAC]  }
0x30: {  	s3 =	sld [smem:$0x3FAF]  }
0x31: {  	[smem:$0x3FB8] =	sst s10  }
0x32: {  	s10 =	sld [smem:$0x3FB6];
	_ =	sdelay $0x3  }
0x33: {  	p0 =	seq.s32 s10, $0x1;
	s10 =	sld [smem:$0x3FB8];
	_ =	sdelay $0x3  }
0x34: {  	[smem:$0x3FB8] =	sst s10  }
0x35: {  	s10 =	sld [smem:$0x3FB7];
	_ =	sdelay $0x3  }
0x36: {  	p1 =	seq.s32 s10, $0x1;
	s10 =	sld [smem:$0x3FB8];
	_ =	sdelay $0x3  }
0x37: {  	[smem:$0x3FB8] =	sst s10  }
0x38: {  	s10 =	sld [smem:$0x3FB9]  }
0x39: {  	_ = 	snop;
	(pc) =	sbr.ind lr, $3  }
0x3a: {  	_ = 	snop  }
0x3b: {  	_ = 	snop  }
0x3c: {  	p2 =	seq.s32 s10, $0x1;
	s10 =	sld [smem:$0x3FB8]  }
0x3d: {  	_ =	shalt  }
0x3e: {  	_ =	shalt  }
0x3f: {  	_ =	shalt  }
0x40: {  	_ =	shalt  }
0x41: {  	_ =	shalt  }
0x42: {  	_ =	shalt  }
0x43: {  	_ =	shalt  }
0x44: {  	_ =	shalt  }
0x45: {  	_ =	shalt  }
0x46: {  	_ =	shalt  }
0x47: {  	_ =	shalt  }
0x48: {  	_ =	shalt  }
0x49: {  	_ =	shalt  }
0x4a: {  	_ =	shalt  }
0x4b: {  	_ =	shalt  }
0x4c: {  	_ =	shalt  }
0x4d: {  	_ =	shalt  }
0x4e: {  	_ =	shalt  }
0x4f: {  	_ =	shalt  }
0x50: {  	_ =	shalt  }
0x51: {  	_ =	shalt  }
0x52: {  	_ =	shalt  }
0x53: {  	_ =	shalt  }
0x54: {  	_ =	shalt  }
0x55: {  	_ =	shalt  }
0x56: {  	_ =	shalt  }
0x57: {  	_ =	shalt  }
0x58: {  	_ =	shalt  }
0x59: {  	_ =	shalt  }
0x5a: {  	_ =	shalt  }
0x5b: {  	_ =	shalt  }
0x5c: {  	_ =	shalt  }
0x5d: {  	_ =	shalt  }
0x5e: {  	_ =	shalt  }
0x5f: {  	_ =	shalt  }
0x60: {  	_ =	shalt  }
0x61: {  	_ =	shalt  }
0x62: {  	_ =	shalt  }
0x63: {  	_ =	shalt  }
0x64: {  	_ =	shalt  }
0x65: {  	_ =	shalt  }
0x66: {  	_ =	shalt  }
0x67: {  	_ =	shalt  }
0x68: {  	_ =	shalt  }
0x69: {  	_ =	shalt  }
0x6a: {  	_ =	shalt  }
0x6b: {  	_ =	shalt  }
0x6c: {  	_ =	shalt  }
0x6d: {  	_ =	shalt  }
0x6e: {  	_ =	shalt  }
0x6f: {  	_ =	shalt  }
0x70: {  	_ =	shalt  }
0x71: {  	_ =	shalt  }
0x72: {  	_ =	shalt  }
0x73: {  	_ =	shalt  }
0x74: {  	_ =	shalt  }
0x75: {  	_ =	shalt  }
0x76: {  	_ =	shalt  }
0x77: {  	_ =	shalt  }
0x78: {  	_ =	shalt  }
0x79: {  	_ =	shalt  }
0x7a: {  	_ =	shalt  }
0x7b: {  	_ =	shalt  }
0x7c: {  	_ =	shalt  }
0x7d: {  	_ =	shalt  }
0x7e: {  	_ =	shalt  }
0x7f: {  	_ =	shalt  }
0x80: {  	_ =	shalt  }
0x81: {  	_ =	shalt  }
0x82: {  	_ =	shalt  }
0x83: {  	_ =	shalt  }
0x84: {  	_ =	shalt  }
0x85: {  	_ =	shalt  }
0x86: {  	_ =	shalt  }
0x87: {  	_ =	shalt  }
.Lfunc_end0:
.L_simem_size_0:
called_computation_lowered:
.L_overlay_start_0:
0x88: {  	s2 =	sld [smem:$0x3FD9]  }
0x89: {  	s3 =	sld [smem:$0x3FFE];
	_ =	sdelay $0x1  }
0x8a: {  	s1 =	srdreg.scid  }
0x8b: {  	s0 =	sand.u32 $0x1, s1  }
0x8c: {  	s14 =	sshll.u32 s0, $0xA;
	s2 =	sadd.s32 s3, s2  }
0x8d: {  	s2 =	sadd.s32 s2, s14  }
0x8e: {  	[smem:$0x3FC4] =	sst s2  }
0x8f: {  	_ = 	snop  }
0x90: {  	s2 =	sld [smem:$0x3FC9]  }
0x91: {  	s15 =	sld [smem:$0x3FD0]  }
0x92: {  	s4 =	sld [smem:$0x3FC8]  }
0x93: {  	s5 =	sld [smem:$0x3FC7]  }
0x94: {  	s7 =	simm.s32 $0xA;
	s8 =	simm.s32 $0x10;
	s6 =	sld [smem:$0x3FC6]  }
0x95: {  	[smem:s8], [sflag:s7] =	dma.local [hbm:s15], $0x1  }
0x96: {  	_ =	swait.eq [sflag:s7], $0x1  }
0x97: {  	[sflag:s7] =	ssyncset.done $0x0  }
0x98: {  	[sflag:s7] =	ssyncadd.s32 $0xFFFFFFFF  }
0x99: {  	s16 =	sld [smem:$0x11];
	(tm) =	ssettm $0x1  }
0x9a: {  	s17 =	sld [smem:$0x3FFB];
	_ =	sdelay $0x3  }
0x9b: {  	_ =	strace s17  }
0x9c: {  	s7 =	sld [smem:$0x3FFC];
	_ =	sdelay $0x3  }
0x9d: {  	_ =	strace s7  }
0x9e: {  	s7 =	sld [smem:$0x3FFD];
	_ =	sdelay $0x3  }
0x9f: {  	_ =	strace s7  }
0xa0: {  	_ =	strace $0x8FFFFFFF  }
0xa1: {  	s18 =	sld [smem:$0x3FDB];
	_ =	sdelay $0x1  }
0xa2: {  	s19 =	simm.s32 $_scs_section_size  }
0xa3: {  	s9 =	simm.s32 $_size__tile_overlayer_lowered;
	s10 =	simm.s32 $_tile_overlayer_lowered  }
0xa4: {  	s22 =	simm.s32 $0x1BFF;
	s21 =	sshll.u32 s10, $0x1;
	s7 =	sadd.s32 s19, s18  }
0xa5: {  	s11 =	simm.s32 $0x0;
	s20 =	sshll.u32 s9, $0x1;
	s9 =	sadd.s32 s21, s7  }
0xa6: {  	[timem:s11], [sflag:s22] =	dma.local [hbm:s9], s20  }
0xa7: {  	_ =	swait.ge [sflag:s22], s20  }
0xa8: {  	s8 =	ssub.s32 $0x0, s20;
	[sflag:s22] =	ssyncset.done $0x0  }
0xa9: {  	[sflag:s22] =	ssyncadd.s32 s8;
	_ =	sdelay $0x1  }
0xaa: {  	s23 =	simm.s32 $0x1B8B  }
0xab: {  	_ =	swait.ge [sflag:s23], $0x1  }
0xac: {  	[sflag:s23] =	ssyncset.done $0x0  }
0xad: {  	s25 =	simm.s32 $0x1B8E;
	s24 =	sld [smem:$0x3FFE];
	[sflag:s23] =	ssyncadd.s32 $0xFFFFFFFF  }
0xae: {  	s26 =	simm.s32 $execute0_lowered;
	[smem:$0x3FD2] =	sst s25  }
0xaf: {  	s9 =	sshll.u32 s26, $0x1;
	_ =	strace $0x80000046;
	[dreg:$0x1] =	wrdreg $0xFFFFFFFF  }
0xb0: {  	s28 =	simm.s32 $_size_execute0_lowered;
	s7 =	sadd.s32 s7, s9;
	[dreg:$0x0] =	wrdreg $0x0  }
0xb1: {  	s9 =	sshll.u32 s28, $0x1;
	[dreg:$0x2] =	wrdreg s7  }
0xb2: {  	[dreg:$0x3] =	wrdreg s9  }
0xb3: {  	[dreg:$0x4] =	wrdreg $0xC0  }
0xb4: {  	_ =	task [dreg:s11], $0x5FFFF  }
0xb5: {  	[dreg:$0x1] =	wrdreg $0xFFFFFFFF  }
0xb6: {  	[dreg:$0x0] =	wrdreg $0x60  }
0xb7: {  	[dreg:$0x2] =	wrdreg s2  }
0xb8: {  	[dreg:$0x3] =	wrdreg s4  }
0xb9: {  	[dreg:$0x4] =	wrdreg s5  }
0xba: {  	[dreg:$0x5] =	wrdreg s6  }
0xbb: {  	[dreg:$0x6] =	wrdreg s24  }
0xbc: {  	[dreg:$0x7] =	wrdreg s16  }
0xbd: {  	[dreg:$0x8] =	wrdreg $0x1D7000  }
0xbe: {  	[dreg:$0x9] =	wrdreg $0x9  }
0xbf: {  	_ =	task.clear_ibuf [dreg:s11], $0xAFFFF;
	_ =	strace $0x90000046  }
0xc0: {  	s29 =	simm.s32 $0x9;
	_ =	strace $0x80000048  }
0xc1: {  	_ =	swait.ge [sflag:s29], $0x1  }
0xc2: {  	[sflag:s29] =	ssyncadd.s32 $0xFFFFFFFF  }
0xc3: {  	_ =	strace $0x90000048  }
0xc4: {  	_ =	sfence  }
0xc5: {  	s30 =	sld [smem:$0x0];
	_ =	sdelay $0x2  }
0xc6: {  	s31 =	sshll.u32 s1, $0xD;
	s1 =	sshrl.u32 s1, $0x2  }
0xc7: {  	s3 =	sand.u32 $0x4000, s31;
	s1 =	sadd.s32 s1, s30  }
0xc8: {  	s0 =	sor.u32 s3, s0;
	s1 =	sshll.u32 s1, $0x11  }
0xc9: {  	s0 =	sor.u32 s1, s0  }
0xca: {  	s0 =	sadd.s32 $0x8F2B, s0  }
0xcb: {  	[sflag:s0] =	ssyncadd.remote.s32 $0x1  }
0xcc: {  	_ =	sfence.sel $0xFFFF  }
0xcd: {  	[dreg:$0x0] =	wrdreg $0xFFFFFFFF;
	(pc) =	sbr.abs _section_cstart, $3  }
0xce: {  	[dreg:$0x1] =	wrdreg $0xFFFFFFFF  }
0xcf: {  	_ =	task.clear_ibuf [dreg:s11], $0x2FFFF;
	_ =	strace $0x9FFFFFFF  }
0xd0: {  	(tm) =	ssettm $0x7FFFFFFF  }
0xd1: {  	_ =	shalt  }
tec
execute0_lowered:
.L_overlay_start_1:
0x0: {  	(tag) =	ssettag $0x1  }
0x1: {  	s0 =	rddreg [dreg:$0x0]  }
0x2: {  	s2 =	rddreg [dreg:$0x1]  }
0x3: {  	s1 =	rddreg [dreg:$0x4]  }
0x4: {  	s6 =	rddreg [dreg:$0x5]  }
0x5: {  	s7 =	rddreg [dreg:$0x6];
	s8 =	simm.s32 $0x0;
	s13 =	stileid.u32  }
0x6: {  	s3 =	srdreg.scid;
	s10 =	simm.s32 $0xB58;
	s30 =	simm.s32 $0x1  }
0x7: {  	s31 =	simm.s32 $0x1C800;
	s16 =	simm.s32 $0x3;
	[smem:$0x7FF] =	sst s8  }
0x8: {  	s3 =	sand.u32 $0x1, s3;
	s4 =	sshll.u32 s13, $0x1;
	s5 =	sshll.u32 s13, $0xA  }
0x9: {  	p0 =	slt.u32 s13, $0xA;
	s26 =	sshll.u32 s13, $0xD;
	_ =	strace $0x80000047  }
0xa: {  	s4 =	sor.u32 s3, s4;
	s11 =	ssub.s32 $0x2, s3;
	s1 =	sadd.s32 s5, s1  }
0xb: {  	s10 =	simm.s32 @!p0 $0xB50;
	s3 =	sshll.u32 s3, $0xE;
	s9 =	smul.u32 $0xC30, s4  }
0xc: {  	s4 =	smin.u32 s4, $0x14;
	s18 =	sshrl.u32 s11, $0x1;
	s1 =	sadd.s32 s3, s1  }
0xd: {  	v0 =	vimm.s32 $0xFEDCBA98;
	v1 =	vimm.s32 $0x76543210;
	v2 =	vimm.s32 $0xBA98FEDC;
	s3 =	simm.s32 $0x80;
	s4 =	sshll.u32 s4, $0x3;
	s19 =	ssub.s32 s11, s18  }
0xe: {  	v3 =	vimm.s32 $0x32107654;
	v4 =	vimm.s32 $0xDCFE98BA;
	s11 =	sadd.s32 s26, s7;
	s1 =	sadd.s32 $0xA00, s1;
	s18 =	simm.s32 $0x4  }
0xf: {  	v5 =	vimm.s32 $0x54761032;
	v6 =	vimm.s32 $0xEFCDAB89;
	v7 =	vimm.s32 $0x67452301;
	s9 =	sadd.s32 s9, s4;
	[dreg:$0xf] =	wrdreg s1;
	s29 =	smax.u32 s19, $0x1  }
0x10: {  	v0 =	vunpack.c.l.s4.s8 v0;
	v1 =	vunpack.c.l.s4.s8 v1;
	v2 =	vunpack.c.l.s4.s8 v2;
	[dreg:$0xe] =	wrdreg s11;
	s20 =	sshrl.u32 s9, $0x3;
	s12 =	sshll.u32 s9, $0x4  }
0x11: {  	v3 =	vunpack.c.l.s4.s8 v3;
	v4 =	vunpack.c.l.s4.s8 v4;
	v5 =	vunpack.c.l.s4.s8 v5;
	s21 =	sadd.s32 $0xE0, s9;
	[dreg:$0x10] =	wrdreg s29;
	s22 =	sadd.s32 s0, s12  }
0x12: {  	v6 =	vunpack.c.l.s4.s8 v6;
	v7 =	vunpack.c.l.s4.s8 v7;
	v0 =	vunpack.c.0.s8.s32 v0;
	s14 =	sadd.s32 s2, s20;
	s24 =	sshll.u32 s21, $0x4;
	[dreg:$0x9] =	wrdreg s22  }
.Ltmp0:
0x13: {  	v1 =	vunpack.c.0.s8.s32 v1;
	v2 =	vunpack.c.0.s8.s32 v2;
	v3 =	vunpack.c.0.s8.s32 v3;
	s23 =	sadd.s32 $0x10, s14;
	[dreg:$0x8] =	wrdreg s14;
	(pc) =	sbr.rel .LBB2_1-.Ltmp0, $4  }
0x14: {  	v4 =	vunpack.c.0.s8.s32 v4;
	v5 =	vunpack.c.0.s8.s32 v5;
	v0 =	vand.u32 $0xF, v0;
	s4 =	simm.s32 $0x60;
	s5 =	sadd.s32 s0, s24;
	[dreg:$0xa] =	wrdreg s23  }
0x15: {  	v6 =	vunpack.c.0.s8.s32 v6;
	v7 =	vunpack.c.0.s8.s32 v7;
	v0 =	vcombine.low v0, v1;
	s25 =	sshrl.u32 s21, $0x3;
	s28 =	sadd.s32 $0x2C, s14;
	[dreg:$0xb] =	wrdreg s5  }
0x16: {  	v1 =	vcombine.low v3, v2;
	v2 =	vcombine.low v5, v4;
	v5 =	vlaneseq.u32;
	s12 =	simm.s32 $0xD;
	s5 =	sadd.s32 s2, s25;
	[dreg:$0xd] =	wrdreg s28  }
0x17: {  	v3 =	vcombine.low v7, v6;
	v4 =	vimm.f32 $0.0e+00;
	v5 =	vmul.u32 $0x11, v5;
	s22 =	simm.s32 $0x2;
	[dreg:$0xc] =	wrdreg s5;
	s5 =	simm.s32 $0x0  }
.LBB2_28:
0x18: {  	s1 =	simm.s32 $0x7  }
0x19: {  	_ =	swait.ge [sflag:s1], $0x4000  }
0x1a: {  	[sflag:s1] =	ssyncset.done $0x0  }
0x1b: {  	[sflag:s1] =	ssyncadd.s32 $0xFFFFC000  }
0x1c: {  	_ =	swait.ge [sflag:s1], $0x3000  }
0x1d: {  	[sflag:s1] =	ssyncset.done $0x0  }
0x1e: {  	s17 =	simm.s32 $0xB;
	[sflag:s1] =	ssyncadd.s32 $0xFFFFD000  }
0x1f: {  	_ =	swait.ge [sflag:s17], $0xE0  }
0x20: {  	[sflag:s17] =	ssyncset.done $0x0  }
0x21: {  	s19 =	simm.s32 $0x8;
	[sflag:s17] =	ssyncadd.s32 $0xFFFFFF20  }
0x22: {  	_ =	swait.ge [sflag:s19], $0x4000  }
0x23: {  	[sflag:s19] =	ssyncset.done $0x0  }
0x24: {  	[sflag:s19] =	ssyncadd.s32 $0xFFFFC000  }
0x25: {  	_ =	swait.ge [sflag:s19], $0x3000  }
0x26: {  	[sflag:s19] =	ssyncset.done $0x0  }
0x27: {  	s20 =	simm.s32 $0xC;
	[sflag:s19] =	ssyncadd.s32 $0xFFFFD000  }
0x28: {  	_ =	swait.ge [sflag:s20], $0xE0  }
0x29: {  	[sflag:s20] =	ssyncset.done $0x0  }
0x2a: {  	s21 =	simm.s32 $0x5;
	[sflag:s20] =	ssyncadd.s32 $0xFFFFFF20  }
0x2b: {  	_ =	swait.ge [sflag:s21], $0x4000  }
0x2c: {  	[sflag:s21] =	ssyncset.done $0x0  }
0x2d: {  	[sflag:s21] =	ssyncadd.s32 $0xFFFFC000  }
0x2e: {  	_ =	swait.ge [sflag:s21], $0x3000  }
0x2f: {  	[sflag:s21] =	ssyncset.done $0x0  }
0x30: {  	s23 =	simm.s32 $0x9;
	[sflag:s21] =	ssyncadd.s32 $0xFFFFD000  }
0x31: {  	_ =	swait.ge [sflag:s23], $0xE0  }
0x32: {  	[sflag:s23] =	ssyncset.done $0x0  }
0x33: {  	s24 =	simm.s32 $0x6;
	[sflag:s23] =	ssyncadd.s32 $0xFFFFFF20  }
0x34: {  	_ =	swait.ge [sflag:s24], $0x4000  }
0x35: {  	[sflag:s24] =	ssyncset.done $0x0  }
0x36: {  	[sflag:s24] =	ssyncadd.s32 $0xFFFFC000  }
0x37: {  	_ =	swait.ge [sflag:s24], $0x3000  }
0x38: {  	[sflag:s24] =	ssyncset.done $0x0  }
0x39: {  	s25 =	simm.s32 $0xA;
	[sflag:s24] =	ssyncadd.s32 $0xFFFFD000  }
0x3a: {  	_ =	swait.ge [sflag:s25], $0xE0  }
0x3b: {  	[sflag:s25] =	ssyncset.done $0x0  }
0x3c: {  	[sflag:s25] =	ssyncadd.s32 $0xFFFFFF20  }
0x3d: {  	s26 =	stileid.u32;
	[bflag:$0x0] =	sbarrier.arrive $0xFFFF  }
0x3e: {  	s1 =	sshll.u32 s26, $0x6;
	s11 =	rddreg [dreg:$0xe]  }
0x3f: {  	s1 =	sor.u32 $0x1C0D, s1;
	s12 =	rddreg [dreg:$0xf];
	s5 =	sshrl.u32 s11, $0x3  }
0x40: {  	[hbm:s12], [sflag:s1] =	dma.local [spmem:s5], $0x400  }
0x41: {  	s12 =	simm.s32 $0xD  }
0x42: {  	_ =	swait.ge [sflag:s12], $0x400  }
0x43: {  	s28 =	rddreg [dreg:$0x11]  }
0x44: {  	s29 =	rddreg [dreg:$0x10];
	s5 =	sadd.s32 $0x1, s28  }
0x45: {  	p0 =	sne.s32 s5, s29  }
.Ltmp1:
0x46: {  	_ = 	snop;
	(pc) =	sbr.rel @!p0 .LBB2_29-.Ltmp1, $3  }
0x47: {  	_ =	sdelay $0x1  }
0x48: {  	[sflag:s12] =	ssyncset.done $0x0  }
0x49: {  	[sflag:s12] =	ssyncadd.s32 $0xFFFFFC00  }
.LBB2_1:
0x4a: {  	[dreg:$0x11] =	wrdreg s5  }
0x4b: {  	s1 =	rddreg [dreg:$0x2];
	s29 =	simm.s32 $0x1D600  }
0x4c: {  	[tilespmem:s29], [sflag:$0xD] =	stream.linear.gather [hbm4b:s1+s8], $0x80, $0x38;
	[tilespmem:$0x1F700] =	vst v63  }
0x4d: {  	_ =	swait.ge [sflag:s12], $0x80  }
0x4e: {  	[sflag:s12] =	ssyncset.done $0x0  }
0x4f: {  	[sflag:s12] =	ssyncadd.s32 $0xFFFFFF80  }
0x50: {  	s14 =	simm.s32 $0x1D680;
	s13 =	rddreg [dreg:$0x3]  }
0x51: {  	[tilespmem:s14], [sflag:$0xD] =	stream.linear.gather [hbm4b:s13+s8], $0x80, $0x38;
	[tilespmem:$0x1F700] =	vst v63  }
0x52: {  	_ =	swait.ge [sflag:s12], $0x80  }
0x53: {  	[sflag:s12] =	ssyncset.done $0x0  }
0x54: {  	[sflag:s12] =	ssyncadd.s32 $0xFFFFFF80  }
0x55: {  	v6 =	vld [tilespmem:$0x1D600]  }
0x56: {  	v7 =	vld [tilespmem:$0x1D610]  }
0x57: {  	v8 =	vld [tilespmem:$0x1D620]  }
0x58: {  	v9 =	vld [tilespmem:$0x1D630]  }
0x59: {  	v10 =	vld [tilespmem:$0x1D640]  }
0x5a: {  	v11 =	vld [tilespmem:$0x1D650]  }
0x5b: {  	v12 =	vld [tilespmem:$0x1D660]  }
0x5c: {  	s15 =	rddreg [dreg:$0x9];
	v13 =	vld [tilespmem:$0x1D670]  }
0x5d: {  	v14 =	vld [tilespmem:$0x1D680];
	[tilespmem:s8], [sflag:$0x1] =	stream.linear.gather [hbm4b:s15+s8], $0x7000, $0x38  }
0x5e: {  	s19 =	simm.s32 $0x1C000;
	s17 =	rddreg [dreg:$0x8]  }
0x5f: {  	[tilespmem:s19], [sflag:$0x1] =	stream.linear.gather [hbm4b:s17+s8], $0x80, $0x38;
	[tilespmem:$0x1F700] =	vst v63  }
0x60: {  	s21 =	simm.s32 $0x1C080;
	s20 =	rddreg [dreg:$0xa]  }
0x61: {  	[tilespmem:s21], [sflag:$0x1] =	stream.linear.gather [hbm4b:s20+s8], $0x60, $0x38;
	[tilespmem:$0x1F700] =	vst v63  }
0x62: {  	s24 =	simm.s32 $0x7000;
	s23 =	rddreg [dreg:$0xb]  }
0x63: {  	[tilespmem:s24], [sflag:$0x2] =	stream.linear.gather [hbm4b:s23+s8], $0x7000, $0x38;
	[tilespmem:$0x1F700] =	vst v63  }
0x64: {  	s26 =	simm.s32 $0x1C100;
	s5 =	simm.s32 $0x200;
	s25 =	rddreg [dreg:$0xc]  }
0x65: {  	[tilespmem:s26], [sflag:$0x2] =	stream.linear.gather [hbm4b:s25+s8], $0x80, $0x38;
	[tilespmem:$0x1F700] =	vst v63  }
0x66: {  	s29 =	simm.s32 $0x1C180;
	s1 =	simm.s32 $0x0;
	s28 =	rddreg [dreg:$0xd]  }
0x67: {  	[tilespmem:s29], [sflag:$0x2] =	stream.linear.gather [hbm4b:s28+s8], $0x60, $0x38;
	[tilespmem:$0x1F700] =	vst v63  }
.LBB2_2:
0x68: {  	p0 =	sne.s32 s5, $0x7E00;
	[tilespmem:s1+$0x15070] =	vst v4  }
0x69: {  	[tilespmem:s1+$0x15000] =	vst v4  }
0x6a: {  	[tilespmem:s1+$0x15010] =	vst v4  }
.Ltmp2:
0x6b: {  	[tilespmem:s1+$0x15020] =	vst v4;
	(pc) =	sbr.rel @p0 .LBB2_2-.Ltmp2, $4  }
0x6c: {  	[tilespmem:s1+$0x15030] =	vst v4  }
0x6d: {  	[tilespmem:s1+$0x15040] =	vst v4  }
0x6e: {  	[tilespmem:s1+$0x15050] =	vst v4  }
0x6f: {  	[tilespmem:s1+$0x15060] =	vst v4;
	s1 =	sshra.s32 s5, $0x2;
	s5 =	sadd.s32 $0x200, s5  }
0x70: {  	[tilespmem:s1+$0x15070] =	vst v4  }
0x71: {  	[tilespmem:s1+$0x15000] =	vst v4  }
0x72: {  	[tilespmem:s1+$0x15010] =	vst v4  }
0x73: {  	[tilespmem:s1+$0x15020] =	vst v4  }
0x74: {  	[tilespmem:s1+$0x15030] =	vst v4  }
0x75: {  	[tilespmem:s1+$0x15040] =	vst v4  }
0x76: {  	[tilespmem:s1+$0x15050] =	vst v4  }
0x77: {  	[tilespmem:s1+$0x15060] =	vst v4;
	s29 =	simm.s32 $0x15000  }
0x78: {  	[spmem:s11] =	stream.linear.scatter [tilespmem:s29], [sflag:$0xD], $0x2000, $0x38;
	[tilespmem:$0x1F700] =	vst v63  }
.Ltmp3:
0x79: {  	_ =	swait.ge [sflag:s12], $0x2000;
	(pc) =	sbr.rel .LBB2_4-.Ltmp3, $4  }
0x7a: {  	[sflag:s12] =	ssyncset.done $0x0  }
0x7b: {  	[sflag:s12] =	ssyncadd.s32 $0xFFFFE000  }
0x7c: {  	[bflag:$0x0] =	sbarrier.arrive $0xFFFF  }
0x7d: {  	v14 =	vbroadcast v14, $0x0;
	s15 =	simm.s32 $0x0;
	s14 =	simm.s32 $0x0  }
.LBB2_26:
0x7e: {  	_ =	sdelay $0x1  }
0x7f: {  	s1 =	sadd.s32 $0x10, s1  }
0x80: {  	[tilespmem:s1+$0x0] =	vst v15  }
0x81: {  	v15 =	vld.idx.msk [tilespmem:v16+s31+$0x0], $0xffff;
	_ =	sdelay $0x3  }
0x82: {  	s5 =	sshrl.u32 s13, $0x3;
	p0 =	sgt.u32 s14, $0xB;
	s1 =	sadd.s32 $0x10, s1  }
0x83: {  	s24 =	simm.s32 $0x1C700;
	s23 =	sadd.s32 s6, s5;
	p1 =	slt.u32 @!p0 s14, $0x2;
	[tilespmem:s1+$0x0] =	vst v15  }
0x84: {  	[hbm4b:s23+s8] =	stream.linear.scatter [tilespmem:s24], [sflag:$0xC], $0xE0, $0x38;
	[tilespmem:$0x1F700] =	vst v63  }
0x85: {  	s25 =	simm.s32 $0x15000;
	s26 =	simm.s32 $0x1C300;
	p1 =	por p1, p0  }
0x86: {  	[spmem:s7] =	stream.indirect.scatter.add.f32 [tilespmem:s25], [sflag:$0x8], $0x80, s26, s3, $0xb8;
	[tilespmem:$0x1F700] =	vst v63  }
0x87: {  	s28 =	simm.s32 $0x1C380;
	s29 =	simm.s32 $0x19000;
	s1 =	simm.s32 @!p1 $0x6  }
0x88: {  	[spmem:s7] =	stream.indirect.scatter.add.f32 [tilespmem:s29], [sflag:$0x8], $0x80, s28, s4, $0xb8;
	[tilespmem:$0x1F700] =	vst v63  }
0x89: {  	s5 =	sadd.s32 @!p0 $0x1C0, s17;
	_ =	swait.ge @!p1 [sflag:s1], $0x4000  }
0x8a: {  	p2 =	slt.s32 @!p0 s5, s10;
	[sflag:s1] =	ssyncset.done @!p1 $0x0  }
0x8b: {  	p2 =	por !p2, p0;
	[sflag:s1] =	ssyncadd.s32 @!p1 $0xFFFFC000  }
0x8c: {  	s5 =	smov.u32 @p2 s10;
	_ =	swait.ge @!p1 [sflag:s1], $0x3000  }
0x8d: {  	s5 =	sadd.s32 @!p0 s9, s5;
	[sflag:s1] =	ssyncset.done @!p1 $0x0  }
0x8e: {  	[sflag:s1] =	ssyncadd.s32 @!p1 $0xFFFFD000;
	s1 =	sshll.u32 @!p0 s5, $0x4  }
0x8f: {  	s11 =	simm.s32 @!p0 $0x0;
	s12 =	simm.s32 @!p0 $0x7000;
	s1 =	sadd.s32 @!p0 s0, s1  }
0x90: {  	[tilespmem:s12], [sflag:$0x2] =	stream.linear.gather @!p0 [hbm4b:s1+s11], $0x7000, $0x38;
	[tilespmem:$0x1F700] =	vst v63  }
0x91: {  	s1 =	sshrl.u32 @!p0 s5, $0x3  }
0x92: {  	s5 =	simm.s32 @!p0 $0x1C100;
	s1 =	sadd.s32 @!p0 s2, s1  }
0x93: {  	[tilespmem:s5], [sflag:$0x2] =	stream.linear.gather @!p0 [hbm4b:s1+s11], $0x80, $0x38;
	[tilespmem:$0x1F700] =	vst v63  }
0x94: {  	s1 =	sadd.s32 @!p0 $0x10, s1;
	s5 =	simm.s32 @!p0 $0x1C180  }
0x95: {  	[tilespmem:s5], [sflag:$0x2] =	stream.linear.gather @!p0 [hbm4b:s1+s11], $0x60, $0x38;
	[tilespmem:$0x1F700] =	vst v63  }
.LBB2_27:
0x96: {  	s14 =	sadd.s32 $0x1, s14  }
0x97: {  	p0 =	sne.s32 s14, $0xE  }
.Ltmp4:
0x98: {  	_ = 	snop;
	(pc) =	sbr.rel @!p0 .LBB2_28-.Ltmp4, $2  }
0x99: {  	_ =	sdelay $0x2  }
0x9a: {  	s15 =	sadd.s32 $0xE0, s15  }
.LBB2_4:
0x9b: {  	s17 =	smul.u32 $0xE0, s14;
	_ =	sdelay $0x1  }
0x9c: {  	s1 =	sand.u32 $0x3, s14;
	s5 =	smov.u32 s10;
	p0 =	slt.s32 s17, s10  }
0x9d: {  	s5 =	smov.u32 @p0 s17;
	p0 =	sgt.s32 s1, $0x1  }
.Ltmp5:
0x9e: {  	_ = 	snop;
	(pc) =	sbr.rel @p0 .LBB2_21-.Ltmp5, $3  }
0x9f: {  	_ =	sdelay $0x1  }
0xa0: {  	p1 =	slt.s32 s10, s15;
	s19 =	smov.u32 s15  }
0xa1: {  	s19 =	smov.u32 @p1 s10;
	s13 =	sadd.s32 s9, s5  }
0xa2: {  	p0 =	seq.s32 s1, $0x0  }
.Ltmp6:
0xa3: {  	_ = 	snop;
	(pc) =	sbr.rel @!p0 .LBB2_11-.Ltmp6, $1  }
0xa4: {  	_ =	sdelay $0x3  }
0xa5: {  	_ =	swait.ge [sflag:s30], $0x7000  }
0xa6: {  	[sflag:s30] =	ssyncset.done $0x0  }
0xa7: {  	[sflag:s30] =	ssyncadd.s32 $0xFFFF9000  }
0xa8: {  	_ =	swait.ge [sflag:s30], $0x80  }
0xa9: {  	[sflag:s30] =	ssyncset.done $0x0  }
0xaa: {  	[sflag:s30] =	ssyncadd.s32 $0xFFFFFF80  }
0xab: {  	_ =	swait.ge [sflag:s30], $0x60  }
0xac: {  	p0 =	slt.u32 s14, $0x4;
	[sflag:s30] =	ssyncset.done $0x0  }
0xad: {  	s1 =	simm.s32 @!p0 $0x9;
	[sflag:s30] =	ssyncadd.s32 $0xFFFFFFA0  }
0xae: {  	_ =	swait.ge @!p0 [sflag:s1], $0xE0  }
0xaf: {  	[sflag:s1] =	ssyncset.done @!p0 $0x0  }
0xb0: {  	s20 =	simm.s32 $0x40;
	[sflag:s1] =	ssyncadd.s32 @!p0 $0xFFFFFF20  }
0xb1: {  	v45 =	vld [tilespmem:s20+$0xFFFFFFC0]  }
0xb2: {  	v46 =	vld [tilespmem:s20+$0xFFFFFFD0];
	_ =	sdelay $0x1  }
0xb3: {  	v27 =	vld [tilespmem:s20+$0xFFFFFFE0];
	_ =	sdelay $0x1  }
0xb4: {  	v32 =	vld [tilespmem:s20+$0xFFFFFFF0]  }
0xb5: {  	v15 =	vmul.f32 v45, v6;
	v16 =	vmul.f32 v46, v7  }
0xb6: {  	v34 =	vld [tilespmem:s20+$0x0]  }
0xb7: {  	v15 =	vadd.f32 v16, v15;
	v16 =	vmul.f32 v27, v8  }
0xb8: {  	v38 =	vld [tilespmem:s20+$0x10]  }
0xb9: {  	v15 =	vadd.f32 v16, v15;
	v16 =	vmul.f32 v32, v9  }
0xba: {  	v41 =	vld [tilespmem:s20+$0x20]  }
0xbb: {  	v15 =	vadd.f32 v16, v15;
	v16 =	vmul.f32 v34, v10  }
0xbc: {  	v44 =	vld [tilespmem:s20+$0x30]  }
0xbd: {  	v15 =	vadd.f32 v16, v15;
	v16 =	vmul.f32 v38, v11;
	_ =	sdelay $0x1  }
0xbe: {  	v15 =	vadd.f32 v16, v15;
	v16 =	vmul.f32 v41, v12;
	_ =	sdelay $0x1  }
0xbf: {  	v15 =	vadd.f32 v16, v15;
	v16 =	vmul.f32 v44, v13;
	_ =	sdelay $0x1  }
0xc0: {  	s1 =	simm.s32 $0xC0;
	v15 =	vadd.f32 v16, v15  }
0xc1: {  	v19 =	vld [tilespmem:s1+$0xFFFFFFC0]  }
0xc2: {  	v17 =	vld [tilespmem:s1+$0xFFFFFFD0];
	v16 =	vperm.xlane v15, v0;
	_ =	sdelay $0x1  }
0xc3: {  	v24 =	vld [tilespmem:s1+$0xFFFFFFE0];
	v16 =	vadd.f32 v15, v16;
	_ =	sdelay $0x1  }
0xc4: {  	v21 =	vld [tilespmem:s1+$0xFFFFFFF0];
	v18 =	vperm.xlane v16, v1  }
0xc5: {  	v20 =	vmul.f32 v19, v6;
	v22 =	vmul.f32 v17, v7  }
0xc6: {  	v15 =	vld [tilespmem:s1+$0x0];
	v16 =	vadd.f32 v16, v18  }
0xc7: {  	v20 =	vadd.f32 v22, v20;
	v22 =	vmul.f32 v24, v8  }
0xc8: {  	v18 =	vld [tilespmem:s1+$0x10];
	v23 =	vperm.xlane v16, v2  }
0xc9: {  	v20 =	vadd.f32 v22, v20;
	v22 =	vmul.f32 v21, v9  }
0xca: {  	v26 =	vld [tilespmem:s1+$0x20];
	v23 =	vadd.f32 v16, v23  }
0xcb: {  	v20 =	vadd.f32 v22, v20;
	v22 =	vmul.f32 v15, v10  }
0xcc: {  	v36 =	vld [tilespmem:s1+$0x30];
	v25 =	vperm.xlane v23, v3  }
0xcd: {  	v20 =	vadd.f32 v22, v20;
	v28 =	vmul.f32 v18, v11  }
0xce: {  	v23 =	vadd.f32 v23, v25  }
0xcf: {  	s11 =	simm.s32 $0x140;
	v25 =	vadd.f32 v28, v20;
	v28 =	vmul.f32 v26, v12  }
0xd0: {  	v22 =	vld [tilespmem:s11+$0xFFFFFFD0];
	v23 =	vadd.f32 v23, v14  }
0xd1: {  	v29 =	vmul.f32 v36, v13;
	v16 =	vld [tilespmem:s11+$0xFFFFFFC0];
	v28 =	vadd.f32 v28, v25  }
0xd2: {  	v33 =	vsub.f32 $0.0e+00, v23  }
0xd3: {  	v20 =	vld [tilespmem:s11+$0xFFFFFFE0];
	v29 =	vadd.f32 v29, v28  }
0xd4: {  	v33 =	vmul.f32 $1.442695020e+00, v33  }
0xd5: {  	v31 =	vmul.f32 v22, v7;
	v25 =	vld [tilespmem:s11+$0xFFFFFFF0];
	v35 =	vperm.xlane v29, v0  }
0xd6: {  	v30 =	vmul.f32 v16, v6;
	(erf) = vpow2.f32 v33  }
0xd7: {  	v23 =	vld [tilespmem:s11+$0x0];
	v53 =	vadd.f32 v29, v35  }
0xd8: {  	v30 =	vadd.f32 v31, v30;
	v31 =	vmul.f32 v20, v8  }
0xd9: {  	v28 =	vld [tilespmem:s11+$0x10];
	v35 =	vperm.xlane v53, v1  }
0xda: {  	v30 =	vadd.f32 v31, v30;
	v31 =	vmul.f32 v25, v9  }
0xdb: {  	v29 =	vld [tilespmem:s11+$0x20];
	v33 =	vadd.f32 v53, v35  }
0xdc: {  	v30 =	vadd.f32 v31, v30;
	v31 =	vmul.f32 v23, v10  }
0xdd: {  	v40 =	vld [tilespmem:s11+$0x30];
	v39 =	vperm.xlane v33, v2  }
0xde: {  	v30 =	vadd.f32 v31, v30;
	v31 =	vmul.f32 v28, v11  }
0xdf: {  	v33 =	vadd.f32 v33, v39;
	v42 =	vpop (erf)  }
0xe0: {  	s5 =	simm.s32 $0x1C0;
	v54 =	vadd.f32 v31, v30;
	v37 =	vmul.f32 v29, v12;
	v56 =	vadd.f32 $1.000000000e+00, v42  }
0xe1: {  	v31 =	vld [tilespmem:s5+$0xFFFFFFC0];
	v43 =	vperm.xlane v33, v3  }
0xe2: {  	v55 =	vmul.f32 v40, v13;
	v30 =	vld [tilespmem:s5+$0xFFFFFFD0];
	v35 =	vadd.f32 v37, v54;
	(erf) = vrcp.f32 v56  }
0xe3: {  	v43 =	vadd.f32 v33, v43  }
0xe4: {  	v39 =	vld [tilespmem:s5+$0xFFFFFFE0];
	v35 =	vadd.f32 v55, v35  }
0xe5: {  	v43 =	vadd.f32 v43, v14  }
0xe6: {  	v42 =	vld [tilespmem:s5+$0xFFFFFFF0];
	v47 =	vperm.xlane v35, v0  }
0xe7: {  	v57 =	vmul.f32 v31, v6;
	v48 =	vmul.f32 v30, v7;
	v43 =	vsub.f32 $0.0e+00, v43  }
0xe8: {  	v33 =	vld [tilespmem:s5+$0x0];
	v47 =	vadd.f32 v35, v47  }
0xe9: {  	v37 =	vadd.f32 v48, v57;
	v58 =	vmul.f32 v39, v8;
	v60 =	vmul.f32 $1.442695020e+00, v43  }
0xea: {  	v35 =	vld [tilespmem:s5+$0x10];
	v49 =	vperm.xlane v47, v1  }
0xeb: {  	v48 =	vadd.f32 v58, v37;
	v50 =	vmul.f32 v42, v9;
	v52 =	vpop (erf);
	(erf) = vpow2.f32 v60  }
0xec: {  	v37 =	vld [tilespmem:s5+$0x20];
	v47 =	vadd.f32 v47, v49  }
0xed: {  	v48 =	vadd.f32 v50, v48;
	v59 =	vmul.f32 v33, v10  }
0xee: {  	v43 =	vld [tilespmem:s5+$0x30];
	v51 =	vperm.xlane v47, v2  }
0xef: {  	p6 =	slt.u32 s19, s17;
	v61 =	vmul.f32 v35, v11;
	v48 =	vadd.f32 v59, v48  }
0xf0: {  	v50 =	vadd.f32 v47, v51;
	v51 =	vpsel p6, $0x0, v52  }
0xf1: {  	s23 =	simm.s32 $0x240;
	s21 =	simm.s32 $0x0;
	v63 =	vmul.f32 v37, v12;
	v62 =	vadd.f32 v61, v48;
	v55 =	vmul.f32 v51, v44  }
0xf2: {  	s24 =	simm.s32 $0x0;
	s29 =	simm.s32 $0x40;
	s28 =	simm.s32 $0x80;
	[tilespmem:s21+$0x1C800] =	vst v52;
	v44 =	vld [tilespmem:s23+$0xFFFFFFC0];
	v54 =	vperm.xlane v50, v3;
	v52 =	vmul.f32 v51, v45  }
0xf3: {  	s26 =	simm.s32 $0xC0;
	s25 =	simm.s32 $0x100;
	s21 =	simm.s32 $0x140;
	v45 =	vld [tilespmem:s23+$0xFFFFFFD0];
	v48 =	vadd.f32 v63, v62;
	v49 =	vmul.f32 v43, v13;
	v53 =	vmul.f32 v51, v46;
	[tilespmem:s20+$0x30] =	vst v55  }
.LBB2_7:
0xf4: {  	p0 =	sne.s32 s21, $0x37C0;
	v46 =	vadd.f32 v50, v54;
	v47 =	vpop (erf);
	[tilespmem:s20+$0xFFFFFFC0] =	vst v52;
	v50 =	vmul.f32 v51, v27;
	v54 =	vmul.f32 v51, v32  }
0xf5: {  	v34 =	vmul.f32 v51, v34;
	v27 =	vmovc v24;
	v52 =	vld [tilespmem:s23+$0xFFFFFFE0];
	v48 =	vadd.f32 v49, v48;
	v47 =	vadd.f32 $1.000000000e+00, v47;
	[tilespmem:s20+$0xFFFFFFD0] =	vst v53  }
0xf6: {  	v38 =	vmul.f32 v51, v38;
	v41 =	vmul.f32 v51, v41;
	v46 =	vadd.f32 v46, v14;
	[tilespmem:s20+$0xFFFFFFE0] =	vst v50  }
0xf7: {  	v24 =	vmovc v20;
	v20 =	vmovc v39;
	v32 =	vmov v21;
	v49 =	vld [tilespmem:s23+$0xFFFFFFF0];
	v50 =	vperm.xlane v48, v0;
	(erf) = vrcp.f32 v47;
	[tilespmem:s20+$0xFFFFFFF0] =	vst v54  }
0xf8: {  	v21 =	vmovc v25;
	v51 =	vmul.f32 v44, v6;
	v47 =	vmul.f32 v45, v7;
	v46 =	vsub.f32 $0.0e+00, v46;
	[tilespmem:s20+$0x0] =	vst v34  }
0xf9: {  	v25 =	vmovc v42;
	v34 =	vmovc v15;
	v15 =	vmov v23;
	v23 =	vmov v33;
	v48 =	vadd.f32 v48, v50;
	[tilespmem:s20+$0x10] =	vst v38;
	v33 =	vld [tilespmem:s23+$0x0]  }
0xfa: {  	v53 =	vadd.f32 v47, v51;
	v47 =	vmul.f32 v52, v8;
	v46 =	vmul.f32 $1.442695020e+00, v46;
	[tilespmem:s20+$0x20] =	vst v41;
	v39 =	vmovc v52;
	s20 =	smov.u32 s1;
	s1 =	smov.u32 s11;
	s11 =	smov.u32 s5  }
0xfb: {  	v38 =	vmovc v18;
	v18 =	vmovc v28;
	v28 =	vmov v35;
	v41 =	vmov v26;
	s5 =	smov.u32 s23;
	v50 =	vperm.xlane v48, v1;
	v35 =	vld [tilespmem:s23+$0x10]  }
0xfc: {  	v26 =	vmovc v29;
	v47 =	vadd.f32 v47, v53;
	v51 =	vmul.f32 v49, v9;
	(erf) = vpow2.f32 v46;
	v42 =	vmovc v49  }
0xfd: {  	v29 =	vmovc v37;
	v49 =	vmovc v16;
	v16 =	vmov v31;
	v46 =	vadd.f32 v48, v50;
	v37 =	vld [tilespmem:s23+$0x20];
	v48 =	vmov v43  }
0xfe: {  	v31 =	vmovc v44;
	v47 =	vadd.f32 v51, v47;
	v50 =	vmul.f32 v33, v10;
	v53 =	vmovc v17;
	v17 =	vmov v22  }
0xff: {  	s19 =	sadd.s32 $0x1, s19;
	v22 =	vmov v30;
	v30 =	vmov v45;
	v43 =	vld [tilespmem:s23+$0x30];
	v44 =	vperm.xlane v46, v2  }
.Ltmp7:
0x100: {  	p1 =	slt.u32 s19, s17;
	v45 =	vadd.f32 v50, v47;
	v47 =	vmul.f32 v35, v11;
	v52 =	vpop (erf);
	(pc) =	sbr.rel @p0 .LBB2_7-.Ltmp7, $4  }
0x101: {  	v50 =	vadd.f32 v46, v44;
	v51 =	vpsel p1, $0x0, v52  }
0x102: {  	s12 =	sshra.s32 s29, $0x2;
	s29 =	smov.u32 s28;
	s23 =	sadd.s32 $0x80, s23;
	v46 =	vadd.f32 v47, v45;
	v47 =	vmul.f32 v37, v12;
	v55 =	vmul.f32 v51, v36;
	v36 =	vmovc v40  }
0x103: {  	s28 =	smov.u32 s26;
	s26 =	smov.u32 s25;
	s25 =	smov.u32 s21;
	v40 =	vmovc v48;
	v44 =	vld [tilespmem:s23+$0xFFFFFFC0];
	v54 =	vperm.xlane v50, v3;
	[tilespmem:s12+$0x1C800] =	vst v52;
	v52 =	vmul.f32 v51, v19;
	v19 =	vmov v49  }
0x104: {  	s21 =	sadd.s32 $0x40, s21;
	v53 =	vmul.f32 v51, v53;
	v45 =	vld [tilespmem:s23+$0xFFFFFFD0];
	v48 =	vadd.f32 v47, v46;
	v49 =	vmul.f32 v43, v13;
	[tilespmem:s20+$0x30] =	vst v55  }
0x105: {  	_ = 	snop  }
0x106: {  	v46 =	vld [tilespmem:s23+$0xFFFFFFE0];
	_ =	sdelay $0x1  }
0x107: {  	v47 =	vld [tilespmem:s23+$0xFFFFFFF0]  }
0x108: {  	v55 =	vmul.f32 v44, v6;
	v56 =	vmul.f32 v45, v7  }
0x109: {  	v57 =	vadd.f32 v49, v48;
	v48 =	vld [tilespmem:s23+$0x0]  }
0x10a: {  	v61 =	vmul.f32 v46, v8;
	v55 =	vadd.f32 v56, v55  }
0x10b: {  	v49 =	vld [tilespmem:s23+$0x10];
	v58 =	vperm.xlane v57, v0  }
0x10c: {  	v54 =	vadd.f32 v50, v54;
	v62 =	vmul.f32 v47, v9;
	v55 =	vadd.f32 v61, v55  }
0x10d: {  	v50 =	vld [tilespmem:s23+$0x20];
	v57 =	vadd.f32 v57, v58  }
0x10e: {  	v54 =	vadd.f32 v54, v14;
	v56 =	vmul.f32 v48, v10;
	v55 =	vadd.f32 v62, v55  }
0x10f: {  	v59 =	vld [tilespmem:s23+$0x30];
	v58 =	vperm.xlane v57, v1  }
0x110: {  	v60 =	vpop (erf);
	v54 =	vsub.f32 $0.0e+00, v54;
	v63 =	vmul.f32 v49, v11;
	v55 =	vadd.f32 v56, v55  }
0x111: {  	v60 =	vadd.f32 $1.000000000e+00, v60;
	v57 =	vadd.f32 v57, v58  }
0x112: {  	v54 =	vmul.f32 $1.442695020e+00, v54;
	v61 =	vmul.f32 v50, v12;
	v55 =	vadd.f32 v63, v55  }
0x113: {  	(erf) = vrcp.f32 v60;
	v62 =	vperm.xlane v57, v2  }
0x114: {  	v60 =	vmul.f32 v59, v13;
	(erf) = vpow2.f32 v54;
	v63 =	vadd.f32 v61, v55  }
0x115: {  	v61 =	vadd.f32 v57, v62  }
0x116: {  	v54 =	vadd.f32 v60, v63  }
0x117: {  	v62 =	vperm.xlane v61, v3  }
0x118: {  	v63 =	vperm.xlane v54, v0  }
0x119: {  	v55 =	vadd.f32 v61, v62  }
0x11a: {  	v54 =	vadd.f32 v54, v63  }
0x11b: {  	v55 =	vadd.f32 v55, v14  }
0x11c: {  	v56 =	vpop (erf);
	v57 =	vperm.xlane v54, v1  }
0x11d: {  	v60 =	vpop (erf);
	v55 =	vsub.f32 $0.0e+00, v55  }
0x11e: {  	v61 =	vadd.f32 $1.000000000e+00, v60;
	v54 =	vadd.f32 v54, v57  }
0x11f: {  	v55 =	vmul.f32 $1.442695020e+00, v55  }
0x120: {  	(erf) = vrcp.f32 v61;
	v62 =	vperm.xlane v54, v2  }
0x121: {  	(erf) = vpow2.f32 v55  }
0x122: {  	v54 =	vadd.f32 v54, v62;
	_ =	sdelay $0x1  }
0x123: {  	[tilespmem:s20+$0xFFFFFFC0] =	vst v52;
	v27 =	vmul.f32 v51, v27;
	v63 =	vperm.xlane v54, v3  }
0x124: {  	v32 =	vmul.f32 v51, v32;
	[tilespmem:s20+$0xFFFFFFD0] =	vst v53  }
0x125: {  	v34 =	vmul.f32 v51, v34;
	s12 =	sadd.s32 $0x1, s19;
	[tilespmem:s20+$0xFFFFFFE0] =	vst v27;
	v55 =	vadd.f32 v54, v63  }
0x126: {  	p0 =	slt.u32 s12, s17;
	[tilespmem:s20+$0xFFFFFFF0] =	vst v32;
	v58 =	vmul.f32 v51, v41  }
0x127: {  	[tilespmem:s20+$0x0] =	vst v34;
	v60 =	vpsel p0, $0x0, v56;
	v27 =	vadd.f32 v55, v14  }
0x128: {  	s29 =	sshra.s32 s29, $0x2;
	[tilespmem:s20+$0x20] =	vst v58;
	v36 =	vmul.f32 v60, v36;
	v61 =	vpop (erf)  }
0x129: {  	[tilespmem:s29+$0x1C800] =	vst v56;
	v19 =	vmul.f32 v60, v19;
	v62 =	vpop (erf);
	v27 =	vsub.f32 $0.0e+00, v27  }
0x12a: {  	v17 =	vmul.f32 v60, v17;
	[tilespmem:s1+$0x30] =	vst v36;
	v57 =	vmul.f32 v51, v38;
	v38 =	vadd.f32 $1.000000000e+00, v62  }
0x12b: {  	v21 =	vmul.f32 v60, v21;
	[tilespmem:s1+$0xFFFFFFC0] =	vst v19;
	v27 =	vmul.f32 $1.442695020e+00, v27  }
0x12c: {  	v15 =	vmul.f32 v60, v15;
	[tilespmem:s1+$0xFFFFFFD0] =	vst v17;
	(erf) = vrcp.f32 v38  }
0x12d: {  	v19 =	vmul.f32 v60, v24;
	[tilespmem:s1+$0xFFFFFFF0] =	vst v21;
	(erf) = vpow2.f32 v27  }
0x12e: {  	s12 =	sadd.s32 $0x1, s12;
	v17 =	vmul.f32 v60, v18;
	[tilespmem:s1+$0x0] =	vst v15  }
0x12f: {  	p4 =	slt.u32 s12, s17;
	v18 =	vmul.f32 v60, v26;
	[tilespmem:s1+$0xFFFFFFE0] =	vst v19  }
0x130: {  	[tilespmem:s1+$0x10] =	vst v17;
	v15 =	vpsel p4, $0x0, v61  }
0x131: {  	[tilespmem:s1+$0x20] =	vst v18;
	v17 =	vmul.f32 v15, v40  }
0x132: {  	s19 =	sshra.s32 s28, $0x2;
	[tilespmem:s20+$0x10] =	vst v57;
	v18 =	vmul.f32 v15, v22  }
0x133: {  	[tilespmem:s19+$0x1C800] =	vst v61;
	v16 =	vmul.f32 v15, v16  }
0x134: {  	[tilespmem:s11+$0x30] =	vst v17  }
0x135: {  	[tilespmem:s11+$0xFFFFFFC0] =	vst v16;
	v16 =	vmul.f32 v15, v20;
	v17 =	vpop (erf)  }
0x136: {  	v19 =	vmul.f32 v15, v25;
	[tilespmem:s11+$0xFFFFFFD0] =	vst v18;
	v18 =	vpop (erf)  }
0x137: {  	v63 =	vmul.f32 v15, v23;
	[tilespmem:s11+$0xFFFFFFE0] =	vst v16;
	v16 =	vadd.f32 $1.000000000e+00, v18  }
0x138: {  	s20 =	sadd.s32 $0x1, s12;
	[tilespmem:s11+$0xFFFFFFF0] =	vst v19;
	v18 =	vmul.f32 v15, v28  }
0x139: {  	s21 =	sshra.s32 s26, $0x2;
	p5 =	slt.u32 s20, s17;
	[tilespmem:s11+$0x0] =	vst v63;
	v15 =	vmul.f32 v15, v29;
	(erf) = vrcp.f32 v16  }
0x13a: {  	[tilespmem:s21+$0x1C800] =	vst v17;
	v16 =	vpsel p5, $0x0, v17  }
0x13b: {  	[tilespmem:s11+$0x20] =	vst v15;
	v15 =	vmul.f32 v16, v43  }
0x13c: {  	[tilespmem:s11+$0x10] =	vst v18;
	v17 =	vmul.f32 v16, v31  }
0x13d: {  	v18 =	vmul.f32 v16, v30;
	[tilespmem:s5+$0x30] =	vst v15  }
0x13e: {  	[tilespmem:s5+$0xFFFFFFC0] =	vst v17;
	v15 =	vmul.f32 v16, v39;
	v17 =	vmul.f32 v16, v42  }
0x13f: {  	[tilespmem:s5+$0xFFFFFFD0] =	vst v18  }
0x140: {  	v18 =	vmul.f32 v16, v33;
	[tilespmem:s5+$0xFFFFFFE0] =	vst v15  }
0x141: {  	s1 =	sadd.s32 $0x1, s20;
	v15 =	vmul.f32 v16, v35;
	[tilespmem:s5+$0xFFFFFFF0] =	vst v17  }
0x142: {  	p6 =	slt.u32 s1, s17;
	v16 =	vmul.f32 v16, v37;
	[tilespmem:s5+$0x0] =	vst v18;
	v17 =	vpop (erf)  }
0x143: {  	[tilespmem:s5+$0x10] =	vst v15;
	v15 =	vpsel p6, $0x0, v17  }
0x144: {  	s26 =	sshra.s32 s25, $0x2;
	[tilespmem:s5+$0x20] =	vst v16;
	v16 =	vmul.f32 v15, v59  }
0x145: {  	[tilespmem:s26+$0x1C800] =	vst v17;
	v17 =	vmul.f32 v15, v44  }
0x146: {  	v18 =	vmul.f32 v15, v45;
	[tilespmem:s23+$0x30] =	vst v16  }
0x147: {  	[tilespmem:s23+$0xFFFFFFC0] =	vst v17;
	v16 =	vmul.f32 v15, v46  }
0x148: {  	v19 =	vmul.f32 v15, v49;
	[tilespmem:s23+$0xFFFFFFD0] =	vst v18  }
0x149: {  	v17 =	vmul.f32 v15, v47;
	[tilespmem:s23+$0xFFFFFFE0] =	vst v16;
	v16 =	vor.u32 s24, v5  }
0x14a: {  	v18 =	vmul.f32 v15, v48;
	[tilespmem:s23+$0x10] =	vst v19  }
0x14b: {  	v15 =	vmul.f32 v15, v50;
	[tilespmem:s23+$0xFFFFFFF0] =	vst v17  }
0x14c: {  	[tilespmem:s23+$0x0] =	vst v18  }
0x14d: {  	[tilespmem:s23+$0x20] =	vst v15  }
0x14e: {  	s28 =	simm.s32 $0x100;
	v15 =	vld.idx.msk [tilespmem:v16+s31+$0x0], $0xffff  }
0x14f: {  	v16 =	vor.u32 s28, v5;
	_ =	sdelay $0x2  }
0x150: {  	s1 =	simm.s32 $0x1C400  }
0x151: {  	[tilespmem:s1+$0x0] =	vst v15  }
0x152: {  	s29 =	simm.s32 $0x200;
	v15 =	vld.idx.msk [tilespmem:v16+s31+$0x0], $0xffff  }
0x153: {  	s5 =	simm.s32 $0x300;
	v16 =	vor.u32 s29, v5  }
.LBB2_9:
0x154: {  	p0 =	sne.s32 s5, $0xD00;
	_ =	sdelay $0x1  }
.Ltmp8:
0x155: {  	s1 =	sadd.s32 $0x10, s1;
	(pc) =	sbr.rel @p0 .LBB2_9-.Ltmp8, $3  }
0x156: {  	[tilespmem:s1+$0x0] =	vst v15  }
0x157: {  	v15 =	vld.idx.msk [tilespmem:v16+s31+$0x0], $0xffff;
	_ =	sdelay $0x1  }
0x158: {  	v16 =	vor.u32 s5, v5;
	s5 =	sadd.s32 $0x100, s5  }
0x159: {  	_ =	sdelay $0x1  }
0x15a: {  	s1 =	sadd.s32 $0x10, s1  }
0x15b: {  	[tilespmem:s1+$0x0] =	vst v15  }
0x15c: {  	v15 =	vld.idx.msk [tilespmem:v16+s31+$0x0], $0xffff;
	_ =	sdelay $0x3  }
0x15d: {  	s5 =	sshrl.u32 s13, $0x3;
	p0 =	sgt.u32 s14, $0xB;
	s1 =	sadd.s32 $0x10, s1  }
0x15e: {  	s25 =	simm.s32 $0x1C400;
	s24 =	sadd.s32 s6, s5;
	p1 =	slt.u32 @!p0 s14, $0x2;
	[tilespmem:s1+$0x0] =	vst v15  }
0x15f: {  	[hbm4b:s24+s8] =	stream.linear.scatter [tilespmem:s25], [sflag:$0x9], $0xE0, $0x38;
	[tilespmem:$0x1F700] =	vst v63  }
0x160: {  	s26 =	simm.s32 $0x1C000;
	p1 =	por p1, p0  }
0x161: {  	[spmem:s7] =	stream.indirect.scatter.add.f32 [tilespmem:s8], [sflag:$0x5], $0x80, s26, s3, $0xb8;
	[tilespmem:$0x1F700] =	vst v63  }
0x162: {  	s28 =	simm.s32 $0x1C080;
	s29 =	simm.s32 $0x4000;
	s1 =	simm.s32 @!p1 $0x7  }
0x163: {  	[spmem:s7] =	stream.indirect.scatter.add.f32 [tilespmem:s29], [sflag:$0x5], $0x80, s28, s4, $0xb8;
	[tilespmem:$0x1F700] =	vst v63  }
0x164: {  	s5 =	sadd.s32 @!p0 $0x1C0, s17;
	_ =	swait.ge @!p1 [sflag:s1], $0x4000  }
0x165: {  	p2 =	slt.s32 @!p0 s5, s10;
	[sflag:s1] =	ssyncset.done @!p1 $0x0  }
0x166: {  	p2 =	por !p2, p0;
	[sflag:s1] =	ssyncadd.s32 @!p1 $0xFFFFC000  }
0x167: {  	s5 =	smov.u32 @p2 s10;
	_ =	swait.ge @!p1 [sflag:s1], $0x3000  }
0x168: {  	s5 =	sadd.s32 @!p0 s9, s5;
	[sflag:s1] =	ssyncset.done @!p1 $0x0  }
0x169: {  	[sflag:s1] =	ssyncadd.s32 @!p1 $0xFFFFD000;
	s1 =	sshll.u32 @!p0 s5, $0x4  }
0x16a: {  	s11 =	simm.s32 @!p0 $0x0;
	s12 =	simm.s32 @!p0 $0xE000;
	s1 =	sadd.s32 @!p0 s0, s1  }
0x16b: {  	[tilespmem:s12], [sflag:$0x3] =	stream.linear.gather @!p0 [hbm4b:s1+s11], $0x7000, $0x38;
	[tilespmem:$0x1F700] =	vst v63  }
.Ltmp9:
0x16c: {  	s1 =	sshrl.u32 @!p0 s5, $0x3;
	(pc) =	sbr.rel .LBB2_27-.Ltmp9, $4  }
0x16d: {  	s5 =	simm.s32 @!p0 $0x1C200;
	s1 =	sadd.s32 @!p0 s2, s1  }
0x16e: {  	[tilespmem:s5], [sflag:$0x3] =	stream.linear.gather @!p0 [hbm4b:s1+s11], $0x80, $0x38;
	[tilespmem:$0x1F700] =	vst v63  }
0x16f: {  	s1 =	sadd.s32 @!p0 $0x10, s1;
	s5 =	simm.s32 @!p0 $0x1C280  }
0x170: {  	[tilespmem:s5], [sflag:$0x3] =	stream.linear.gather @!p0 [hbm4b:s1+s11], $0x60, $0x38;
	[tilespmem:$0x1F700] =	vst v63  }
.LBB2_21:
0x171: {  	p1 =	seq.s32 s1, $0x2  }
.Ltmp10:
0x172: {  	_ = 	snop;
	(pc) =	sbr.rel @!p1 .LBB2_22-.Ltmp10, $2  }
0x173: {  	_ =	sdelay $0x2  }
0x174: {  	p0 =	slt.u32 s14, $0x4  }
0x175: {  	_ =	swait.ge [sflag:s16], $0x7000  }
0x176: {  	[sflag:s16] =	ssyncset.done $0x0  }
0x177: {  	[sflag:s16] =	ssyncadd.s32 $0xFFFF9000  }
0x178: {  	_ =	swait.ge [sflag:s16], $0x80  }
0x179: {  	[sflag:s16] =	ssyncset.done $0x0  }
0x17a: {  	[sflag:s16] =	ssyncadd.s32 $0xFFFFFF80  }
0x17b: {  	_ =	swait.ge [sflag:s16], $0x60  }
0x17c: {  	[sflag:s16] =	ssyncset.done $0x0  }
0x17d: {  	s1 =	simm.s32 @!p0 $0xB;
	[sflag:s16] =	ssyncadd.s32 $0xFFFFFFA0  }
0x17e: {  	_ =	swait.ge @!p0 [sflag:s1], $0xE0  }
0x17f: {  	[sflag:s1] =	ssyncset.done @!p0 $0x0  }
0x180: {  	s20 =	simm.s32 $0xE040;
	[sflag:s1] =	ssyncadd.s32 @!p0 $0xFFFFFF20  }
0x181: {  	v45 =	vld [tilespmem:s20+$0xFFFFFFC0]  }
0x182: {  	v46 =	vld [tilespmem:s20+$0xFFFFFFD0];
	_ =	sdelay $0x1  }
0x183: {  	v27 =	vld [tilespmem:s20+$0xFFFFFFE0];
	_ =	sdelay $0x1  }
0x184: {  	v32 =	vld [tilespmem:s20+$0xFFFFFFF0]  }
0x185: {  	v15 =	vmul.f32 v45, v6;
	v16 =	vmul.f32 v46, v7  }
0x186: {  	v34 =	vld [tilespmem:s20+$0x0]  }
0x187: {  	v15 =	vadd.f32 v16, v15;
	v16 =	vmul.f32 v27, v8  }
0x188: {  	v38 =	vld [tilespmem:s20+$0x10]  }
0x189: {  	v15 =	vadd.f32 v16, v15;
	v16 =	vmul.f32 v32, v9  }
0x18a: {  	v41 =	vld [tilespmem:s20+$0x20]  }
0x18b: {  	v15 =	vadd.f32 v16, v15;
	v16 =	vmul.f32 v34, v10  }
0x18c: {  	v44 =	vld [tilespmem:s20+$0x30]  }
0x18d: {  	v15 =	vadd.f32 v16, v15;
	v16 =	vmul.f32 v38, v11;
	_ =	sdelay $0x1  }
0x18e: {  	v15 =	vadd.f32 v16, v15;
	v16 =	vmul.f32 v41, v12;
	_ =	sdelay $0x1  }
0x18f: {  	v15 =	vadd.f32 v16, v15;
	v16 =	vmul.f32 v44, v13;
	_ =	sdelay $0x1  }
0x190: {  	s1 =	simm.s32 $0xE0C0;
	v15 =	vadd.f32 v16, v15  }
0x191: {  	v19 =	vld [tilespmem:s1+$0xFFFFFFC0]  }
0x192: {  	v17 =	vld [tilespmem:s1+$0xFFFFFFD0];
	v16 =	vperm.xlane v15, v0;
	_ =	sdelay $0x1  }
0x193: {  	v24 =	vld [tilespmem:s1+$0xFFFFFFE0];
	v16 =	vadd.f32 v15, v16;
	_ =	sdelay $0x1  }
0x194: {  	v21 =	vld [tilespmem:s1+$0xFFFFFFF0];
	v18 =	vperm.xlane v16, v1  }
0x195: {  	v20 =	vmul.f32 v19, v6;
	v22 =	vmul.f32 v17, v7  }
0x196: {  	v15 =	vld [tilespmem:s1+$0x0];
	v16 =	vadd.f32 v16, v18  }
0x197: {  	v20 =	vadd.f32 v22, v20;
	v22 =	vmul.f32 v24, v8  }
0x198: {  	v18 =	vld [tilespmem:s1+$0x10];
	v23 =	vperm.xlane v16, v2  }
0x199: {  	v20 =	vadd.f32 v22, v20;
	v22 =	vmul.f32 v21, v9  }
0x19a: {  	v26 =	vld [tilespmem:s1+$0x20];
	v23 =	vadd.f32 v16, v23  }
0x19b: {  	v20 =	vadd.f32 v22, v20;
	v22 =	vmul.f32 v15, v10  }
0x19c: {  	v36 =	vld [tilespmem:s1+$0x30];
	v25 =	vperm.xlane v23, v3  }
0x19d: {  	v20 =	vadd.f32 v22, v20;
	v28 =	vmul.f32 v18, v11  }
0x19e: {  	v23 =	vadd.f32 v23, v25  }
0x19f: {  	s11 =	simm.s32 $0xE140;
	v25 =	vadd.f32 v28, v20;
	v28 =	vmul.f32 v26, v12  }
0x1a0: {  	v22 =	vld [tilespmem:s11+$0xFFFFFFD0];
	v23 =	vadd.f32 v23, v14  }
0x1a1: {  	v29 =	vmul.f32 v36, v13;
	v16 =	vld [tilespmem:s11+$0xFFFFFFC0];
	v28 =	vadd.f32 v28, v25  }
0x1a2: {  	v33 =	vsub.f32 $0.0e+00, v23  }
0x1a3: {  	v20 =	vld [tilespmem:s11+$0xFFFFFFE0];
	v29 =	vadd.f32 v29, v28  }
0x1a4: {  	v33 =	vmul.f32 $1.442695020e+00, v33  }
0x1a5: {  	v31 =	vmul.f32 v22, v7;
	v25 =	vld [tilespmem:s11+$0xFFFFFFF0];
	v35 =	vperm.xlane v29, v0  }
0x1a6: {  	v30 =	vmul.f32 v16, v6;
	(erf) = vpow2.f32 v33  }
0x1a7: {  	v23 =	vld [tilespmem:s11+$0x0];
	v53 =	vadd.f32 v29, v35  }
0x1a8: {  	v30 =	vadd.f32 v31, v30;
	v31 =	vmul.f32 v20, v8  }
0x1a9: {  	v28 =	vld [tilespmem:s11+$0x10];
	v35 =	vperm.xlane v53, v1  }
0x1aa: {  	v30 =	vadd.f32 v31, v30;
	v31 =	vmul.f32 v25, v9  }
0x1ab: {  	v29 =	vld [tilespmem:s11+$0x20];
	v33 =	vadd.f32 v53, v35  }
0x1ac: {  	v30 =	vadd.f32 v31, v30;
	v31 =	vmul.f32 v23, v10  }
0x1ad: {  	v40 =	vld [tilespmem:s11+$0x30];
	v39 =	vperm.xlane v33, v2  }
0x1ae: {  	v30 =	vadd.f32 v31, v30;
	v31 =	vmul.f32 v28, v11  }
0x1af: {  	v33 =	vadd.f32 v33, v39;
	v42 =	vpop (erf)  }
0x1b0: {  	s5 =	simm.s32 $0xE1C0;
	v54 =	vadd.f32 v31, v30;
	v37 =	vmul.f32 v29, v12;
	v56 =	vadd.f32 $1.000000000e+00, v42  }
0x1b1: {  	v31 =	vld [tilespmem:s5+$0xFFFFFFC0];
	v43 =	vperm.xlane v33, v3  }
0x1b2: {  	v55 =	vmul.f32 v40, v13;
	v30 =	vld [tilespmem:s5+$0xFFFFFFD0];
	v35 =	vadd.f32 v37, v54;
	(erf) = vrcp.f32 v56  }
0x1b3: {  	v43 =	vadd.f32 v33, v43  }
0x1b4: {  	v39 =	vld [tilespmem:s5+$0xFFFFFFE0];
	v35 =	vadd.f32 v55, v35  }
0x1b5: {  	v43 =	vadd.f32 v43, v14  }
0x1b6: {  	v42 =	vld [tilespmem:s5+$0xFFFFFFF0];
	v47 =	vperm.xlane v35, v0  }
0x1b7: {  	v57 =	vmul.f32 v31, v6;
	v48 =	vmul.f32 v30, v7;
	v43 =	vsub.f32 $0.0e+00, v43  }
0x1b8: {  	v33 =	vld [tilespmem:s5+$0x0];
	v47 =	vadd.f32 v35, v47  }
0x1b9: {  	v37 =	vadd.f32 v48, v57;
	v58 =	vmul.f32 v39, v8;
	v60 =	vmul.f32 $1.442695020e+00, v43  }
0x1ba: {  	v35 =	vld [tilespmem:s5+$0x10];
	v49 =	vperm.xlane v47, v1  }
0x1bb: {  	v48 =	vadd.f32 v58, v37;
	v50 =	vmul.f32 v42, v9;
	v52 =	vpop (erf);
	(erf) = vpow2.f32 v60  }
0x1bc: {  	v37 =	vld [tilespmem:s5+$0x20];
	v47 =	vadd.f32 v47, v49  }
0x1bd: {  	v48 =	vadd.f32 v50, v48;
	v59 =	vmul.f32 v33, v10  }
0x1be: {  	v43 =	vld [tilespmem:s5+$0x30];
	v51 =	vperm.xlane v47, v2  }
0x1bf: {  	p6 =	slt.u32 s19, s17;
	v61 =	vmul.f32 v35, v11;
	v48 =	vadd.f32 v59, v48  }
0x1c0: {  	v50 =	vadd.f32 v47, v51;
	v51 =	vpsel p6, $0x0, v52  }
0x1c1: {  	s23 =	simm.s32 $0xE240;
	s12 =	simm.s32 $0x0;
	v63 =	vmul.f32 v37, v12;
	v62 =	vadd.f32 v61, v48;
	v55 =	vmul.f32 v51, v44  }
0x1c2: {  	s24 =	simm.s32 $0x0;
	s29 =	simm.s32 $0x40;
	s28 =	simm.s32 $0x80;
	[tilespmem:s12+$0x1C800] =	vst v52;
	v44 =	vld [tilespmem:s23+$0xFFFFFFC0];
	v54 =	vperm.xlane v50, v3;
	v52 =	vmul.f32 v51, v45  }
0x1c3: {  	s26 =	simm.s32 $0xC0;
	s25 =	simm.s32 $0x100;
	s21 =	simm.s32 $0x140;
	v45 =	vld [tilespmem:s23+$0xFFFFFFD0];
	v48 =	vadd.f32 v63, v62;
	v49 =	vmul.f32 v43, v13;
	v53 =	vmul.f32 v51, v46;
	[tilespmem:s20+$0x30] =	vst v55  }
.LBB2_17:
0x1c4: {  	p0 =	sne.s32 s21, $0x37C0;
	v46 =	vadd.f32 v50, v54;
	v47 =	vpop (erf);
	[tilespmem:s20+$0xFFFFFFC0] =	vst v52;
	v50 =	vmul.f32 v51, v27;
	v54 =	vmul.f32 v51, v32  }
0x1c5: {  	v34 =	vmul.f32 v51, v34;
	v27 =	vmovc v24;
	v52 =	vld [tilespmem:s23+$0xFFFFFFE0];
	v48 =	vadd.f32 v49, v48;
	v47 =	vadd.f32 $1.000000000e+00, v47;
	[tilespmem:s20+$0xFFFFFFD0] =	vst v53  }
0x1c6: {  	v38 =	vmul.f32 v51, v38;
	v41 =	vmul.f32 v51, v41;
	v46 =	vadd.f32 v46, v14;
	[tilespmem:s20+$0xFFFFFFE0] =	vst v50  }
0x1c7: {  	v24 =	vmovc v20;
	v20 =	vmovc v39;
	v32 =	vmov v21;
	v49 =	vld [tilespmem:s23+$0xFFFFFFF0];
	v50 =	vperm.xlane v48, v0;
	(erf) = vrcp.f32 v47;
	[tilespmem:s20+$0xFFFFFFF0] =	vst v54  }
0x1c8: {  	v21 =	vmovc v25;
	v51 =	vmul.f32 v44, v6;
	v47 =	vmul.f32 v45, v7;
	v46 =	vsub.f32 $0.0e+00, v46;
	[tilespmem:s20+$0x0] =	vst v34  }
0x1c9: {  	v25 =	vmovc v42;
	v34 =	vmovc v15;
	v15 =	vmov v23;
	v23 =	vmov v33;
	v48 =	vadd.f32 v48, v50;
	[tilespmem:s20+$0x10] =	vst v38;
	v33 =	vld [tilespmem:s23+$0x0]  }
0x1ca: {  	v53 =	vadd.f32 v47, v51;
	v47 =	vmul.f32 v52, v8;
	v46 =	vmul.f32 $1.442695020e+00, v46;
	[tilespmem:s20+$0x20] =	vst v41;
	v39 =	vmovc v52;
	s20 =	smov.u32 s1;
	s1 =	smov.u32 s11;
	s11 =	smov.u32 s5  }
0x1cb: {  	v38 =	vmovc v18;
	v18 =	vmovc v28;
	v28 =	vmov v35;
	v41 =	vmov v26;
	s5 =	smov.u32 s23;
	v50 =	vperm.xlane v48, v1;
	v35 =	vld [tilespmem:s23+$0x10]  }
0x1cc: {  	v26 =	vmovc v29;
	v47 =	vadd.f32 v47, v53;
	v51 =	vmul.f32 v49, v9;
	(erf) = vpow2.f32 v46;
	v42 =	vmovc v49  }
0x1cd: {  	v29 =	vmovc v37;
	v49 =	vmovc v16;
	v16 =	vmov v31;
	v46 =	vadd.f32 v48, v50;
	v37 =	vld [tilespmem:s23+$0x20];
	v48 =	vmov v43  }
0x1ce: {  	v31 =	vmovc v44;
	v47 =	vadd.f32 v51, v47;
	v50 =	vmul.f32 v33, v10;
	v53 =	vmovc v17;
	v17 =	vmov v22  }
0x1cf: {  	s19 =	sadd.s32 $0x1, s19;
	v22 =	vmov v30;
	v30 =	vmov v45;
	v43 =	vld [tilespmem:s23+$0x30];
	v44 =	vperm.xlane v46, v2  }
.Ltmp11:
0x1d0: {  	p1 =	slt.u32 s19, s17;
	v45 =	vadd.f32 v50, v47;
	v47 =	vmul.f32 v35, v11;
	v52 =	vpop (erf);
	(pc) =	sbr.rel @p0 .LBB2_17-.Ltmp11, $4  }
0x1d1: {  	v50 =	vadd.f32 v46, v44;
	v51 =	vpsel p1, $0x0, v52  }
0x1d2: {  	s12 =	sshra.s32 s29, $0x2;
	s29 =	smov.u32 s28;
	s23 =	sadd.s32 $0x80, s23;
	v46 =	vadd.f32 v47, v45;
	v47 =	vmul.f32 v37, v12;
	v55 =	vmul.f32 v51, v36;
	v36 =	vmovc v40  }
0x1d3: {  	s28 =	smov.u32 s26;
	s26 =	smov.u32 s25;
	s25 =	smov.u32 s21;
	v40 =	vmovc v48;
	v44 =	vld [tilespmem:s23+$0xFFFFFFC0];
	v54 =	vperm.xlane v50, v3;
	[tilespmem:s12+$0x1C800] =	vst v52;
	v52 =	vmul.f32 v51, v19;
	v19 =	vmov v49  }
0x1d4: {  	s21 =	sadd.s32 $0x40, s21;
	v53 =	vmul.f32 v51, v53;
	v45 =	vld [tilespmem:s23+$0xFFFFFFD0];
	v48 =	vadd.f32 v47, v46;
	v49 =	vmul.f32 v43, v13;
	[tilespmem:s20+$0x30] =	vst v55  }
0x1d5: {  	_ = 	snop  }
0x1d6: {  	v46 =	vld [tilespmem:s23+$0xFFFFFFE0];
	_ =	sdelay $0x1  }
0x1d7: {  	v47 =	vld [tilespmem:s23+$0xFFFFFFF0]  }
0x1d8: {  	v55 =	vmul.f32 v44, v6;
	v56 =	vmul.f32 v45, v7  }
0x1d9: {  	v57 =	vadd.f32 v49, v48;
	v48 =	vld [tilespmem:s23+$0x0]  }
0x1da: {  	v61 =	vmul.f32 v46, v8;
	v55 =	vadd.f32 v56, v55  }
0x1db: {  	v49 =	vld [tilespmem:s23+$0x10];
	v58 =	vperm.xlane v57, v0  }
0x1dc: {  	v54 =	vadd.f32 v50, v54;
	v62 =	vmul.f32 v47, v9;
	v55 =	vadd.f32 v61, v55  }
0x1dd: {  	v50 =	vld [tilespmem:s23+$0x20];
	v57 =	vadd.f32 v57, v58  }
0x1de: {  	v54 =	vadd.f32 v54, v14;
	v56 =	vmul.f32 v48, v10;
	v55 =	vadd.f32 v62, v55  }
0x1df: {  	v59 =	vld [tilespmem:s23+$0x30];
	v58 =	vperm.xlane v57, v1  }
0x1e0: {  	v60 =	vpop (erf);
	v54 =	vsub.f32 $0.0e+00, v54;
	v63 =	vmul.f32 v49, v11;
	v55 =	vadd.f32 v56, v55  }
0x1e1: {  	v60 =	vadd.f32 $1.000000000e+00, v60;
	v57 =	vadd.f32 v57, v58  }
0x1e2: {  	v54 =	vmul.f32 $1.442695020e+00, v54;
	v61 =	vmul.f32 v50, v12;
	v55 =	vadd.f32 v63, v55  }
0x1e3: {  	(erf) = vrcp.f32 v60;
	v62 =	vperm.xlane v57, v2  }
0x1e4: {  	v60 =	vmul.f32 v59, v13;
	(erf) = vpow2.f32 v54;
	v63 =	vadd.f32 v61, v55  }
0x1e5: {  	v61 =	vadd.f32 v57, v62  }
0x1e6: {  	v54 =	vadd.f32 v60, v63  }
0x1e7: {  	v62 =	vperm.xlane v61, v3  }
0x1e8: {  	v63 =	vperm.xlane v54, v0  }
0x1e9: {  	v55 =	vadd.f32 v61, v62  }
0x1ea: {  	v54 =	vadd.f32 v54, v63  }
0x1eb: {  	v55 =	vadd.f32 v55, v14  }
0x1ec: {  	v56 =	vpop (erf);
	v57 =	vperm.xlane v54, v1  }
0x1ed: {  	v60 =	vpop (erf);
	v55 =	vsub.f32 $0.0e+00, v55  }
0x1ee: {  	v61 =	vadd.f32 $1.000000000e+00, v60;
	v54 =	vadd.f32 v54, v57  }
0x1ef: {  	v55 =	vmul.f32 $1.442695020e+00, v55  }
0x1f0: {  	(erf) = vrcp.f32 v61;
	v62 =	vperm.xlane v54, v2  }
0x1f1: {  	(erf) = vpow2.f32 v55  }
0x1f2: {  	v54 =	vadd.f32 v54, v62;
	_ =	sdelay $0x1  }
0x1f3: {  	[tilespmem:s20+$0xFFFFFFC0] =	vst v52;
	v27 =	vmul.f32 v51, v27;
	v63 =	vperm.xlane v54, v3  }
0x1f4: {  	v32 =	vmul.f32 v51, v32;
	[tilespmem:s20+$0xFFFFFFD0] =	vst v53  }
0x1f5: {  	v34 =	vmul.f32 v51, v34;
	s12 =	sadd.s32 $0x1, s19;
	[tilespmem:s20+$0xFFFFFFE0] =	vst v27;
	v55 =	vadd.f32 v54, v63  }
0x1f6: {  	p0 =	slt.u32 s12, s17;
	[tilespmem:s20+$0xFFFFFFF0] =	vst v32;
	v58 =	vmul.f32 v51, v41  }
0x1f7: {  	[tilespmem:s20+$0x0] =	vst v34;
	v60 =	vpsel p0, $0x0, v56;
	v27 =	vadd.f32 v55, v14  }
0x1f8: {  	s29 =	sshra.s32 s29, $0x2;
	[tilespmem:s20+$0x20] =	vst v58;
	v36 =	vmul.f32 v60, v36;
	v61 =	vpop (erf)  }
0x1f9: {  	[tilespmem:s29+$0x1C800] =	vst v56;
	v19 =	vmul.f32 v60, v19;
	v62 =	vpop (erf);
	v27 =	vsub.f32 $0.0e+00, v27  }
0x1fa: {  	v17 =	vmul.f32 v60, v17;
	[tilespmem:s1+$0x30] =	vst v36;
	v57 =	vmul.f32 v51, v38;
	v38 =	vadd.f32 $1.000000000e+00, v62  }
0x1fb: {  	v21 =	vmul.f32 v60, v21;
	[tilespmem:s1+$0xFFFFFFC0] =	vst v19;
	v27 =	vmul.f32 $1.442695020e+00, v27  }
0x1fc: {  	v15 =	vmul.f32 v60, v15;
	[tilespmem:s1+$0xFFFFFFD0] =	vst v17;
	(erf) = vrcp.f32 v38  }
0x1fd: {  	v19 =	vmul.f32 v60, v24;
	[tilespmem:s1+$0xFFFFFFF0] =	vst v21;
	(erf) = vpow2.f32 v27  }
0x1fe: {  	s12 =	sadd.s32 $0x1, s12;
	v17 =	vmul.f32 v60, v18;
	[tilespmem:s1+$0x0] =	vst v15  }
0x1ff: {  	p4 =	slt.u32 s12, s17;
	v18 =	vmul.f32 v60, v26;
	[tilespmem:s1+$0xFFFFFFE0] =	vst v19  }
0x200: {  	[tilespmem:s1+$0x10] =	vst v17;
	v15 =	vpsel p4, $0x0, v61  }
0x201: {  	[tilespmem:s1+$0x20] =	vst v18;
	v17 =	vmul.f32 v15, v40  }
0x202: {  	s19 =	sshra.s32 s28, $0x2;
	[tilespmem:s20+$0x10] =	vst v57;
	v18 =	vmul.f32 v15, v22  }
0x203: {  	[tilespmem:s19+$0x1C800] =	vst v61;
	v16 =	vmul.f32 v15, v16  }
0x204: {  	[tilespmem:s11+$0x30] =	vst v17  }
0x205: {  	[tilespmem:s11+$0xFFFFFFC0] =	vst v16;
	v16 =	vmul.f32 v15, v20;
	v17 =	vpop (erf)  }
0x206: {  	v19 =	vmul.f32 v15, v25;
	[tilespmem:s11+$0xFFFFFFD0] =	vst v18;
	v18 =	vpop (erf)  }
0x207: {  	v63 =	vmul.f32 v15, v23;
	[tilespmem:s11+$0xFFFFFFE0] =	vst v16;
	v16 =	vadd.f32 $1.000000000e+00, v18  }
0x208: {  	s20 =	sadd.s32 $0x1, s12;
	[tilespmem:s11+$0xFFFFFFF0] =	vst v19;
	v18 =	vmul.f32 v15, v28  }
0x209: {  	s21 =	sshra.s32 s26, $0x2;
	p5 =	slt.u32 s20, s17;
	[tilespmem:s11+$0x0] =	vst v63;
	v15 =	vmul.f32 v15, v29;
	(erf) = vrcp.f32 v16  }
0x20a: {  	[tilespmem:s21+$0x1C800] =	vst v17;
	v16 =	vpsel p5, $0x0, v17  }
0x20b: {  	[tilespmem:s11+$0x20] =	vst v15;
	v15 =	vmul.f32 v16, v43  }
0x20c: {  	[tilespmem:s11+$0x10] =	vst v18;
	v17 =	vmul.f32 v16, v31  }
0x20d: {  	v18 =	vmul.f32 v16, v30;
	[tilespmem:s5+$0x30] =	vst v15  }
0x20e: {  	[tilespmem:s5+$0xFFFFFFC0] =	vst v17;
	v15 =	vmul.f32 v16, v39;
	v17 =	vmul.f32 v16, v42  }
0x20f: {  	[tilespmem:s5+$0xFFFFFFD0] =	vst v18  }
0x210: {  	v18 =	vmul.f32 v16, v33;
	[tilespmem:s5+$0xFFFFFFE0] =	vst v15  }
0x211: {  	s1 =	sadd.s32 $0x1, s20;
	v15 =	vmul.f32 v16, v35;
	[tilespmem:s5+$0xFFFFFFF0] =	vst v17  }
0x212: {  	p6 =	slt.u32 s1, s17;
	v16 =	vmul.f32 v16, v37;
	[tilespmem:s5+$0x0] =	vst v18;
	v17 =	vpop (erf)  }
0x213: {  	[tilespmem:s5+$0x10] =	vst v15;
	v15 =	vpsel p6, $0x0, v17  }
0x214: {  	s26 =	sshra.s32 s25, $0x2;
	[tilespmem:s5+$0x20] =	vst v16;
	v16 =	vmul.f32 v15, v59  }
0x215: {  	[tilespmem:s26+$0x1C800] =	vst v17;
	v17 =	vmul.f32 v15, v44  }
0x216: {  	v18 =	vmul.f32 v15, v45;
	[tilespmem:s23+$0x30] =	vst v16  }
0x217: {  	[tilespmem:s23+$0xFFFFFFC0] =	vst v17;
	v16 =	vmul.f32 v15, v46  }
0x218: {  	v19 =	vmul.f32 v15, v49;
	[tilespmem:s23+$0xFFFFFFD0] =	vst v18  }
0x219: {  	v17 =	vmul.f32 v15, v47;
	[tilespmem:s23+$0xFFFFFFE0] =	vst v16;
	v16 =	vor.u32 s24, v5  }
0x21a: {  	v18 =	vmul.f32 v15, v48;
	[tilespmem:s23+$0x10] =	vst v19  }
0x21b: {  	v15 =	vmul.f32 v15, v50;
	[tilespmem:s23+$0xFFFFFFF0] =	vst v17  }
0x21c: {  	[tilespmem:s23+$0x0] =	vst v18  }
0x21d: {  	[tilespmem:s23+$0x20] =	vst v15  }
0x21e: {  	s28 =	simm.s32 $0x100;
	v15 =	vld.idx.msk [tilespmem:v16+s31+$0x0], $0xffff  }
0x21f: {  	v16 =	vor.u32 s28, v5;
	_ =	sdelay $0x2  }
0x220: {  	s1 =	simm.s32 $0x1C600  }
0x221: {  	[tilespmem:s1+$0x0] =	vst v15  }
0x222: {  	s29 =	simm.s32 $0x200;
	v15 =	vld.idx.msk [tilespmem:v16+s31+$0x0], $0xffff  }
0x223: {  	s5 =	simm.s32 $0x300;
	v16 =	vor.u32 s29, v5  }
.LBB2_19:
0x224: {  	p0 =	sne.s32 s5, $0xD00;
	_ =	sdelay $0x1  }
.Ltmp12:
0x225: {  	s1 =	sadd.s32 $0x10, s1;
	(pc) =	sbr.rel @p0 .LBB2_19-.Ltmp12, $3  }
0x226: {  	[tilespmem:s1+$0x0] =	vst v15  }
0x227: {  	v15 =	vld.idx.msk [tilespmem:v16+s31+$0x0], $0xffff;
	_ =	sdelay $0x1  }
0x228: {  	v16 =	vor.u32 s5, v5;
	s5 =	sadd.s32 $0x100, s5  }
0x229: {  	_ =	sdelay $0x1  }
0x22a: {  	s1 =	sadd.s32 $0x10, s1  }
0x22b: {  	[tilespmem:s1+$0x0] =	vst v15  }
0x22c: {  	v15 =	vld.idx.msk [tilespmem:v16+s31+$0x0], $0xffff;
	_ =	sdelay $0x2  }
0x22d: {  	s5 =	sshrl.u32 s13, $0x3  }
0x22e: {  	s24 =	simm.s32 $0x1C600;
	p0 =	sgt.u32 s14, $0xB;
	s1 =	sadd.s32 $0x10, s1  }
0x22f: {  	s25 =	simm.s32 $0x1C200;
	s23 =	sadd.s32 s6, s5;
	p1 =	slt.u32 @!p0 s14, $0x2;
	[tilespmem:s1+$0x0] =	vst v15  }
0x230: {  	[hbm4b:s23+s8] =	stream.linear.scatter [tilespmem:s24], [sflag:$0xB], $0xE0, $0x38;
	[tilespmem:$0x1F700] =	vst v63  }
0x231: {  	s26 =	simm.s32 $0xE000;
	s28 =	simm.s32 $0x1C280;
	p1 =	por p1, p0  }
0x232: {  	[spmem:s7] =	stream.indirect.scatter.add.f32 [tilespmem:s26], [sflag:$0x7], $0x80, s25, s3, $0xb8;
	[tilespmem:$0x1F700] =	vst v63  }
0x233: {  	s29 =	simm.s32 $0x12000;
	s5 =	sadd.s32 @!p0 $0x1C0, s17;
	s1 =	simm.s32 @!p1 $0x5  }
0x234: {  	[spmem:s7] =	stream.indirect.scatter.add.f32 [tilespmem:s29], [sflag:$0x7], $0x80, s28, s4, $0xb8;
	[tilespmem:$0x1F700] =	vst v63  }
0x235: {  	p2 =	slt.s32 @!p0 s5, s10;
	_ =	swait.ge @!p1 [sflag:s1], $0x4000  }
0x236: {  	p2 =	por !p2, p0;
	[sflag:s1] =	ssyncset.done @!p1 $0x0  }
0x237: {  	s5 =	smov.u32 @p2 s10;
	[sflag:s1] =	ssyncadd.s32 @!p1 $0xFFFFC000  }
0x238: {  	s5 =	sadd.s32 @!p0 s9, s5;
	_ =	swait.ge @!p1 [sflag:s1], $0x3000  }
0x239: {  	s11 =	sshll.u32 @!p0 s5, $0x4;
	[sflag:s1] =	ssyncset.done @!p1 $0x0  }
0x23a: {  	[sflag:s1] =	ssyncadd.s32 @!p1 $0xFFFFD000;
	s1 =	sadd.s32 @!p0 s0, s11;
	s11 =	simm.s32 @!p0 $0x0  }
0x23b: {  	[tilespmem:s11], [sflag:$0x1] =	stream.linear.gather @!p0 [hbm4b:s1+s11], $0x7000, $0x38;
	[tilespmem:$0x1F700] =	vst v63  }
.Ltmp13:
0x23c: {  	s1 =	sshrl.u32 @!p0 s5, $0x3;
	(pc) =	sbr.rel .LBB2_27-.Ltmp13, $4  }
0x23d: {  	s5 =	simm.s32 @!p0 $0x1C000;
	s1 =	sadd.s32 @!p0 s2, s1  }
0x23e: {  	[tilespmem:s5], [sflag:$0x1] =	stream.linear.gather @!p0 [hbm4b:s1+s11], $0x80, $0x38;
	[tilespmem:$0x1F700] =	vst v63  }
0x23f: {  	s1 =	sadd.s32 @!p0 $0x10, s1;
	s5 =	simm.s32 @!p0 $0x1C080  }
0x240: {  	[tilespmem:s5], [sflag:$0x1] =	stream.linear.gather @!p0 [hbm4b:s1+s11], $0x60, $0x38;
	[tilespmem:$0x1F700] =	vst v63  }
.LBB2_11:
0x241: {  	_ =	swait.ge [sflag:s22], $0x7000  }
0x242: {  	[sflag:s22] =	ssyncset.done $0x0  }
0x243: {  	[sflag:s22] =	ssyncadd.s32 $0xFFFF9000  }
0x244: {  	_ =	swait.ge [sflag:s22], $0x80  }
0x245: {  	[sflag:s22] =	ssyncset.done $0x0  }
0x246: {  	[sflag:s22] =	ssyncadd.s32 $0xFFFFFF80  }
0x247: {  	_ =	swait.ge [sflag:s22], $0x60  }
0x248: {  	p0 =	slt.u32 s14, $0x4;
	[sflag:s22] =	ssyncset.done $0x0  }
0x249: {  	s1 =	simm.s32 @!p0 $0xA;
	[sflag:s22] =	ssyncadd.s32 $0xFFFFFFA0  }
0x24a: {  	_ =	swait.ge @!p0 [sflag:s1], $0xE0  }
0x24b: {  	[sflag:s1] =	ssyncset.done @!p0 $0x0  }
0x24c: {  	s20 =	simm.s32 $0x7040;
	[sflag:s1] =	ssyncadd.s32 @!p0 $0xFFFFFF20  }
0x24d: {  	v45 =	vld [tilespmem:s20+$0xFFFFFFC0]  }
0x24e: {  	v46 =	vld [tilespmem:s20+$0xFFFFFFD0];
	_ =	sdelay $0x1  }
0x24f: {  	v27 =	vld [tilespmem:s20+$0xFFFFFFE0];
	_ =	sdelay $0x1  }
0x250: {  	v32 =	vld [tilespmem:s20+$0xFFFFFFF0]  }
0x251: {  	v15 =	vmul.f32 v45, v6;
	v16 =	vmul.f32 v46, v7  }
0x252: {  	v34 =	vld [tilespmem:s20+$0x0]  }
0x253: {  	v15 =	vadd.f32 v16, v15;
	v16 =	vmul.f32 v27, v8  }
0x254: {  	v38 =	vld [tilespmem:s20+$0x10]  }
0x255: {  	v15 =	vadd.f32 v16, v15;
	v16 =	vmul.f32 v32, v9  }
0x256: {  	v41 =	vld [tilespmem:s20+$0x20]  }
0x257: {  	v15 =	vadd.f32 v16, v15;
	v16 =	vmul.f32 v34, v10  }
0x258: {  	v44 =	vld [tilespmem:s20+$0x30]  }
0x259: {  	v15 =	vadd.f32 v16, v15;
	v16 =	vmul.f32 v38, v11;
	_ =	sdelay $0x1  }
0x25a: {  	v15 =	vadd.f32 v16, v15;
	v16 =	vmul.f32 v41, v12;
	_ =	sdelay $0x1  }
0x25b: {  	v15 =	vadd.f32 v16, v15;
	v16 =	vmul.f32 v44, v13;
	_ =	sdelay $0x1  }
0x25c: {  	s1 =	simm.s32 $0x70C0;
	v15 =	vadd.f32 v16, v15  }
0x25d: {  	v19 =	vld [tilespmem:s1+$0xFFFFFFC0]  }
0x25e: {  	v17 =	vld [tilespmem:s1+$0xFFFFFFD0];
	v16 =	vperm.xlane v15, v0;
	_ =	sdelay $0x1  }
0x25f: {  	v24 =	vld [tilespmem:s1+$0xFFFFFFE0];
	v16 =	vadd.f32 v15, v16;
	_ =	sdelay $0x1  }
0x260: {  	v21 =	vld [tilespmem:s1+$0xFFFFFFF0];
	v18 =	vperm.xlane v16, v1  }
0x261: {  	v20 =	vmul.f32 v19, v6;
	v22 =	vmul.f32 v17, v7  }
0x262: {  	v15 =	vld [tilespmem:s1+$0x0];
	v16 =	vadd.f32 v16, v18  }
0x263: {  	v20 =	vadd.f32 v22, v20;
	v22 =	vmul.f32 v24, v8  }
0x264: {  	v18 =	vld [tilespmem:s1+$0x10];
	v23 =	vperm.xlane v16, v2  }
0x265: {  	v20 =	vadd.f32 v22, v20;
	v22 =	vmul.f32 v21, v9  }
0x266: {  	v26 =	vld [tilespmem:s1+$0x20];
	v23 =	vadd.f32 v16, v23  }
0x267: {  	v20 =	vadd.f32 v22, v20;
	v22 =	vmul.f32 v15, v10  }
0x268: {  	v36 =	vld [tilespmem:s1+$0x30];
	v25 =	vperm.xlane v23, v3  }
0x269: {  	v20 =	vadd.f32 v22, v20;
	v28 =	vmul.f32 v18, v11  }
0x26a: {  	v23 =	vadd.f32 v23, v25  }
0x26b: {  	s11 =	simm.s32 $0x7140;
	v25 =	vadd.f32 v28, v20;
	v28 =	vmul.f32 v26, v12  }
0x26c: {  	v22 =	vld [tilespmem:s11+$0xFFFFFFD0];
	v23 =	vadd.f32 v23, v14  }
0x26d: {  	v29 =	vmul.f32 v36, v13;
	v16 =	vld [tilespmem:s11+$0xFFFFFFC0];
	v28 =	vadd.f32 v28, v25  }
0x26e: {  	v33 =	vsub.f32 $0.0e+00, v23  }
0x26f: {  	v20 =	vld [tilespmem:s11+$0xFFFFFFE0];
	v29 =	vadd.f32 v29, v28  }
0x270: {  	v33 =	vmul.f32 $1.442695020e+00, v33  }
0x271: {  	v31 =	vmul.f32 v22, v7;
	v25 =	vld [tilespmem:s11+$0xFFFFFFF0];
	v35 =	vperm.xlane v29, v0  }
0x272: {  	v30 =	vmul.f32 v16, v6;
	(erf) = vpow2.f32 v33  }
0x273: {  	v23 =	vld [tilespmem:s11+$0x0];
	v53 =	vadd.f32 v29, v35  }
0x274: {  	v30 =	vadd.f32 v31, v30;
	v31 =	vmul.f32 v20, v8  }
0x275: {  	v28 =	vld [tilespmem:s11+$0x10];
	v35 =	vperm.xlane v53, v1  }
0x276: {  	v30 =	vadd.f32 v31, v30;
	v31 =	vmul.f32 v25, v9  }
0x277: {  	v29 =	vld [tilespmem:s11+$0x20];
	v33 =	vadd.f32 v53, v35  }
0x278: {  	v30 =	vadd.f32 v31, v30;
	v31 =	vmul.f32 v23, v10  }
0x279: {  	v40 =	vld [tilespmem:s11+$0x30];
	v39 =	vperm.xlane v33, v2  }
0x27a: {  	v30 =	vadd.f32 v31, v30;
	v31 =	vmul.f32 v28, v11  }
0x27b: {  	v33 =	vadd.f32 v33, v39;
	v42 =	vpop (erf)  }
0x27c: {  	s5 =	simm.s32 $0x71C0;
	v54 =	vadd.f32 v31, v30;
	v37 =	vmul.f32 v29, v12;
	v56 =	vadd.f32 $1.000000000e+00, v42  }
0x27d: {  	v31 =	vld [tilespmem:s5+$0xFFFFFFC0];
	v43 =	vperm.xlane v33, v3  }
0x27e: {  	v55 =	vmul.f32 v40, v13;
	v30 =	vld [tilespmem:s5+$0xFFFFFFD0];
	v35 =	vadd.f32 v37, v54;
	(erf) = vrcp.f32 v56  }
0x27f: {  	v43 =	vadd.f32 v33, v43  }
0x280: {  	v39 =	vld [tilespmem:s5+$0xFFFFFFE0];
	v35 =	vadd.f32 v55, v35  }
0x281: {  	v43 =	vadd.f32 v43, v14  }
0x282: {  	v42 =	vld [tilespmem:s5+$0xFFFFFFF0];
	v47 =	vperm.xlane v35, v0  }
0x283: {  	v57 =	vmul.f32 v31, v6;
	v48 =	vmul.f32 v30, v7;
	v43 =	vsub.f32 $0.0e+00, v43  }
0x284: {  	v33 =	vld [tilespmem:s5+$0x0];
	v47 =	vadd.f32 v35, v47  }
0x285: {  	v37 =	vadd.f32 v48, v57;
	v58 =	vmul.f32 v39, v8;
	v60 =	vmul.f32 $1.442695020e+00, v43  }
0x286: {  	v35 =	vld [tilespmem:s5+$0x10];
	v49 =	vperm.xlane v47, v1  }
0x287: {  	v48 =	vadd.f32 v58, v37;
	v50 =	vmul.f32 v42, v9;
	v52 =	vpop (erf);
	(erf) = vpow2.f32 v60  }
0x288: {  	v37 =	vld [tilespmem:s5+$0x20];
	v47 =	vadd.f32 v47, v49  }
0x289: {  	v48 =	vadd.f32 v50, v48;
	v59 =	vmul.f32 v33, v10  }
0x28a: {  	v43 =	vld [tilespmem:s5+$0x30];
	v51 =	vperm.xlane v47, v2  }
0x28b: {  	p6 =	slt.u32 s19, s17;
	v61 =	vmul.f32 v35, v11;
	v48 =	vadd.f32 v59, v48  }
0x28c: {  	v50 =	vadd.f32 v47, v51;
	v51 =	vpsel p6, $0x0, v52  }
0x28d: {  	s23 =	simm.s32 $0x7240;
	s12 =	simm.s32 $0x0;
	v63 =	vmul.f32 v37, v12;
	v62 =	vadd.f32 v61, v48;
	v55 =	vmul.f32 v51, v44  }
0x28e: {  	s24 =	simm.s32 $0x0;
	s29 =	simm.s32 $0x40;
	s28 =	simm.s32 $0x80;
	[tilespmem:s12+$0x1C800] =	vst v52;
	v44 =	vld [tilespmem:s23+$0xFFFFFFC0];
	v54 =	vperm.xlane v50, v3;
	v52 =	vmul.f32 v51, v45  }
0x28f: {  	s26 =	simm.s32 $0xC0;
	s25 =	simm.s32 $0x100;
	s21 =	simm.s32 $0x140;
	v45 =	vld [tilespmem:s23+$0xFFFFFFD0];
	v48 =	vadd.f32 v63, v62;
	v49 =	vmul.f32 v43, v13;
	v53 =	vmul.f32 v51, v46;
	[tilespmem:s20+$0x30] =	vst v55  }
.LBB2_12:
0x290: {  	p0 =	sne.s32 s21, $0x37C0;
	v46 =	vadd.f32 v50, v54;
	v47 =	vpop (erf);
	[tilespmem:s20+$0xFFFFFFC0] =	vst v52;
	v50 =	vmul.f32 v51, v27;
	v54 =	vmul.f32 v51, v32  }
0x291: {  	v34 =	vmul.f32 v51, v34;
	v27 =	vmovc v24;
	v52 =	vld [tilespmem:s23+$0xFFFFFFE0];
	v48 =	vadd.f32 v49, v48;
	v47 =	vadd.f32 $1.000000000e+00, v47;
	[tilespmem:s20+$0xFFFFFFD0] =	vst v53  }
0x292: {  	v38 =	vmul.f32 v51, v38;
	v41 =	vmul.f32 v51, v41;
	v46 =	vadd.f32 v46, v14;
	[tilespmem:s20+$0xFFFFFFE0] =	vst v50  }
0x293: {  	v24 =	vmovc v20;
	v20 =	vmovc v39;
	v32 =	vmov v21;
	v49 =	vld [tilespmem:s23+$0xFFFFFFF0];
	v50 =	vperm.xlane v48, v0;
	(erf) = vrcp.f32 v47;
	[tilespmem:s20+$0xFFFFFFF0] =	vst v54  }
0x294: {  	v21 =	vmovc v25;
	v51 =	vmul.f32 v44, v6;
	v47 =	vmul.f32 v45, v7;
	v46 =	vsub.f32 $0.0e+00, v46;
	[tilespmem:s20+$0x0] =	vst v34  }
0x295: {  	v25 =	vmovc v42;
	v34 =	vmovc v15;
	v15 =	vmov v23;
	v23 =	vmov v33;
	v48 =	vadd.f32 v48, v50;
	[tilespmem:s20+$0x10] =	vst v38;
	v33 =	vld [tilespmem:s23+$0x0]  }
0x296: {  	v53 =	vadd.f32 v47, v51;
	v47 =	vmul.f32 v52, v8;
	v46 =	vmul.f32 $1.442695020e+00, v46;
	[tilespmem:s20+$0x20] =	vst v41;
	v39 =	vmovc v52;
	s20 =	smov.u32 s1;
	s1 =	smov.u32 s11;
	s11 =	smov.u32 s5  }
0x297: {  	v38 =	vmovc v18;
	v18 =	vmovc v28;
	v28 =	vmov v35;
	v41 =	vmov v26;
	s5 =	smov.u32 s23;
	v50 =	vperm.xlane v48, v1;
	v35 =	vld [tilespmem:s23+$0x10]  }
0x298: {  	v26 =	vmovc v29;
	v47 =	vadd.f32 v47, v53;
	v51 =	vmul.f32 v49, v9;
	(erf) = vpow2.f32 v46;
	v42 =	vmovc v49  }
0x299: {  	v29 =	vmovc v37;
	v49 =	vmovc v16;
	v16 =	vmov v31;
	v46 =	vadd.f32 v48, v50;
	v37 =	vld [tilespmem:s23+$0x20];
	v48 =	vmov v43  }
0x29a: {  	v31 =	vmovc v44;
	v47 =	vadd.f32 v51, v47;
	v50 =	vmul.f32 v33, v10;
	v53 =	vmovc v17;
	v17 =	vmov v22  }
0x29b: {  	s19 =	sadd.s32 $0x1, s19;
	v22 =	vmov v30;
	v30 =	vmov v45;
	v43 =	vld [tilespmem:s23+$0x30];
	v44 =	vperm.xlane v46, v2  }
.Ltmp14:
0x29c: {  	p1 =	slt.u32 s19, s17;
	v45 =	vadd.f32 v50, v47;
	v47 =	vmul.f32 v35, v11;
	v52 =	vpop (erf);
	(pc) =	sbr.rel @p0 .LBB2_12-.Ltmp14, $4  }
0x29d: {  	v50 =	vadd.f32 v46, v44;
	v51 =	vpsel p1, $0x0, v52  }
0x29e: {  	s12 =	sshra.s32 s29, $0x2;
	s29 =	smov.u32 s28;
	s23 =	sadd.s32 $0x80, s23;
	v46 =	vadd.f32 v47, v45;
	v47 =	vmul.f32 v37, v12;
	v55 =	vmul.f32 v51, v36;
	v36 =	vmovc v40  }
0x29f: {  	s28 =	smov.u32 s26;
	s26 =	smov.u32 s25;
	s25 =	smov.u32 s21;
	v40 =	vmovc v48;
	v44 =	vld [tilespmem:s23+$0xFFFFFFC0];
	v54 =	vperm.xlane v50, v3;
	[tilespmem:s12+$0x1C800] =	vst v52;
	v52 =	vmul.f32 v51, v19;
	v19 =	vmov v49  }
0x2a0: {  	s21 =	sadd.s32 $0x40, s21;
	v53 =	vmul.f32 v51, v53;
	v45 =	vld [tilespmem:s23+$0xFFFFFFD0];
	v48 =	vadd.f32 v47, v46;
	v49 =	vmul.f32 v43, v13;
	[tilespmem:s20+$0x30] =	vst v55  }
0x2a1: {  	_ = 	snop  }
0x2a2: {  	v46 =	vld [tilespmem:s23+$0xFFFFFFE0];
	_ =	sdelay $0x1  }
0x2a3: {  	v47 =	vld [tilespmem:s23+$0xFFFFFFF0]  }
0x2a4: {  	v55 =	vmul.f32 v44, v6;
	v56 =	vmul.f32 v45, v7  }
0x2a5: {  	v57 =	vadd.f32 v49, v48;
	v48 =	vld [tilespmem:s23+$0x0]  }
0x2a6: {  	v61 =	vmul.f32 v46, v8;
	v55 =	vadd.f32 v56, v55  }
0x2a7: {  	v49 =	vld [tilespmem:s23+$0x10];
	v58 =	vperm.xlane v57, v0  }
0x2a8: {  	v54 =	vadd.f32 v50, v54;
	v62 =	vmul.f32 v47, v9;
	v55 =	vadd.f32 v61, v55  }
0x2a9: {  	v50 =	vld [tilespmem:s23+$0x20];
	v57 =	vadd.f32 v57, v58  }
0x2aa: {  	v54 =	vadd.f32 v54, v14;
	v56 =	vmul.f32 v48, v10;
	v55 =	vadd.f32 v62, v55  }
0x2ab: {  	v59 =	vld [tilespmem:s23+$0x30];
	v58 =	vperm.xlane v57, v1  }
0x2ac: {  	v60 =	vpop (erf);
	v54 =	vsub.f32 $0.0e+00, v54;
	v63 =	vmul.f32 v49, v11;
	v55 =	vadd.f32 v56, v55  }
0x2ad: {  	v60 =	vadd.f32 $1.000000000e+00, v60;
	v57 =	vadd.f32 v57, v58  }
0x2ae: {  	v54 =	vmul.f32 $1.442695020e+00, v54;
	v61 =	vmul.f32 v50, v12;
	v55 =	vadd.f32 v63, v55  }
0x2af: {  	(erf) = vrcp.f32 v60;
	v62 =	vperm.xlane v57, v2  }
0x2b0: {  	v60 =	vmul.f32 v59, v13;
	(erf) = vpow2.f32 v54;
	v63 =	vadd.f32 v61, v55  }
0x2b1: {  	v61 =	vadd.f32 v57, v62  }
0x2b2: {  	v54 =	vadd.f32 v60, v63  }
0x2b3: {  	v62 =	vperm.xlane v61, v3  }
0x2b4: {  	v63 =	vperm.xlane v54, v0  }
0x2b5: {  	v55 =	vadd.f32 v61, v62  }
0x2b6: {  	v54 =	vadd.f32 v54, v63  }
0x2b7: {  	v55 =	vadd.f32 v55, v14  }
0x2b8: {  	v56 =	vpop (erf);
	v57 =	vperm.xlane v54, v1  }
0x2b9: {  	v60 =	vpop (erf);
	v55 =	vsub.f32 $0.0e+00, v55  }
0x2ba: {  	v61 =	vadd.f32 $1.000000000e+00, v60;
	v54 =	vadd.f32 v54, v57  }
0x2bb: {  	v55 =	vmul.f32 $1.442695020e+00, v55  }
0x2bc: {  	(erf) = vrcp.f32 v61;
	v62 =	vperm.xlane v54, v2  }
0x2bd: {  	(erf) = vpow2.f32 v55  }
0x2be: {  	v54 =	vadd.f32 v54, v62;
	_ =	sdelay $0x1  }
0x2bf: {  	[tilespmem:s20+$0xFFFFFFC0] =	vst v52;
	v27 =	vmul.f32 v51, v27;
	v63 =	vperm.xlane v54, v3  }
0x2c0: {  	v32 =	vmul.f32 v51, v32;
	[tilespmem:s20+$0xFFFFFFD0] =	vst v53  }
0x2c1: {  	v34 =	vmul.f32 v51, v34;
	s12 =	sadd.s32 $0x1, s19;
	[tilespmem:s20+$0xFFFFFFE0] =	vst v27;
	v55 =	vadd.f32 v54, v63  }
0x2c2: {  	p0 =	slt.u32 s12, s17;
	[tilespmem:s20+$0xFFFFFFF0] =	vst v32;
	v58 =	vmul.f32 v51, v41  }
0x2c3: {  	[tilespmem:s20+$0x0] =	vst v34;
	v60 =	vpsel p0, $0x0, v56;
	v27 =	vadd.f32 v55, v14  }
0x2c4: {  	s29 =	sshra.s32 s29, $0x2;
	[tilespmem:s20+$0x20] =	vst v58;
	v36 =	vmul.f32 v60, v36;
	v61 =	vpop (erf)  }
0x2c5: {  	[tilespmem:s29+$0x1C800] =	vst v56;
	v19 =	vmul.f32 v60, v19;
	v62 =	vpop (erf);
	v27 =	vsub.f32 $0.0e+00, v27  }
0x2c6: {  	v17 =	vmul.f32 v60, v17;
	[tilespmem:s1+$0x30] =	vst v36;
	v57 =	vmul.f32 v51, v38;
	v38 =	vadd.f32 $1.000000000e+00, v62  }
0x2c7: {  	v21 =	vmul.f32 v60, v21;
	[tilespmem:s1+$0xFFFFFFC0] =	vst v19;
	v27 =	vmul.f32 $1.442695020e+00, v27  }
0x2c8: {  	v15 =	vmul.f32 v60, v15;
	[tilespmem:s1+$0xFFFFFFD0] =	vst v17;
	(erf) = vrcp.f32 v38  }
0x2c9: {  	v19 =	vmul.f32 v60, v24;
	[tilespmem:s1+$0xFFFFFFF0] =	vst v21;
	(erf) = vpow2.f32 v27  }
0x2ca: {  	s12 =	sadd.s32 $0x1, s12;
	v17 =	vmul.f32 v60, v18;
	[tilespmem:s1+$0x0] =	vst v15  }
0x2cb: {  	p4 =	slt.u32 s12, s17;
	v18 =	vmul.f32 v60, v26;
	[tilespmem:s1+$0xFFFFFFE0] =	vst v19  }
0x2cc: {  	[tilespmem:s1+$0x10] =	vst v17;
	v15 =	vpsel p4, $0x0, v61  }
0x2cd: {  	[tilespmem:s1+$0x20] =	vst v18;
	v17 =	vmul.f32 v15, v40  }
0x2ce: {  	s19 =	sshra.s32 s28, $0x2;
	[tilespmem:s20+$0x10] =	vst v57;
	v18 =	vmul.f32 v15, v22  }
0x2cf: {  	[tilespmem:s19+$0x1C800] =	vst v61;
	v16 =	vmul.f32 v15, v16  }
0x2d0: {  	[tilespmem:s11+$0x30] =	vst v17  }
0x2d1: {  	[tilespmem:s11+$0xFFFFFFC0] =	vst v16;
	v16 =	vmul.f32 v15, v20;
	v17 =	vpop (erf)  }
0x2d2: {  	v19 =	vmul.f32 v15, v25;
	[tilespmem:s11+$0xFFFFFFD0] =	vst v18;
	v18 =	vpop (erf)  }
0x2d3: {  	v63 =	vmul.f32 v15, v23;
	[tilespmem:s11+$0xFFFFFFE0] =	vst v16;
	v16 =	vadd.f32 $1.000000000e+00, v18  }
0x2d4: {  	s20 =	sadd.s32 $0x1, s12;
	[tilespmem:s11+$0xFFFFFFF0] =	vst v19;
	v18 =	vmul.f32 v15, v28  }
0x2d5: {  	s21 =	sshra.s32 s26, $0x2;
	p5 =	slt.u32 s20, s17;
	[tilespmem:s11+$0x0] =	vst v63;
	v15 =	vmul.f32 v15, v29;
	(erf) = vrcp.f32 v16  }
0x2d6: {  	[tilespmem:s21+$0x1C800] =	vst v17;
	v16 =	vpsel p5, $0x0, v17  }
0x2d7: {  	[tilespmem:s11+$0x20] =	vst v15;
	v15 =	vmul.f32 v16, v43  }
0x2d8: {  	[tilespmem:s11+$0x10] =	vst v18;
	v17 =	vmul.f32 v16, v31  }
0x2d9: {  	v18 =	vmul.f32 v16, v30;
	[tilespmem:s5+$0x30] =	vst v15  }
0x2da: {  	[tilespmem:s5+$0xFFFFFFC0] =	vst v17;
	v15 =	vmul.f32 v16, v39;
	v17 =	vmul.f32 v16, v42  }
0x2db: {  	[tilespmem:s5+$0xFFFFFFD0] =	vst v18  }
0x2dc: {  	v18 =	vmul.f32 v16, v33;
	[tilespmem:s5+$0xFFFFFFE0] =	vst v15  }
0x2dd: {  	s1 =	sadd.s32 $0x1, s20;
	v15 =	vmul.f32 v16, v35;
	[tilespmem:s5+$0xFFFFFFF0] =	vst v17  }
0x2de: {  	p6 =	slt.u32 s1, s17;
	v16 =	vmul.f32 v16, v37;
	[tilespmem:s5+$0x0] =	vst v18;
	v17 =	vpop (erf)  }
0x2df: {  	[tilespmem:s5+$0x10] =	vst v15;
	v15 =	vpsel p6, $0x0, v17  }
0x2e0: {  	s26 =	sshra.s32 s25, $0x2;
	[tilespmem:s5+$0x20] =	vst v16;
	v16 =	vmul.f32 v15, v59  }
0x2e1: {  	[tilespmem:s26+$0x1C800] =	vst v17;
	v17 =	vmul.f32 v15, v44  }
0x2e2: {  	v18 =	vmul.f32 v15, v45;
	[tilespmem:s23+$0x30] =	vst v16  }
0x2e3: {  	[tilespmem:s23+$0xFFFFFFC0] =	vst v17;
	v16 =	vmul.f32 v15, v46  }
0x2e4: {  	v19 =	vmul.f32 v15, v49;
	[tilespmem:s23+$0xFFFFFFD0] =	vst v18  }
0x2e5: {  	v17 =	vmul.f32 v15, v47;
	[tilespmem:s23+$0xFFFFFFE0] =	vst v16;
	v16 =	vor.u32 s24, v5  }
0x2e6: {  	v18 =	vmul.f32 v15, v48;
	[tilespmem:s23+$0x10] =	vst v19  }
0x2e7: {  	v15 =	vmul.f32 v15, v50;
	[tilespmem:s23+$0xFFFFFFF0] =	vst v17  }
0x2e8: {  	[tilespmem:s23+$0x0] =	vst v18  }
0x2e9: {  	[tilespmem:s23+$0x20] =	vst v15  }
0x2ea: {  	s28 =	simm.s32 $0x100;
	v15 =	vld.idx.msk [tilespmem:v16+s31+$0x0], $0xffff  }
0x2eb: {  	v16 =	vor.u32 s28, v5;
	_ =	sdelay $0x2  }
0x2ec: {  	s1 =	simm.s32 $0x1C500  }
0x2ed: {  	[tilespmem:s1+$0x0] =	vst v15  }
0x2ee: {  	s29 =	simm.s32 $0x200;
	v15 =	vld.idx.msk [tilespmem:v16+s31+$0x0], $0xffff  }
0x2ef: {  	s5 =	simm.s32 $0x300;
	v16 =	vor.u32 s29, v5  }
.LBB2_14:
0x2f0: {  	p0 =	sne.s32 s5, $0xD00;
	_ =	sdelay $0x1  }
.Ltmp15:
0x2f1: {  	s1 =	sadd.s32 $0x10, s1;
	(pc) =	sbr.rel @p0 .LBB2_14-.Ltmp15, $3  }
0x2f2: {  	[tilespmem:s1+$0x0] =	vst v15  }
0x2f3: {  	v15 =	vld.idx.msk [tilespmem:v16+s31+$0x0], $0xffff;
	_ =	sdelay $0x1  }
0x2f4: {  	v16 =	vor.u32 s5, v5;
	s5 =	sadd.s32 $0x100, s5  }
0x2f5: {  	_ =	sdelay $0x1  }
0x2f6: {  	s1 =	sadd.s32 $0x10, s1  }
0x2f7: {  	[tilespmem:s1+$0x0] =	vst v15  }
0x2f8: {  	v15 =	vld.idx.msk [tilespmem:v16+s31+$0x0], $0xffff;
	_ =	sdelay $0x3  }
0x2f9: {  	s5 =	sshrl.u32 s13, $0x3;
	p0 =	sgt.u32 s14, $0xB;
	s1 =	sadd.s32 $0x10, s1  }
0x2fa: {  	s24 =	simm.s32 $0x1C500;
	s23 =	sadd.s32 s6, s5;
	p1 =	slt.u32 @!p0 s14, $0x2;
	[tilespmem:s1+$0x0] =	vst v15  }
0x2fb: {  	[hbm4b:s23+s8] =	stream.linear.scatter [tilespmem:s24], [sflag:$0xA], $0xE0, $0x38;
	[tilespmem:$0x1F700] =	vst v63  }
0x2fc: {  	s25 =	simm.s32 $0x7000;
	s26 =	simm.s32 $0x1C100;
	p1 =	por p1, p0  }
0x2fd: {  	[spmem:s7] =	stream.indirect.scatter.add.f32 [tilespmem:s25], [sflag:$0x6], $0x80, s26, s3, $0xb8;
	[tilespmem:$0x1F700] =	vst v63  }
0x2fe: {  	s28 =	simm.s32 $0x1C180;
	s29 =	simm.s32 $0xB000;
	s1 =	simm.s32 @!p1 $0x8  }
0x2ff: {  	[spmem:s7] =	stream.indirect.scatter.add.f32 [tilespmem:s29], [sflag:$0x6], $0x80, s28, s4, $0xb8;
	[tilespmem:$0x1F700] =	vst v63  }
0x300: {  	s5 =	sadd.s32 @!p0 $0x1C0, s17;
	_ =	swait.ge @!p1 [sflag:s1], $0x4000  }
0x301: {  	p2 =	slt.s32 @!p0 s5, s10;
	[sflag:s1] =	ssyncset.done @!p1 $0x0  }
0x302: {  	p2 =	por !p2, p0;
	[sflag:s1] =	ssyncadd.s32 @!p1 $0xFFFFC000  }
0x303: {  	s5 =	smov.u32 @p2 s10;
	_ =	swait.ge @!p1 [sflag:s1], $0x3000  }
0x304: {  	s5 =	sadd.s32 @!p0 s9, s5;
	[sflag:s1] =	ssyncset.done @!p1 $0x0  }
0x305: {  	[sflag:s1] =	ssyncadd.s32 @!p1 $0xFFFFD000;
	s1 =	sshll.u32 @!p0 s5, $0x4  }
0x306: {  	s11 =	simm.s32 @!p0 $0x0;
	s12 =	simm.s32 @!p0 $0x15000;
	s1 =	sadd.s32 @!p0 s0, s1  }
0x307: {  	[tilespmem:s12], [sflag:$0x4] =	stream.linear.gather @!p0 [hbm4b:s1+s11], $0x7000, $0x38;
	[tilespmem:$0x1F700] =	vst v63  }
.Ltmp16:
0x308: {  	s1 =	sshrl.u32 @!p0 s5, $0x3;
	(pc) =	sbr.rel .LBB2_27-.Ltmp16, $4  }
0x309: {  	s5 =	simm.s32 @!p0 $0x1C300;
	s1 =	sadd.s32 @!p0 s2, s1  }
0x30a: {  	[tilespmem:s5], [sflag:$0x4] =	stream.linear.gather @!p0 [hbm4b:s1+s11], $0x80, $0x38;
	[tilespmem:$0x1F700] =	vst v63  }
0x30b: {  	s1 =	sadd.s32 @!p0 $0x10, s1;
	s5 =	simm.s32 @!p0 $0x1C380  }
0x30c: {  	[tilespmem:s5], [sflag:$0x4] =	stream.linear.gather @!p0 [hbm4b:s1+s11], $0x60, $0x38;
	[tilespmem:$0x1F700] =	vst v63  }
.LBB2_22:
0x30d: {  	_ =	swait.ge [sflag:s18], $0x7000  }
0x30e: {  	[sflag:s18] =	ssyncset.done $0x0  }
0x30f: {  	[sflag:s18] =	ssyncadd.s32 $0xFFFF9000  }
0x310: {  	_ =	swait.ge [sflag:s18], $0x80  }
0x311: {  	[sflag:s18] =	ssyncset.done $0x0  }
0x312: {  	[sflag:s18] =	ssyncadd.s32 $0xFFFFFF80  }
0x313: {  	_ =	swait.ge [sflag:s18], $0x60  }
0x314: {  	[sflag:s18] =	ssyncset.done $0x0  }
0x315: {  	s1 =	simm.s32 @!p0 $0xC;
	[sflag:s18] =	ssyncadd.s32 $0xFFFFFFA0  }
0x316: {  	_ =	swait.ge @!p0 [sflag:s1], $0xE0  }
0x317: {  	[sflag:s1] =	ssyncset.done @!p0 $0x0  }
0x318: {  	s20 =	simm.s32 $0x15040;
	[sflag:s1] =	ssyncadd.s32 @!p0 $0xFFFFFF20  }
0x319: {  	v45 =	vld [tilespmem:s20+$0xFFFFFFC0]  }
0x31a: {  	v46 =	vld [tilespmem:s20+$0xFFFFFFD0];
	_ =	sdelay $0x1  }
0x31b: {  	v27 =	vld [tilespmem:s20+$0xFFFFFFE0];
	_ =	sdelay $0x1  }
0x31c: {  	v32 =	vld [tilespmem:s20+$0xFFFFFFF0]  }
0x31d: {  	v15 =	vmul.f32 v45, v6;
	v16 =	vmul.f32 v46, v7  }
0x31e: {  	v34 =	vld [tilespmem:s20+$0x0]  }
0x31f: {  	v15 =	vadd.f32 v16, v15;
	v16 =	vmul.f32 v27, v8  }
0x320: {  	v38 =	vld [tilespmem:s20+$0x10]  }
0x321: {  	v15 =	vadd.f32 v16, v15;
	v16 =	vmul.f32 v32, v9  }
0x322: {  	v41 =	vld [tilespmem:s20+$0x20]  }
0x323: {  	v15 =	vadd.f32 v16, v15;
	v16 =	vmul.f32 v34, v10  }
0x324: {  	v44 =	vld [tilespmem:s20+$0x30]  }
0x325: {  	v15 =	vadd.f32 v16, v15;
	v16 =	vmul.f32 v38, v11;
	_ =	sdelay $0x1  }
0x326: {  	v15 =	vadd.f32 v16, v15;
	v16 =	vmul.f32 v41, v12;
	_ =	sdelay $0x1  }
0x327: {  	v15 =	vadd.f32 v16, v15;
	v16 =	vmul.f32 v44, v13;
	_ =	sdelay $0x1  }
0x328: {  	s1 =	simm.s32 $0x150C0;
	v15 =	vadd.f32 v16, v15  }
0x329: {  	v19 =	vld [tilespmem:s1+$0xFFFFFFC0]  }
0x32a: {  	v17 =	vld [tilespmem:s1+$0xFFFFFFD0];
	v16 =	vperm.xlane v15, v0;
	_ =	sdelay $0x1  }
0x32b: {  	v24 =	vld [tilespmem:s1+$0xFFFFFFE0];
	v16 =	vadd.f32 v15, v16;
	_ =	sdelay $0x1  }
0x32c: {  	v21 =	vld [tilespmem:s1+$0xFFFFFFF0];
	v18 =	vperm.xlane v16, v1  }
0x32d: {  	v20 =	vmul.f32 v19, v6;
	v22 =	vmul.f32 v17, v7  }
0x32e: {  	v15 =	vld [tilespmem:s1+$0x0];
	v16 =	vadd.f32 v16, v18  }
0x32f: {  	v20 =	vadd.f32 v22, v20;
	v22 =	vmul.f32 v24, v8  }
0x330: {  	v18 =	vld [tilespmem:s1+$0x10];
	v23 =	vperm.xlane v16, v2  }
0x331: {  	v20 =	vadd.f32 v22, v20;
	v22 =	vmul.f32 v21, v9  }
0x332: {  	v26 =	vld [tilespmem:s1+$0x20];
	v23 =	vadd.f32 v16, v23  }
0x333: {  	v20 =	vadd.f32 v22, v20;
	v22 =	vmul.f32 v15, v10  }
0x334: {  	v36 =	vld [tilespmem:s1+$0x30];
	v25 =	vperm.xlane v23, v3  }
0x335: {  	v20 =	vadd.f32 v22, v20;
	v28 =	vmul.f32 v18, v11  }
0x336: {  	v23 =	vadd.f32 v23, v25  }
0x337: {  	s11 =	simm.s32 $0x15140;
	v25 =	vadd.f32 v28, v20;
	v28 =	vmul.f32 v26, v12  }
0x338: {  	v22 =	vld [tilespmem:s11+$0xFFFFFFD0];
	v23 =	vadd.f32 v23, v14  }
0x339: {  	v29 =	vmul.f32 v36, v13;
	v16 =	vld [tilespmem:s11+$0xFFFFFFC0];
	v28 =	vadd.f32 v28, v25  }
0x33a: {  	v33 =	vsub.f32 $0.0e+00, v23  }
0x33b: {  	v20 =	vld [tilespmem:s11+$0xFFFFFFE0];
	v29 =	vadd.f32 v29, v28  }
0x33c: {  	v33 =	vmul.f32 $1.442695020e+00, v33  }
0x33d: {  	v31 =	vmul.f32 v22, v7;
	v25 =	vld [tilespmem:s11+$0xFFFFFFF0];
	v35 =	vperm.xlane v29, v0  }
0x33e: {  	v30 =	vmul.f32 v16, v6;
	(erf) = vpow2.f32 v33  }
0x33f: {  	v23 =	vld [tilespmem:s11+$0x0];
	v53 =	vadd.f32 v29, v35  }
0x340: {  	v30 =	vadd.f32 v31, v30;
	v31 =	vmul.f32 v20, v8  }
0x341: {  	v28 =	vld [tilespmem:s11+$0x10];
	v35 =	vperm.xlane v53, v1  }
0x342: {  	v30 =	vadd.f32 v31, v30;
	v31 =	vmul.f32 v25, v9  }
0x343: {  	v29 =	vld [tilespmem:s11+$0x20];
	v33 =	vadd.f32 v53, v35  }
0x344: {  	v30 =	vadd.f32 v31, v30;
	v31 =	vmul.f32 v23, v10  }
0x345: {  	v40 =	vld [tilespmem:s11+$0x30];
	v39 =	vperm.xlane v33, v2  }
0x346: {  	v30 =	vadd.f32 v31, v30;
	v31 =	vmul.f32 v28, v11  }
0x347: {  	v33 =	vadd.f32 v33, v39;
	v42 =	vpop (erf)  }
0x348: {  	s5 =	simm.s32 $0x151C0;
	v54 =	vadd.f32 v31, v30;
	v37 =	vmul.f32 v29, v12;
	v56 =	vadd.f32 $1.000000000e+00, v42  }
0x349: {  	v31 =	vld [tilespmem:s5+$0xFFFFFFC0];
	v43 =	vperm.xlane v33, v3  }
0x34a: {  	v55 =	vmul.f32 v40, v13;
	v30 =	vld [tilespmem:s5+$0xFFFFFFD0];
	v35 =	vadd.f32 v37, v54;
	(erf) = vrcp.f32 v56  }
0x34b: {  	v43 =	vadd.f32 v33, v43  }
0x34c: {  	v39 =	vld [tilespmem:s5+$0xFFFFFFE0];
	v35 =	vadd.f32 v55, v35  }
0x34d: {  	v43 =	vadd.f32 v43, v14  }
0x34e: {  	v42 =	vld [tilespmem:s5+$0xFFFFFFF0];
	v47 =	vperm.xlane v35, v0  }
0x34f: {  	v57 =	vmul.f32 v31, v6;
	v48 =	vmul.f32 v30, v7;
	v43 =	vsub.f32 $0.0e+00, v43  }
0x350: {  	v33 =	vld [tilespmem:s5+$0x0];
	v47 =	vadd.f32 v35, v47  }
0x351: {  	v37 =	vadd.f32 v48, v57;
	v58 =	vmul.f32 v39, v8;
	v60 =	vmul.f32 $1.442695020e+00, v43  }
0x352: {  	v35 =	vld [tilespmem:s5+$0x10];
	v49 =	vperm.xlane v47, v1  }
0x353: {  	v48 =	vadd.f32 v58, v37;
	v50 =	vmul.f32 v42, v9;
	v52 =	vpop (erf);
	(erf) = vpow2.f32 v60  }
0x354: {  	v37 =	vld [tilespmem:s5+$0x20];
	v47 =	vadd.f32 v47, v49  }
0x355: {  	v48 =	vadd.f32 v50, v48;
	v59 =	vmul.f32 v33, v10  }
0x356: {  	v43 =	vld [tilespmem:s5+$0x30];
	v51 =	vperm.xlane v47, v2  }
0x357: {  	p6 =	slt.u32 s19, s17;
	v61 =	vmul.f32 v35, v11;
	v48 =	vadd.f32 v59, v48  }
0x358: {  	v50 =	vadd.f32 v47, v51;
	v51 =	vpsel p6, $0x0, v52  }
0x359: {  	s23 =	simm.s32 $0x15240;
	s12 =	simm.s32 $0x0;
	v63 =	vmul.f32 v37, v12;
	v62 =	vadd.f32 v61, v48;
	v55 =	vmul.f32 v51, v44  }
0x35a: {  	s24 =	simm.s32 $0x0;
	s29 =	simm.s32 $0x40;
	s28 =	simm.s32 $0x80;
	[tilespmem:s12+$0x1C800] =	vst v52;
	v44 =	vld [tilespmem:s23+$0xFFFFFFC0];
	v54 =	vperm.xlane v50, v3;
	v52 =	vmul.f32 v51, v45  }
0x35b: {  	s26 =	simm.s32 $0xC0;
	s25 =	simm.s32 $0x100;
	s21 =	simm.s32 $0x140;
	v45 =	vld [tilespmem:s23+$0xFFFFFFD0];
	v48 =	vadd.f32 v63, v62;
	v49 =	vmul.f32 v43, v13;
	v53 =	vmul.f32 v51, v46;
	[tilespmem:s20+$0x30] =	vst v55  }
.LBB2_23:
0x35c: {  	p0 =	sne.s32 s21, $0x37C0;
	v46 =	vadd.f32 v50, v54;
	v47 =	vpop (erf);
	[tilespmem:s20+$0xFFFFFFC0] =	vst v52;
	v50 =	vmul.f32 v51, v27;
	v54 =	vmul.f32 v51, v32  }
0x35d: {  	v34 =	vmul.f32 v51, v34;
	v27 =	vmovc v24;
	v52 =	vld [tilespmem:s23+$0xFFFFFFE0];
	v48 =	vadd.f32 v49, v48;
	v47 =	vadd.f32 $1.000000000e+00, v47;
	[tilespmem:s20+$0xFFFFFFD0] =	vst v53  }
0x35e: {  	v38 =	vmul.f32 v51, v38;
	v41 =	vmul.f32 v51, v41;
	v46 =	vadd.f32 v46, v14;
	[tilespmem:s20+$0xFFFFFFE0] =	vst v50  }
0x35f: {  	v24 =	vmovc v20;
	v20 =	vmovc v39;
	v32 =	vmov v21;
	v49 =	vld [tilespmem:s23+$0xFFFFFFF0];
	v50 =	vperm.xlane v48, v0;
	(erf) = vrcp.f32 v47;
	[tilespmem:s20+$0xFFFFFFF0] =	vst v54  }
0x360: {  	v21 =	vmovc v25;
	v51 =	vmul.f32 v44, v6;
	v47 =	vmul.f32 v45, v7;
	v46 =	vsub.f32 $0.0e+00, v46;
	[tilespmem:s20+$0x0] =	vst v34  }
0x361: {  	v25 =	vmovc v42;
	v34 =	vmovc v15;
	v15 =	vmov v23;
	v23 =	vmov v33;
	v48 =	vadd.f32 v48, v50;
	[tilespmem:s20+$0x10] =	vst v38;
	v33 =	vld [tilespmem:s23+$0x0]  }
0x362: {  	v53 =	vadd.f32 v47, v51;
	v47 =	vmul.f32 v52, v8;
	v46 =	vmul.f32 $1.442695020e+00, v46;
	[tilespmem:s20+$0x20] =	vst v41;
	v39 =	vmovc v52;
	s20 =	smov.u32 s1;
	s1 =	smov.u32 s11;
	s11 =	smov.u32 s5  }
0x363: {  	v38 =	vmovc v18;
	v18 =	vmovc v28;
	v28 =	vmov v35;
	v41 =	vmov v26;
	s5 =	smov.u32 s23;
	v50 =	vperm.xlane v48, v1;
	v35 =	vld [tilespmem:s23+$0x10]  }
0x364: {  	v26 =	vmovc v29;
	v47 =	vadd.f32 v47, v53;
	v51 =	vmul.f32 v49, v9;
	(erf) = vpow2.f32 v46;
	v42 =	vmovc v49  }
0x365: {  	v29 =	vmovc v37;
	v49 =	vmovc v16;
	v16 =	vmov v31;
	v46 =	vadd.f32 v48, v50;
	v37 =	vld [tilespmem:s23+$0x20];
	v48 =	vmov v43  }
0x366: {  	v31 =	vmovc v44;
	v47 =	vadd.f32 v51, v47;
	v50 =	vmul.f32 v33, v10;
	v53 =	vmovc v17;
	v17 =	vmov v22  }
0x367: {  	s19 =	sadd.s32 $0x1, s19;
	v22 =	vmov v30;
	v30 =	vmov v45;
	v43 =	vld [tilespmem:s23+$0x30];
	v44 =	vperm.xlane v46, v2  }
.Ltmp17:
0x368: {  	p1 =	slt.u32 s19, s17;
	v45 =	vadd.f32 v50, v47;
	v47 =	vmul.f32 v35, v11;
	v52 =	vpop (erf);
	(pc) =	sbr.rel @p0 .LBB2_23-.Ltmp17, $4  }
0x369: {  	v50 =	vadd.f32 v46, v44;
	v51 =	vpsel p1, $0x0, v52  }
0x36a: {  	s12 =	sshra.s32 s29, $0x2;
	s29 =	smov.u32 s28;
	s23 =	sadd.s32 $0x80, s23;
	v46 =	vadd.f32 v47, v45;
	v47 =	vmul.f32 v37, v12;
	v55 =	vmul.f32 v51, v36;
	v36 =	vmovc v40  }
0x36b: {  	s28 =	smov.u32 s26;
	s26 =	smov.u32 s25;
	s25 =	smov.u32 s21;
	v40 =	vmovc v48;
	v44 =	vld [tilespmem:s23+$0xFFFFFFC0];
	v54 =	vperm.xlane v50, v3;
	[tilespmem:s12+$0x1C800] =	vst v52;
	v52 =	vmul.f32 v51, v19;
	v19 =	vmov v49  }
0x36c: {  	s21 =	sadd.s32 $0x40, s21;
	v53 =	vmul.f32 v51, v53;
	v45 =	vld [tilespmem:s23+$0xFFFFFFD0];
	v48 =	vadd.f32 v47, v46;
	v49 =	vmul.f32 v43, v13;
	[tilespmem:s20+$0x30] =	vst v55  }
0x36d: {  	_ = 	snop  }
0x36e: {  	v46 =	vld [tilespmem:s23+$0xFFFFFFE0];
	_ =	sdelay $0x1  }
0x36f: {  	v47 =	vld [tilespmem:s23+$0xFFFFFFF0]  }
0x370: {  	v55 =	vmul.f32 v44, v6;
	v56 =	vmul.f32 v45, v7  }
0x371: {  	v57 =	vadd.f32 v49, v48;
	v48 =	vld [tilespmem:s23+$0x0]  }
0x372: {  	v61 =	vmul.f32 v46, v8;
	v55 =	vadd.f32 v56, v55  }
0x373: {  	v49 =	vld [tilespmem:s23+$0x10];
	v58 =	vperm.xlane v57, v0  }
0x374: {  	v54 =	vadd.f32 v50, v54;
	v62 =	vmul.f32 v47, v9;
	v55 =	vadd.f32 v61, v55  }
0x375: {  	v50 =	vld [tilespmem:s23+$0x20];
	v57 =	vadd.f32 v57, v58  }
0x376: {  	v54 =	vadd.f32 v54, v14;
	v56 =	vmul.f32 v48, v10;
	v55 =	vadd.f32 v62, v55  }
0x377: {  	v59 =	vld [tilespmem:s23+$0x30];
	v58 =	vperm.xlane v57, v1  }
0x378: {  	v60 =	vpop (erf);
	v54 =	vsub.f32 $0.0e+00, v54;
	v63 =	vmul.f32 v49, v11;
	v55 =	vadd.f32 v56, v55  }
0x379: {  	v60 =	vadd.f32 $1.000000000e+00, v60;
	v57 =	vadd.f32 v57, v58  }
0x37a: {  	v54 =	vmul.f32 $1.442695020e+00, v54;
	v61 =	vmul.f32 v50, v12;
	v55 =	vadd.f32 v63, v55  }
0x37b: {  	(erf) = vrcp.f32 v60;
	v62 =	vperm.xlane v57, v2  }
0x37c: {  	v60 =	vmul.f32 v59, v13;
	(erf) = vpow2.f32 v54;
	v63 =	vadd.f32 v61, v55  }
0x37d: {  	v61 =	vadd.f32 v57, v62  }
0x37e: {  	v54 =	vadd.f32 v60, v63  }
0x37f: {  	v62 =	vperm.xlane v61, v3  }
0x380: {  	v63 =	vperm.xlane v54, v0  }
0x381: {  	v55 =	vadd.f32 v61, v62  }
0x382: {  	v54 =	vadd.f32 v54, v63  }
0x383: {  	v55 =	vadd.f32 v55, v14  }
0x384: {  	v56 =	vpop (erf);
	v57 =	vperm.xlane v54, v1  }
0x385: {  	v60 =	vpop (erf);
	v55 =	vsub.f32 $0.0e+00, v55  }
0x386: {  	v61 =	vadd.f32 $1.000000000e+00, v60;
	v54 =	vadd.f32 v54, v57  }
0x387: {  	v55 =	vmul.f32 $1.442695020e+00, v55  }
0x388: {  	(erf) = vrcp.f32 v61;
	v62 =	vperm.xlane v54, v2  }
0x389: {  	(erf) = vpow2.f32 v55  }
0x38a: {  	v54 =	vadd.f32 v54, v62;
	_ =	sdelay $0x1  }
0x38b: {  	[tilespmem:s20+$0xFFFFFFC0] =	vst v52;
	v27 =	vmul.f32 v51, v27;
	v63 =	vperm.xlane v54, v3  }
0x38c: {  	v32 =	vmul.f32 v51, v32;
	[tilespmem:s20+$0xFFFFFFD0] =	vst v53  }
0x38d: {  	v34 =	vmul.f32 v51, v34;
	s12 =	sadd.s32 $0x1, s19;
	[tilespmem:s20+$0xFFFFFFE0] =	vst v27;
	v55 =	vadd.f32 v54, v63  }
0x38e: {  	p0 =	slt.u32 s12, s17;
	[tilespmem:s20+$0xFFFFFFF0] =	vst v32;
	v58 =	vmul.f32 v51, v41  }
0x38f: {  	[tilespmem:s20+$0x0] =	vst v34;
	v60 =	vpsel p0, $0x0, v56;
	v27 =	vadd.f32 v55, v14  }
0x390: {  	s29 =	sshra.s32 s29, $0x2;
	[tilespmem:s20+$0x20] =	vst v58;
	v36 =	vmul.f32 v60, v36;
	v61 =	vpop (erf)  }
0x391: {  	[tilespmem:s29+$0x1C800] =	vst v56;
	v19 =	vmul.f32 v60, v19;
	v62 =	vpop (erf);
	v27 =	vsub.f32 $0.0e+00, v27  }
0x392: {  	v17 =	vmul.f32 v60, v17;
	[tilespmem:s1+$0x30] =	vst v36;
	v57 =	vmul.f32 v51, v38;
	v38 =	vadd.f32 $1.000000000e+00, v62  }
0x393: {  	v21 =	vmul.f32 v60, v21;
	[tilespmem:s1+$0xFFFFFFC0] =	vst v19;
	v27 =	vmul.f32 $1.442695020e+00, v27  }
0x394: {  	v15 =	vmul.f32 v60, v15;
	[tilespmem:s1+$0xFFFFFFD0] =	vst v17;
	(erf) = vrcp.f32 v38  }
0x395: {  	v19 =	vmul.f32 v60, v24;
	[tilespmem:s1+$0xFFFFFFF0] =	vst v21;
	(erf) = vpow2.f32 v27  }
0x396: {  	s12 =	sadd.s32 $0x1, s12;
	v17 =	vmul.f32 v60, v18;
	[tilespmem:s1+$0x0] =	vst v15  }
0x397: {  	p4 =	slt.u32 s12, s17;
	v18 =	vmul.f32 v60, v26;
	[tilespmem:s1+$0xFFFFFFE0] =	vst v19  }
0x398: {  	[tilespmem:s1+$0x10] =	vst v17;
	v15 =	vpsel p4, $0x0, v61  }
0x399: {  	[tilespmem:s1+$0x20] =	vst v18;
	v17 =	vmul.f32 v15, v40  }
0x39a: {  	s19 =	sshra.s32 s28, $0x2;
	[tilespmem:s20+$0x10] =	vst v57;
	v18 =	vmul.f32 v15, v22  }
0x39b: {  	[tilespmem:s19+$0x1C800] =	vst v61;
	v16 =	vmul.f32 v15, v16  }
0x39c: {  	[tilespmem:s11+$0x30] =	vst v17  }
0x39d: {  	[tilespmem:s11+$0xFFFFFFC0] =	vst v16;
	v16 =	vmul.f32 v15, v20;
	v17 =	vpop (erf)  }
0x39e: {  	v19 =	vmul.f32 v15, v25;
	[tilespmem:s11+$0xFFFFFFD0] =	vst v18;
	v18 =	vpop (erf)  }
0x39f: {  	v63 =	vmul.f32 v15, v23;
	[tilespmem:s11+$0xFFFFFFE0] =	vst v16;
	v16 =	vadd.f32 $1.000000000e+00, v18  }
0x3a0: {  	s20 =	sadd.s32 $0x1, s12;
	[tilespmem:s11+$0xFFFFFFF0] =	vst v19;
	v18 =	vmul.f32 v15, v28  }
0x3a1: {  	s21 =	sshra.s32 s26, $0x2;
	p5 =	slt.u32 s20, s17;
	[tilespmem:s11+$0x0] =	vst v63;
	v15 =	vmul.f32 v15, v29;
	(erf) = vrcp.f32 v16  }
0x3a2: {  	[tilespmem:s21+$0x1C800] =	vst v17;
	v16 =	vpsel p5, $0x0, v17  }
0x3a3: {  	[tilespmem:s11+$0x20] =	vst v15;
	v15 =	vmul.f32 v16, v43  }
0x3a4: {  	[tilespmem:s11+$0x10] =	vst v18;
	v17 =	vmul.f32 v16, v31  }
0x3a5: {  	v18 =	vmul.f32 v16, v30;
	[tilespmem:s5+$0x30] =	vst v15  }
0x3a6: {  	[tilespmem:s5+$0xFFFFFFC0] =	vst v17;
	v15 =	vmul.f32 v16, v39;
	v17 =	vmul.f32 v16, v42  }
0x3a7: {  	[tilespmem:s5+$0xFFFFFFD0] =	vst v18  }
0x3a8: {  	v18 =	vmul.f32 v16, v33;
	[tilespmem:s5+$0xFFFFFFE0] =	vst v15  }
0x3a9: {  	s1 =	sadd.s32 $0x1, s20;
	v15 =	vmul.f32 v16, v35;
	[tilespmem:s5+$0xFFFFFFF0] =	vst v17  }
0x3aa: {  	p6 =	slt.u32 s1, s17;
	v16 =	vmul.f32 v16, v37;
	[tilespmem:s5+$0x0] =	vst v18;
	v17 =	vpop (erf)  }
0x3ab: {  	[tilespmem:s5+$0x10] =	vst v15;
	v15 =	vpsel p6, $0x0, v17  }
0x3ac: {  	s26 =	sshra.s32 s25, $0x2;
	[tilespmem:s5+$0x20] =	vst v16;
	v16 =	vmul.f32 v15, v59  }
0x3ad: {  	[tilespmem:s26+$0x1C800] =	vst v17;
	v17 =	vmul.f32 v15, v44  }
0x3ae: {  	v18 =	vmul.f32 v15, v45;
	[tilespmem:s23+$0x30] =	vst v16  }
0x3af: {  	[tilespmem:s23+$0xFFFFFFC0] =	vst v17;
	v16 =	vmul.f32 v15, v46  }
0x3b0: {  	v19 =	vmul.f32 v15, v49;
	[tilespmem:s23+$0xFFFFFFD0] =	vst v18  }
0x3b1: {  	v17 =	vmul.f32 v15, v47;
	[tilespmem:s23+$0xFFFFFFE0] =	vst v16;
	v16 =	vor.u32 s24, v5  }
0x3b2: {  	v18 =	vmul.f32 v15, v48;
	[tilespmem:s23+$0x10] =	vst v19  }
0x3b3: {  	v15 =	vmul.f32 v15, v50;
	[tilespmem:s23+$0xFFFFFFF0] =	vst v17  }
0x3b4: {  	[tilespmem:s23+$0x0] =	vst v18  }
0x3b5: {  	[tilespmem:s23+$0x20] =	vst v15  }
0x3b6: {  	s28 =	simm.s32 $0x100;
	v15 =	vld.idx.msk [tilespmem:v16+s31+$0x0], $0xffff  }
0x3b7: {  	v16 =	vor.u32 s28, v5;
	_ =	sdelay $0x2  }
0x3b8: {  	s1 =	simm.s32 $0x1C700  }
0x3b9: {  	[tilespmem:s1+$0x0] =	vst v15  }
0x3ba: {  	s29 =	simm.s32 $0x200;
	v15 =	vld.idx.msk [tilespmem:v16+s31+$0x0], $0xffff  }
0x3bb: {  	s5 =	simm.s32 $0x300;
	v16 =	vor.u32 s29, v5  }
.LBB2_25:
0x3bc: {  	p0 =	sne.s32 s5, $0xD00;
	_ =	sdelay $0x1  }
.Ltmp18:
0x3bd: {  	s1 =	sadd.s32 $0x10, s1;
	(pc) =	sbr.rel @p0 .LBB2_25-.Ltmp18, $3  }
0x3be: {  	[tilespmem:s1+$0x0] =	vst v15  }
0x3bf: {  	v15 =	vld.idx.msk [tilespmem:v16+s31+$0x0], $0xffff;
	_ =	sdelay $0x1  }
0x3c0: {  	v16 =	vor.u32 s5, v5;
	s5 =	sadd.s32 $0x100, s5  }
.Ltmp19:
0x3c1: {  	_ = 	snop;
	(pc) =	sbr.rel .LBB2_26-.Ltmp19, $1  }
0x3c2: {  	_ =	sdelay $0x3  }
.LBB2_29:
0x3c3: {  	_ =	sfence.sel $0x180000  }
0x3c4: {  	[bflag:$0x0] =	sbarrier.arrive $0xFFFF  }
0x3c5: {  	_ =	strace $0x90000047  }
0x3c6: {  	s0 =	stileid.u32;
	[bflag:$0x2] =	sbarrier.arrive $0xFFFF  }
0x3c7: {  	p0 =	sne.s32 s0, $0x0;
	s0 =	rddreg [dreg:$0x7]  }
0x3c8: {  	s0 =	sadd.s32 @!p0 $0x100000, s0  }
0x3c9: {  	[sflag:s0] =	ssyncadd.tile.s32 @!p0 $0x1;
	_ =	shalt  }
.Lfunc_end2:
_tile_overlayer_lowered:
.L_overlay_start_2:
0x3ca: {  	(tag) =	ssettag $0x2  }
0x3cb: {  	s0 =	rddreg [dreg:$0x0];
	s2 =	stileid.u32  }
0x3cc: {  	s1 =	rddreg [dreg:$0x1];
	p0 =	sne.s32 s2, $0x0  }
0x3cd: {  	s3 =	rddreg [dreg:$0x2];
	[bflag:$0x3] =	sbarrier.arrive $0xFFFF;
	s2 =	simm.s32 @!p0 $0x1C0D  }
0x3ce: {  	[timem:s3], [sflag:s2] =	dma.local @!p0 [hbm:s0], s1  }
0x3cf: {  	s0 =	simm.s32 @!p0 $0xD  }
0x3d0: {  	_ =	swait.ge @!p0 [sflag:s0], s1  }
0x3d1: {  	s1 =	ssub.s32 @!p0 $0x0, s1;
	[sflag:s0] =	ssyncset.done @!p0 $0x0  }
0x3d2: {  	[sflag:s0] =	ssyncadd.s32 @!p0 s1  }
0x3d3: {  	[bflag:$0x3] =	sbarrier.arrive $0xFFFF  }
0x3d4: {  	_ =	shalt  }

</sc_bundles>
